<compile_context>
chip_gen: v7x
topology: tpu7x:2x2x1
jax: 0.10.2.dev20260603
libtpu: 0.0.44.dev20260713+nightly
codegen_flags: <defaults>
</compile_context>

<pallas_src>
import jax
import jax.numpy as jnp
from jax import lax
from jax.experimental import pallas as pl
from jax.experimental.pallas import tpu as pltpu
from jax.experimental.pallas import tpu_sc as plsc

N_NODES = 10000
N_EDGES = 160000
IN_DIM = 256
HID_DIM = 256
OUT_DIM = 128
HALF = 128

NC = 2
NT = 16
NPASS = 2
NQ = NC * NPASS
QCOL = HID_DIM // NQ
CHUNK = 256
ZC = 128
EPT = N_EDGES // NT
NCHUNK = -(-EPT // CHUNK)
PAD_E = NCHUNK * CHUNK - EPT
NROWS = 10112
NTRASH = NROWS - N_NODES
RPT = NROWS // NT
ZCHUNKS = RPT // ZC
ZTAIL = RPT - ZCHUNKS * ZC
NROWS_D = 10240
RPT_D = NROWS_D // NT
CHUNK_D = 128
NCHUNK_D = NCHUNK * CHUNK // CHUNK_D

R = 1000
NB = N_NODES // R

_MESH = plsc.VectorSubcoreMesh(core_axis_name="c", subcore_axis_name="s")



def _sc_deg_body(dstb, consts, deg_out, dst_v, zv, ov, deg_sh):
    c = lax.axis_index("c")
    s = lax.axis_index("s")
    base = s * RPT_D

    pltpu.sync_copy(dstb.at[s, pl.ds(c * (NCHUNK_D // 2), NCHUNK_D // 2)],
                    dst_v)
    pltpu.sync_copy(consts.at[0, pl.ds(0, ZC)], zv)
    pltpu.sync_copy(consts.at[1, pl.ds(0, CHUNK_D)], ov)
    for j in range(RPT_D // ZC):
        pltpu.sync_copy(zv, deg_sh.at[pl.ds(base + j * ZC, ZC)])

    plsc.subcore_barrier()

    def body(j, carry):
        pltpu.sync_copy(ov, deg_sh.at[dst_v.at[j]], add=True)
        return carry
    lax.fori_loop(0, NCHUNK_D // 2, body, 0)

    plsc.subcore_barrier()

    pltpu.sync_copy(deg_sh.at[pl.ds(base, RPT_D)],
                    deg_out.at[c, pl.ds(base, RPT_D)])


_sc_deg = pl.kernel(
    _sc_deg_body,
    out_type=jax.ShapeDtypeStruct((NC, NROWS_D), jnp.float32),
    mesh=_MESH,
    scratch_types=[
        pltpu.VMEM((NCHUNK_D // 2, CHUNK_D), jnp.int32),
        pltpu.VMEM((ZC,), jnp.float32),
        pltpu.VMEM((CHUNK_D,), jnp.float32),
        pltpu.VMEM_SHARED((NROWS_D,), jnp.float32),
    ],
)



def _sc_edge_body(ytab, srcb4, dstb, zrows, acc_out, src_v, dst_v, g0, g1,
                  zbuf, slab_sh, sem0, sem1):
    c = lax.axis_index("c")
    s = lax.axis_index("s")
    base = s * RPT

    pltpu.sync_copy(dstb.at[s], dst_v)
    pltpu.sync_copy(zrows, zbuf)

    for p in range(NPASS):
        pltpu.sync_copy(srcb4.at[c, p, s], src_v)
        for j in range(ZCHUNKS):
            pltpu.sync_copy(zbuf, slab_sh.at[pl.ds(base + j * ZC, ZC)])
        pltpu.sync_copy(zbuf.at[pl.ds(0, ZTAIL)],
                        slab_sh.at[pl.ds(base + ZCHUNKS * ZC, ZTAIL)])

        plsc.subcore_barrier()

        pltpu.async_copy(ytab.at[src_v.at[0]], g0, sem0)

        def body(i, carry):
            j = 2 * i
            pltpu.async_copy(ytab.at[src_v.at[j + 1]], g1, sem1)
            pltpu.make_async_copy(ytab.at[src_v.at[j]], g0, sem0).wait()
            pltpu.sync_copy(g0, slab_sh.at[dst_v.at[j]], add=True)
            pltpu.async_copy(ytab.at[src_v.at[j + 2]], g0, sem0)
            pltpu.make_async_copy(ytab.at[src_v.at[j + 1]], g1, sem1).wait()
            pltpu.sync_copy(g1, slab_sh.at[dst_v.at[j + 1]], add=True)
            return carry
        lax.fori_loop(0, (NCHUNK - 1) // 2, body, 0)

        if NCHUNK % 2 == 0:
            pltpu.async_copy(ytab.at[src_v.at[NCHUNK - 1]], g1, sem1)
            pltpu.make_async_copy(ytab.at[src_v.at[NCHUNK - 2]], g0,
                                  sem0).wait()
            pltpu.sync_copy(g0, slab_sh.at[dst_v.at[NCHUNK - 2]], add=True)
            pltpu.make_async_copy(ytab.at[src_v.at[NCHUNK - 1]], g1,
                                  sem1).wait()
            pltpu.sync_copy(g1, slab_sh.at[dst_v.at[NCHUNK - 1]], add=True)
        else:
            pltpu.make_async_copy(ytab.at[src_v.at[NCHUNK - 1]], g0,
                                  sem0).wait()
            pltpu.sync_copy(g0, slab_sh.at[dst_v.at[NCHUNK - 1]], add=True)

        plsc.subcore_barrier()

        pltpu.sync_copy(
            slab_sh.at[pl.ds(base, RPT)],
            acc_out.at[p, pl.ds(base, RPT), pl.ds(c * QCOL, QCOL)])


_sc_edge = pl.kernel(
    _sc_edge_body,
    out_type=jax.ShapeDtypeStruct((NPASS, NROWS, HALF), jnp.float32),
    mesh=_MESH,
    scratch_types=[
        pltpu.VMEM((NCHUNK, CHUNK), jnp.int32),
        pltpu.VMEM((NCHUNK, CHUNK), jnp.int32),
        pltpu.VMEM((CHUNK, QCOL), jnp.float32),
        pltpu.VMEM((CHUNK, QCOL), jnp.float32),
        pltpu.VMEM((ZC, QCOL), jnp.float32),
        pltpu.VMEM_SHARED((NROWS, QCOL), jnp.float32),
        pltpu.SemaphoreType.DMA,
        pltpu.SemaphoreType.DMA,
    ],
    compiler_params=pltpu.CompilerParams(use_tc_tiling_on_sc=False),
)



def _dot(a, b):
    return jax.lax.dot_general(a, b, (((1,), (0,)), ((), ())),
                               precision=lax.Precision.DEFAULT,
                               preferred_element_type=jnp.float32)


def _tc1_body(x_ref, w1_ref, deg_ref, y_ref):
    dinv = jnp.transpose(1.0 / jnp.sqrt(deg_ref[0] + 1.0), (1, 0))
    o = _dot(x_ref[...], w1_ref[...])
    y_ref[0] = o[:, :HALF] * dinv
    y_ref[1] = o[:, HALF:] * dinv


_tc1 = pl.pallas_call(
    _tc1_body,
    grid=(NB,),
    in_specs=[
        pl.BlockSpec((R, IN_DIM), lambda i: (i, 0)),
        pl.BlockSpec((IN_DIM, HID_DIM), lambda i: (0, 0)),
        pl.BlockSpec((1, 1, R), lambda i: (i, 0, 0)),
    ],
    out_specs=pl.BlockSpec((NPASS, R, HALF), lambda i: (0, i, 0)),
    out_shape=jax.ShapeDtypeStruct((NPASS, N_NODES, HALF), jnp.float32),
)


def _tc2_body(acc_ref, y1_ref, deg_ref, b1_ref, w2_ref, y2_ref):
    dinv = jnp.transpose(1.0 / jnp.sqrt(deg_ref[0] + 1.0), (1, 0))
    h0 = jnp.maximum((acc_ref[0] + y1_ref[0]) * dinv + b1_ref[0], 0.0)
    h1 = jnp.maximum((acc_ref[1] + y1_ref[1]) * dinv + b1_ref[1], 0.0)
    o = _dot(h0, w2_ref[:HALF, :]) + _dot(h1, w2_ref[HALF:, :])
    y2_ref[0] = o[:, :HALF] * dinv
    y2_ref[1] = o[:, HALF:] * dinv


_tc2 = pl.pallas_call(
    _tc2_body,
    grid=(NB,),
    in_specs=[
        pl.BlockSpec((NPASS, R, HALF), lambda i: (0, i, 0)),
        pl.BlockSpec((NPASS, R, HALF), lambda i: (0, i, 0)),
        pl.BlockSpec((1, 1, R), lambda i: (i, 0, 0)),
        pl.BlockSpec((NPASS, 1, HALF), lambda i: (0, 0, 0)),
        pl.BlockSpec((HID_DIM, HID_DIM), lambda i: (0, 0)),
    ],
    out_specs=pl.BlockSpec((NPASS, R, HALF), lambda i: (0, i, 0)),
    out_shape=jax.ShapeDtypeStruct((NPASS, N_NODES, HALF), jnp.float32),
)


def _tc3_body(acc_ref, y2_ref, deg_ref, b2_ref, wfc_ref, bfc_ref, out_ref,
              g_ref):
    i = pl.program_id(0)
    dinv = jnp.transpose(1.0 / jnp.sqrt(deg_ref[0] + 1.0), (1, 0))
    h0 = jnp.maximum((acc_ref[0] + y2_ref[0]) * dinv + b2_ref[0], 0.0)
    h1 = jnp.maximum((acc_ref[1] + y2_ref[1]) * dinv + b2_ref[1], 0.0)
    bm = jnp.max(jnp.concatenate([h0, h1], axis=1), axis=0,
                 keepdims=True)

    @pl.when(i == 0)
    def _init():
        g_ref[...] = jnp.broadcast_to(bm, g_ref.shape)

    @pl.when(i > 0)
    def _acc():
        g_ref[...] = jnp.maximum(g_ref[...], bm)

    @pl.when(i == pl.num_programs(0) - 1)
    def _fin():
        g = jnp.max(g_ref[...], axis=0, keepdims=True)
        out_ref[...] = _dot(g, wfc_ref[...]) + bfc_ref[...]


_tc3 = pl.pallas_call(
    _tc3_body,
    grid=(NB,),
    in_specs=[
        pl.BlockSpec((NPASS, R, HALF), lambda i: (0, i, 0)),
        pl.BlockSpec((NPASS, R, HALF), lambda i: (0, i, 0)),
        pl.BlockSpec((1, 1, R), lambda i: (i, 0, 0)),
        pl.BlockSpec((NPASS, 1, HALF), lambda i: (0, 0, 0)),
        pl.BlockSpec((HID_DIM, OUT_DIM), lambda i: (0, 0)),
        pl.BlockSpec((1, OUT_DIM), lambda i: (0, 0)),
    ],
    out_specs=pl.BlockSpec((1, OUT_DIM), lambda i: (0, 0)),
    out_shape=jax.ShapeDtypeStruct((1, OUT_DIM), jnp.float32),
    scratch_shapes=[
        pltpu.VMEM((8, HID_DIM), jnp.float32),
    ],
)


def kernel(x, edge_index, W1, b1, W2, b2, Wfc, bfc):
    src = edge_index[0].astype(jnp.int32)
    dst = edge_index[1].astype(jnp.int32)

    pad_src = (jnp.arange(PAD_E, dtype=jnp.int32) * 89) % N_NODES
    pad_dst = N_NODES + jnp.arange(PAD_E, dtype=jnp.int32) % NTRASH
    srcp = jnp.concatenate(
        [src.reshape(NT, EPT), jnp.tile(pad_src[None], (NT, 1))],
        axis=1).reshape(NT, NCHUNK, CHUNK)
    dstb = jnp.concatenate(
        [dst.reshape(NT, EPT), jnp.tile(pad_dst[None], (NT, 1))],
        axis=1).reshape(NT, NCHUNK, CHUNK)
    srcb4 = jnp.stack(
        [jnp.stack([2 * (p * N_NODES + srcp) + c for p in range(NPASS)])
         for c in range(NC)])

    consts = jnp.stack([jnp.zeros((CHUNK,), jnp.float32),
                        jnp.ones((CHUNK,), jnp.float32)])
    zrows = jnp.zeros((ZC, QCOL), jnp.float32)

    degp = _sc_deg(dstb.reshape(NT, NCHUNK_D, CHUNK_D), consts)
    deg = degp[0] + degp[1]
    deg4 = deg[:N_NODES].reshape(NB, 1, R)

    y1 = _tc1(x, W1, deg4)
    acc1 = _sc_edge(y1.reshape(NPASS * N_NODES * 2, QCOL), srcb4, dstb, zrows)
    y2 = _tc2(acc1, y1, deg4, b1.reshape(NPASS, 1, HALF), W2)
    acc2 = _sc_edge(y2.reshape(NPASS * N_NODES * 2, QCOL), srcb4, dstb, zrows)
    out = _tc3(acc2, y2, deg4, b2.reshape(NPASS, 1, HALF), Wfc,
               bfc.reshape(1, OUT_DIM))
    return out.reshape(OUT_DIM)

# --- scband reference (transcript-rebuilt; emitter-appended) ---
"""Pipeline reference for scband-gnnmodel-20126216749994 (READ-ONLY COPY).

The authoritative reference and input builder live on the scoring server;
editing this copy changes nothing except your own understanding.
"""

import jax, jax.numpy as jnp
import numpy as np

N_NODES = 10000
N_EDGES = 160000
IN_DIM = 256
HID_DIM = 256
OUT_DIM = 128


def gcn_conv(x, edge_index, W, b, num_nodes):
    # Linear transform (PyG GCNConv: lin then propagate)
    x = x @ W
    src = edge_index[0]
    dst = edge_index[1]
    # add self-loops
    loop = jnp.arange(num_nodes, dtype=edge_index.dtype)
    src = jnp.concatenate([src, loop])
    dst = jnp.concatenate([dst, loop])
    # symmetric normalization deg^{-1/2} A_hat deg^{-1/2}
    deg = jnp.zeros((num_nodes,), dtype=x.dtype).at[dst].add(1.0)
    deg_inv_sqrt = jnp.where(deg > 0, 1.0 / jnp.sqrt(deg), 0.0)
    norm = deg_inv_sqrt[src] * deg_inv_sqrt[dst]
    msg = x[src] * norm[:, None]
    out = jax.ops.segment_sum(msg, dst, num_segments=num_nodes)
    return out + b


def setup_inputs(seed: int = 0) -> dict:
    key = jax.random.key(seed)
    ks = jax.random.split(key, 8)
    x = jax.random.normal(ks[0], (N_NODES, IN_DIM), dtype=jnp.float32)
    edge_index = jax.random.randint(ks[1], (2, N_EDGES), 0, N_NODES, dtype=jnp.int64) if jax.config.jax_enable_x64 else jax.random.randint(ks[1], (2, N_EDGES), 0, N_NODES).astype(jnp.int32)
    W1 = jax.random.normal(ks[2], (IN_DIM, HID_DIM), dtype=jnp.float32) * (1.0 / np.sqrt(IN_DIM))
    b1 = jnp.zeros((HID_DIM,), dtype=jnp.float32)
    W2 = jax.random.normal(ks[3], (HID_DIM, HID_DIM), dtype=jnp.float32) * (1.0 / np.sqrt(HID_DIM))
    b2 = jnp.zeros((HID_DIM,), dtype=jnp.float32)
    Wfc = jax.random.normal(ks[4], (HID_DIM, OUT_DIM), dtype=jnp.float32) * (1.0 / np.sqrt(HID_DIM))
    bfc = jnp.zeros((OUT_DIM,), dtype=jnp.float32)
    return {"x": x, "edge_index": edge_index, "W1": W1, "b1": b1, "W2": W2, "b2": b2, "Wfc": Wfc, "bfc": bfc}


def reference(x, edge_index, W1, b1, W2, b2, Wfc, bfc):
    h = jax.nn.relu(gcn_conv(x, edge_index, W1, b1, N_NODES))
    h = jax.nn.relu(gcn_conv(h, edge_index, W2, b2, N_NODES))
    g = jnp.max(h, axis=0)  # custom_global_max_pool
    out = g @ Wfc + bfc
    return out

if __name__ == "__main__":
    import jax
    _d = setup_inputs()
    print(jax.jit(kernel)(*tuple(_d.values())))

</pallas_src>

<mosaic_0001>
#map = affine_map<(d0, d1) -> (0, 0)>
#map1 = affine_map<(d0, d1) -> (0, 0, 0, 0, 0)>
#map2 = affine_map<(d0, d1) -> (0, 0, 0)>
module attributes {stable_mosaic.version = 14 : i64} {
  func.func @_sc_edge_body(%arg0: i32, %arg1: i32, %arg2: memref<40000x64xf32, #tpu.memory_space<hbm>>, %arg3: memref<2x2x16x40x256xi32, #tpu.memory_space<hbm>>, %arg4: memref<16x40x256xi32, #tpu.memory_space<hbm>>, %arg5: memref<128x64xf32, #tpu.memory_space<hbm>>, %arg6: memref<2x10112x128xf32, #tpu.memory_space<hbm>>, %arg7: memref<40x256xi32, #tpu.memory_space<vmem>>, %arg8: memref<40x256xi32, #tpu.memory_space<vmem>>, %arg9: memref<256x64xf32, #tpu.memory_space<vmem>>, %arg10: memref<256x64xf32, #tpu.memory_space<vmem>>, %arg11: memref<128x64xf32, #tpu.memory_space<vmem>>, %arg12: memref<10112x64xf32, #tpu.memory_space<vmem_shared>>, %arg13: memref<!tpu.dma_semaphore, #tpu.memory_space<semaphore_mem>>, %arg14: memref<!tpu.dma_semaphore, #tpu.memory_space<semaphore_mem>>) attributes {dimension_semantics = [#tpu.dimension_semantics<core_parallel>, #tpu.dimension_semantics<subcore_parallel>], iteration_bounds = array<i64: 2, 16>, scalar_prefetch = 0 : i64, scratch_operands = 8 : i64, tpu.core_type = #tpu.core_type<sc_vector_subcore>, window_params = [{transform_indices = #map}, {transform_indices = #map1}, {transform_indices = #map2}, {transform_indices = #map}, {transform_indices = #map2}]} {
    %mul3A = arith.constant 632 : i32
    %mul3A_0 = arith.muli %arg1, %mul3A : i32
    "tpu.region"() ({
      %run_scoped3A_99 = tpu.sem_alloc : memref<!tpu.dma_semaphore, #tpu.memory_space<semaphore_mem>>
      %dma_start3A_100 = arith.constant 0 : i32
      %dma_start3A_101 = arith.constant 0 : i32
      %dma_start3A_102 = tpu.memref_slice %arg4[%arg1, %dma_start3A_100, %dma_start3A_101] : memref<16x40x256xi32, #tpu.memory_space<hbm>> -> memref<1x40x256xi32, #tpu.memory_space<hbm>>
      %dma_start3A_103 = tpu.memref_squeeze %dma_start3A_102 : memref<1x40x256xi32, #tpu.memory_space<hbm>> -> memref<40x256xi32, #tpu.memory_space<hbm>>
      %dma_start3A_104 = arith.constant 0 : i32
      %dma_start3A_105 = arith.constant 0 : i32
      %dma_start3A_106 = tpu.memref_slice %arg4[%arg1, %dma_start3A_104, %dma_start3A_105] : memref<16x40x256xi32, #tpu.memory_space<hbm>> -> memref<1x40x256xi32, #tpu.memory_space<hbm>>
      %dma_start3A_107 = tpu.memref_squeeze %dma_start3A_106 : memref<1x40x256xi32, #tpu.memory_space<hbm>> -> memref<40x256xi32, #tpu.memory_space<hbm>>
      tpu.enqueue_dma source(%dma_start3A_107 : memref<40x256xi32, #tpu.memory_space<hbm>>) target(%arg8 : memref<40x256xi32, #tpu.memory_space<vmem>>) target_semaphore(%run_scoped3A_99 : memref<!tpu.dma_semaphore, #tpu.memory_space<semaphore_mem>>)
      %dma_wait3A_108 = arith.constant 0 : i32
      %dma_wait3A_109 = arith.constant 0 : i32
      %dma_wait3A_110 = tpu.memref_slice %arg4[%arg1, %dma_wait3A_108, %dma_wait3A_109] : memref<16x40x256xi32, #tpu.memory_space<hbm>> -> memref<1x40x256xi32, #tpu.memory_space<hbm>>
      %dma_wait3A_111 = tpu.memref_squeeze %dma_wait3A_110 : memref<1x40x256xi32, #tpu.memory_space<hbm>> -> memref<40x256xi32, #tpu.memory_space<hbm>>
      %dma_wait3A_112 = arith.constant 0 : i32
      %dma_wait3A_113 = arith.constant 0 : i32
      %dma_wait3A_114 = tpu.memref_slice %arg4[%arg1, %dma_wait3A_112, %dma_wait3A_113] : memref<16x40x256xi32, #tpu.memory_space<hbm>> -> memref<1x40x256xi32, #tpu.memory_space<hbm>>
      %dma_wait3A_115 = tpu.memref_squeeze %dma_wait3A_114 : memref<1x40x256xi32, #tpu.memory_space<hbm>> -> memref<40x256xi32, #tpu.memory_space<hbm>>
      tpu.wait_dma2 semaphore(%run_scoped3A_99 : memref<!tpu.dma_semaphore, #tpu.memory_space<semaphore_mem>>) src(%dma_wait3A_115 : memref<40x256xi32, #tpu.memory_space<hbm>>) dst(%arg8 : memref<40x256xi32, #tpu.memory_space<vmem>>)
      tpu.yield
    }) : () -> ()
    "tpu.region"() ({
      %run_scoped3A_99 = tpu.sem_alloc : memref<!tpu.dma_semaphore, #tpu.memory_space<semaphore_mem>>
      tpu.enqueue_dma source(%arg5 : memref<128x64xf32, #tpu.memory_space<hbm>>) target(%arg11 : memref<128x64xf32, #tpu.memory_space<vmem>>) target_semaphore(%run_scoped3A_99 : memref<!tpu.dma_semaphore, #tpu.memory_space<semaphore_mem>>)
      tpu.wait_dma2 semaphore(%run_scoped3A_99 : memref<!tpu.dma_semaphore, #tpu.memory_space<semaphore_mem>>) src(%arg5 : memref<128x64xf32, #tpu.memory_space<hbm>>) dst(%arg11 : memref<128x64xf32, #tpu.memory_space<vmem>>)
      tpu.yield
    }) : () -> ()
    %run_scoped3A = arith.constant 0 : i32
    "tpu.region"() ({
      %run_scoped3A_99 = tpu.sem_alloc : memref<!tpu.dma_semaphore, #tpu.memory_space<semaphore_mem>>
      %dma_start3A_100 = arith.constant 0 : i32
      %dma_start3A_101 = arith.constant 0 : i32
      %dma_start3A_102 = tpu.memref_slice %arg3[%arg0, %run_scoped3A, %arg1, %dma_start3A_100, %dma_start3A_101] : memref<2x2x16x40x256xi32, #tpu.memory_space<hbm>> -> memref<1x1x1x40x256xi32, #tpu.memory_space<hbm>>
      %dma_start3A_103 = tpu.memref_squeeze %dma_start3A_102 : memref<1x1x1x40x256xi32, #tpu.memory_space<hbm>> -> memref<40x256xi32, #tpu.memory_space<hbm>>
      %dma_start3A_104 = arith.constant 0 : i32
      %dma_start3A_105 = arith.constant 0 : i32
      %dma_start3A_106 = tpu.memref_slice %arg3[%arg0, %run_scoped3A, %arg1, %dma_start3A_104, %dma_start3A_105] : memref<2x2x16x40x256xi32, #tpu.memory_space<hbm>> -> memref<1x1x1x40x256xi32, #tpu.memory_space<hbm>>
      %dma_start3A_107 = tpu.memref_squeeze %dma_start3A_106 : memref<1x1x1x40x256xi32, #tpu.memory_space<hbm>> -> memref<40x256xi32, #tpu.memory_space<hbm>>
      tpu.enqueue_dma source(%dma_start3A_107 : memref<40x256xi32, #tpu.memory_space<hbm>>) target(%arg7 : memref<40x256xi32, #tpu.memory_space<vmem>>) target_semaphore(%run_scoped3A_99 : memref<!tpu.dma_semaphore, #tpu.memory_space<semaphore_mem>>)
      %dma_wait3A_108 = arith.constant 0 : i32
      %dma_wait3A_109 = arith.constant 0 : i32
      %dma_wait3A_110 = tpu.memref_slice %arg3[%arg0, %run_scoped3A, %arg1, %dma_wait3A_108, %dma_wait3A_109] : memref<2x2x16x40x256xi32, #tpu.memory_space<hbm>> -> memref<1x1x1x40x256xi32, #tpu.memory_space<hbm>>
      %dma_wait3A_111 = tpu.memref_squeeze %dma_wait3A_110 : memref<1x1x1x40x256xi32, #tpu.memory_space<hbm>> -> memref<40x256xi32, #tpu.memory_space<hbm>>
      %dma_wait3A_112 = arith.constant 0 : i32
      %dma_wait3A_113 = arith.constant 0 : i32
      %dma_wait3A_114 = tpu.memref_slice %arg3[%arg0, %run_scoped3A, %arg1, %dma_wait3A_112, %dma_wait3A_113] : memref<2x2x16x40x256xi32, #tpu.memory_space<hbm>> -> memref<1x1x1x40x256xi32, #tpu.memory_space<hbm>>
      %dma_wait3A_115 = tpu.memref_squeeze %dma_wait3A_114 : memref<1x1x1x40x256xi32, #tpu.memory_space<hbm>> -> memref<40x256xi32, #tpu.memory_space<hbm>>
      tpu.wait_dma2 semaphore(%run_scoped3A_99 : memref<!tpu.dma_semaphore, #tpu.memory_space<semaphore_mem>>) src(%dma_wait3A_115 : memref<40x256xi32, #tpu.memory_space<hbm>>) dst(%arg7 : memref<40x256xi32, #tpu.memory_space<vmem>>)
      tpu.yield
    }) : () -> ()
    %add3A = arith.constant 0 : i32
    %add3A_1 = arith.addi %mul3A_0, %add3A : i32
    "tpu.region"() ({
      %run_scoped3A_99 = tpu.sem_alloc : memref<!tpu.dma_semaphore, #tpu.memory_space<semaphore_mem>>
      %dma_start3A_100 = arith.constant 0 : i32
      %dma_start3A_101 = tpu.memref_slice %arg12[%add3A_1, %dma_start3A_100] : memref<10112x64xf32, #tpu.memory_space<vmem_shared>> -> memref<128x64xf32, #tpu.memory_space<vmem_shared>>
      %dma_start3A_102 = arith.constant 0 : i32
      %dma_start3A_103 = tpu.memref_slice %arg12[%add3A_1, %dma_start3A_102] : memref<10112x64xf32, #tpu.memory_space<vmem_shared>> -> memref<128x64xf32, #tpu.memory_space<vmem_shared>>
      tpu.enqueue_dma source(%arg11 : memref<128x64xf32, #tpu.memory_space<vmem>>) target(%dma_start3A_103 : memref<128x64xf32, #tpu.memory_space<vmem_shared>>) target_semaphore(%run_scoped3A_99 : memref<!tpu.dma_semaphore, #tpu.memory_space<semaphore_mem>>)
      %dma_wait3A_104 = arith.constant 0 : i32
      %dma_wait3A_105 = tpu.memref_slice %arg12[%add3A_1, %dma_wait3A_104] : memref<10112x64xf32, #tpu.memory_space<vmem_shared>> -> memref<128x64xf32, #tpu.memory_space<vmem_shared>>
      %dma_wait3A_106 = arith.constant 0 : i32
      %dma_wait3A_107 = tpu.memref_slice %arg12[%add3A_1, %dma_wait3A_106] : memref<10112x64xf32, #tpu.memory_space<vmem_shared>> -> memref<128x64xf32, #tpu.memory_space<vmem_shared>>
      tpu.wait_dma2 semaphore(%run_scoped3A_99 : memref<!tpu.dma_semaphore, #tpu.memory_space<semaphore_mem>>) src(%arg11 : memref<128x64xf32, #tpu.memory_space<vmem>>) dst(%dma_wait3A_107 : memref<128x64xf32, #tpu.memory_space<vmem_shared>>)
      tpu.yield
    }) : () -> ()
    %add3A_2 = arith.constant 128 : i32
    %add3A_3 = arith.addi %mul3A_0, %add3A_2 : i32
    "tpu.region"() ({
      %run_scoped3A_99 = tpu.sem_alloc : memref<!tpu.dma_semaphore, #tpu.memory_space<semaphore_mem>>
      %dma_start3A_100 = arith.constant 0 : i32
      %dma_start3A_101 = tpu.memref_slice %arg12[%add3A_3, %dma_start3A_100] : memref<10112x64xf32, #tpu.memory_space<vmem_shared>> -> memref<128x64xf32, #tpu.memory_space<vmem_shared>>
      %dma_start3A_102 = arith.constant 0 : i32
      %dma_start3A_103 = tpu.memref_slice %arg12[%add3A_3, %dma_start3A_102] : memref<10112x64xf32, #tpu.memory_space<vmem_shared>> -> memref<128x64xf32, #tpu.memory_space<vmem_shared>>
      tpu.enqueue_dma source(%arg11 : memref<128x64xf32, #tpu.memory_space<vmem>>) target(%dma_start3A_103 : memref<128x64xf32, #tpu.memory_space<vmem_shared>>) target_semaphore(%run_scoped3A_99 : memref<!tpu.dma_semaphore, #tpu.memory_space<semaphore_mem>>)
      %dma_wait3A_104 = arith.constant 0 : i32
      %dma_wait3A_105 = tpu.memref_slice %arg12[%add3A_3, %dma_wait3A_104] : memref<10112x64xf32, #tpu.memory_space<vmem_shared>> -> memref<128x64xf32, #tpu.memory_space<vmem_shared>>
      %dma_wait3A_106 = arith.constant 0 : i32
      %dma_wait3A_107 = tpu.memref_slice %arg12[%add3A_3, %dma_wait3A_106] : memref<10112x64xf32, #tpu.memory_space<vmem_shared>> -> memref<128x64xf32, #tpu.memory_space<vmem_shared>>
      tpu.wait_dma2 semaphore(%run_scoped3A_99 : memref<!tpu.dma_semaphore, #tpu.memory_space<semaphore_mem>>) src(%arg11 : memref<128x64xf32, #tpu.memory_space<vmem>>) dst(%dma_wait3A_107 : memref<128x64xf32, #tpu.memory_space<vmem_shared>>)
      tpu.yield
    }) : () -> ()
    %add3A_4 = arith.constant 256 : i32
    %add3A_5 = arith.addi %mul3A_0, %add3A_4 : i32
    "tpu.region"() ({
      %run_scoped3A_99 = tpu.sem_alloc : memref<!tpu.dma_semaphore, #tpu.memory_space<semaphore_mem>>
      %dma_start3A_100 = arith.constant 0 : i32
      %dma_start3A_101 = tpu.memref_slice %arg12[%add3A_5, %dma_start3A_100] : memref<10112x64xf32, #tpu.memory_space<vmem_shared>> -> memref<128x64xf32, #tpu.memory_space<vmem_shared>>
      %dma_start3A_102 = arith.constant 0 : i32
      %dma_start3A_103 = tpu.memref_slice %arg12[%add3A_5, %dma_start3A_102] : memref<10112x64xf32, #tpu.memory_space<vmem_shared>> -> memref<128x64xf32, #tpu.memory_space<vmem_shared>>
      tpu.enqueue_dma source(%arg11 : memref<128x64xf32, #tpu.memory_space<vmem>>) target(%dma_start3A_103 : memref<128x64xf32, #tpu.memory_space<vmem_shared>>) target_semaphore(%run_scoped3A_99 : memref<!tpu.dma_semaphore, #tpu.memory_space<semaphore_mem>>)
      %dma_wait3A_104 = arith.constant 0 : i32
      %dma_wait3A_105 = tpu.memref_slice %arg12[%add3A_5, %dma_wait3A_104] : memref<10112x64xf32, #tpu.memory_space<vmem_shared>> -> memref<128x64xf32, #tpu.memory_space<vmem_shared>>
      %dma_wait3A_106 = arith.constant 0 : i32
      %dma_wait3A_107 = tpu.memref_slice %arg12[%add3A_5, %dma_wait3A_106] : memref<10112x64xf32, #tpu.memory_space<vmem_shared>> -> memref<128x64xf32, #tpu.memory_space<vmem_shared>>
      tpu.wait_dma2 semaphore(%run_scoped3A_99 : memref<!tpu.dma_semaphore, #tpu.memory_space<semaphore_mem>>) src(%arg11 : memref<128x64xf32, #tpu.memory_space<vmem>>) dst(%dma_wait3A_107 : memref<128x64xf32, #tpu.memory_space<vmem_shared>>)
      tpu.yield
    }) : () -> ()
    %add3A_6 = arith.constant 384 : i32
    %add3A_7 = arith.addi %mul3A_0, %add3A_6 : i32
    "tpu.region"() ({
      %run_scoped3A_99 = tpu.sem_alloc : memref<!tpu.dma_semaphore, #tpu.memory_space<semaphore_mem>>
      %dma_start3A_100 = arith.constant 0 : i32
      %dma_start3A_101 = tpu.memref_slice %arg12[%add3A_7, %dma_start3A_100] : memref<10112x64xf32, #tpu.memory_space<vmem_shared>> -> memref<128x64xf32, #tpu.memory_space<vmem_shared>>
      %dma_start3A_102 = arith.constant 0 : i32
      %dma_start3A_103 = tpu.memref_slice %arg12[%add3A_7, %dma_start3A_102] : memref<10112x64xf32, #tpu.memory_space<vmem_shared>> -> memref<128x64xf32, #tpu.memory_space<vmem_shared>>
      tpu.enqueue_dma source(%arg11 : memref<128x64xf32, #tpu.memory_space<vmem>>) target(%dma_start3A_103 : memref<128x64xf32, #tpu.memory_space<vmem_shared>>) target_semaphore(%run_scoped3A_99 : memref<!tpu.dma_semaphore, #tpu.memory_space<semaphore_mem>>)
      %dma_wait3A_104 = arith.constant 0 : i32
      %dma_wait3A_105 = tpu.memref_slice %arg12[%add3A_7, %dma_wait3A_104] : memref<10112x64xf32, #tpu.memory_space<vmem_shared>> -> memref<128x64xf32, #tpu.memory_space<vmem_shared>>
      %dma_wait3A_106 = arith.constant 0 : i32
      %dma_wait3A_107 = tpu.memref_slice %arg12[%add3A_7, %dma_wait3A_106] : memref<10112x64xf32, #tpu.memory_space<vmem_shared>> -> memref<128x64xf32, #tpu.memory_space<vmem_shared>>
      tpu.wait_dma2 semaphore(%run_scoped3A_99 : memref<!tpu.dma_semaphore, #tpu.memory_space<semaphore_mem>>) src(%arg11 : memref<128x64xf32, #tpu.memory_space<vmem>>) dst(%dma_wait3A_107 : memref<128x64xf32, #tpu.memory_space<vmem_shared>>)
      tpu.yield
    }) : () -> ()
    %add3A_8 = arith.constant 512 : i32
    %add3A_9 = arith.addi %mul3A_0, %add3A_8 : i32
    "tpu.region"() ({
      %run_scoped3A_99 = tpu.sem_alloc : memref<!tpu.dma_semaphore, #tpu.memory_space<semaphore_mem>>
      %dma_start3A_100 = arith.constant 0 : i32
      %dma_start3A_101 = arith.constant 0 : i32
      %dma_start3A_102 = tpu.memref_slice %arg11[%dma_start3A_100, %dma_start3A_101] : memref<128x64xf32, #tpu.memory_space<vmem>> -> memref<120x64xf32, #tpu.memory_space<vmem>>
      %dma_start3A_103 = arith.constant 0 : i32
      %dma_start3A_104 = tpu.memref_slice %arg12[%add3A_9, %dma_start3A_103] : memref<10112x64xf32, #tpu.memory_space<vmem_shared>> -> memref<120x64xf32, #tpu.memory_space<vmem_shared>>
      %dma_start3A_105 = arith.constant 0 : i32
      %dma_start3A_106 = tpu.memref_slice %arg12[%add3A_9, %dma_start3A_105] : memref<10112x64xf32, #tpu.memory_space<vmem_shared>> -> memref<120x64xf32, #tpu.memory_space<vmem_shared>>
      %dma_start3A_107 = arith.constant 0 : i32
      %dma_start3A_108 = arith.constant 0 : i32
      %dma_start3A_109 = tpu.memref_slice %arg11[%dma_start3A_107, %dma_start3A_108] : memref<128x64xf32, #tpu.memory_space<vmem>> -> memref<120x64xf32, #tpu.memory_space<vmem>>
      tpu.enqueue_dma source(%dma_start3A_109 : memref<120x64xf32, #tpu.memory_space<vmem>>) target(%dma_start3A_106 : memref<120x64xf32, #tpu.memory_space<vmem_shared>>) target_semaphore(%run_scoped3A_99 : memref<!tpu.dma_semaphore, #tpu.memory_space<semaphore_mem>>)
      %dma_wait3A_110 = arith.constant 0 : i32
      %dma_wait3A_111 = arith.constant 0 : i32
      %dma_wait3A_112 = tpu.memref_slice %arg11[%dma_wait3A_110, %dma_wait3A_111] : memref<128x64xf32, #tpu.memory_space<vmem>> -> memref<120x64xf32, #tpu.memory_space<vmem>>
      %dma_wait3A_113 = arith.constant 0 : i32
      %dma_wait3A_114 = tpu.memref_slice %arg12[%add3A_9, %dma_wait3A_113] : memref<10112x64xf32, #tpu.memory_space<vmem_shared>> -> memref<120x64xf32, #tpu.memory_space<vmem_shared>>
      %dma_wait3A_115 = arith.constant 0 : i32
      %dma_wait3A_116 = tpu.memref_slice %arg12[%add3A_9, %dma_wait3A_115] : memref<10112x64xf32, #tpu.memory_space<vmem_shared>> -> memref<120x64xf32, #tpu.memory_space<vmem_shared>>
      %dma_wait3A_117 = arith.constant 0 : i32
      %dma_wait3A_118 = arith.constant 0 : i32
      %dma_wait3A_119 = tpu.memref_slice %arg11[%dma_wait3A_117, %dma_wait3A_118] : memref<128x64xf32, #tpu.memory_space<vmem>> -> memref<120x64xf32, #tpu.memory_space<vmem>>
      tpu.wait_dma2 semaphore(%run_scoped3A_99 : memref<!tpu.dma_semaphore, #tpu.memory_space<semaphore_mem>>) src(%dma_wait3A_119 : memref<120x64xf32, #tpu.memory_space<vmem>>) dst(%dma_wait3A_116 : memref<120x64xf32, #tpu.memory_space<vmem_shared>>)
      tpu.yield
    }) : () -> ()
    %barrier3A = arith.constant 0 : index
    tpu.barrier barrier_id(%barrier3A)
    %dma_start3A = arith.constant 0 : i32
    %dma_start3A_10 = arith.constant 0 : i32
    %dma_start3A_11 = tpu.memref_slice %arg7[%dma_start3A, %dma_start3A_10] : memref<40x256xi32, #tpu.memory_space<vmem>> -> memref<1x256xi32, #tpu.memory_space<vmem>>
    %dma_start3A_12 = tpu.memref_squeeze %dma_start3A_11 : memref<1x256xi32, #tpu.memory_space<vmem>> -> memref<256xi32, #tpu.memory_space<vmem>>
    %dma_start3A_13 = arith.constant 0 : i32
    %dma_start3A_14 = arith.constant 0 : i32
    %dma_start3A_15 = tpu.memref_slice %arg2[%dma_start3A_13, %dma_start3A_14] : memref<40000x64xf32, #tpu.memory_space<hbm>> -> memref<40000x64xf32, #tpu.memory_space<hbm>>
    tpu.enqueue_indirect_dma source(%dma_start3A_15 : memref<40000x64xf32, #tpu.memory_space<hbm>>) target(%arg9 : memref<256x64xf32, #tpu.memory_space<vmem>>) offsets(%dma_start3A_12 : memref<256xi32, #tpu.memory_space<vmem>>) semaphore(%arg13 : memref<!tpu.dma_semaphore, #tpu.memory_space<semaphore_mem>>)
    %scan3A = arith.constant 0 : i32
    %scan3A_16 = arith.constant 0 : i32
    %scan3A_17 = arith.constant 19 : i32
    %scan3A_18 = arith.addi %scan3A_16, %scan3A_17 : i32
    %scan3A_19 = arith.constant 1 : i32
    scf.for %scan3A_99 = %scan3A_16 to %scan3A_18 step %scan3A_19  : i32 {
      %mul3A_100 = arith.constant 2 : i32
      %mul3A_101 = arith.muli %mul3A_100, %scan3A_99 : i32
      %add3A_102 = arith.constant 1 : i32
      %add3A_103 = arith.addi %mul3A_101, %add3A_102 : i32
      %dma_start3A_104 = arith.constant 0 : i32
      %dma_start3A_105 = tpu.memref_slice %arg7[%add3A_103, %dma_start3A_104] : memref<40x256xi32, #tpu.memory_space<vmem>> -> memref<1x256xi32, #tpu.memory_space<vmem>>
      %dma_start3A_106 = tpu.memref_squeeze %dma_start3A_105 : memref<1x256xi32, #tpu.memory_space<vmem>> -> memref<256xi32, #tpu.memory_space<vmem>>
      %dma_start3A_107 = arith.constant 0 : i32
      %dma_start3A_108 = arith.constant 0 : i32
      %dma_start3A_109 = tpu.memref_slice %arg2[%dma_start3A_107, %dma_start3A_108] : memref<40000x64xf32, #tpu.memory_space<hbm>> -> memref<40000x64xf32, #tpu.memory_space<hbm>>
      tpu.enqueue_indirect_dma source(%dma_start3A_109 : memref<40000x64xf32, #tpu.memory_space<hbm>>) target(%arg10 : memref<256x64xf32, #tpu.memory_space<vmem>>) offsets(%dma_start3A_106 : memref<256xi32, #tpu.memory_space<vmem>>) semaphore(%arg14 : memref<!tpu.dma_semaphore, #tpu.memory_space<semaphore_mem>>)
      %dma_wait3A_110 = arith.constant 0 : i32
      %dma_wait3A_111 = tpu.memref_slice %arg7[%mul3A_101, %dma_wait3A_110] : memref<40x256xi32, #tpu.memory_space<vmem>> -> memref<1x256xi32, #tpu.memory_space<vmem>>
      %dma_wait3A_112 = tpu.memref_squeeze %dma_wait3A_111 : memref<1x256xi32, #tpu.memory_space<vmem>> -> memref<256xi32, #tpu.memory_space<vmem>>
      %dma_wait3A_113 = arith.constant 0 : i32
      %dma_wait3A_114 = arith.constant 0 : i32
      %dma_wait3A_115 = tpu.memref_slice %arg2[%dma_wait3A_113, %dma_wait3A_114] : memref<40000x64xf32, #tpu.memory_space<hbm>> -> memref<40000x64xf32, #tpu.memory_space<hbm>>
      tpu.wait_indirect_dma semaphore(%arg13 : memref<!tpu.dma_semaphore, #tpu.memory_space<semaphore_mem>>) src(%dma_wait3A_115 : memref<40000x64xf32, #tpu.memory_space<hbm>>) dst(%arg9 : memref<256x64xf32, #tpu.memory_space<vmem>>)
      "tpu.region"() ({
        %run_scoped3A_134 = tpu.sem_alloc : memref<!tpu.dma_semaphore, #tpu.memory_space<semaphore_mem>>
        %dma_start3A_135 = arith.constant 0 : i32
        %dma_start3A_136 = tpu.memref_slice %arg8[%mul3A_101, %dma_start3A_135] : memref<40x256xi32, #tpu.memory_space<vmem>> -> memref<1x256xi32, #tpu.memory_space<vmem>>
        %dma_start3A_137 = tpu.memref_squeeze %dma_start3A_136 : memref<1x256xi32, #tpu.memory_space<vmem>> -> memref<256xi32, #tpu.memory_space<vmem>>
        %dma_start3A_138 = arith.constant 0 : i32
        %dma_start3A_139 = arith.constant 0 : i32
        %dma_start3A_140 = tpu.memref_slice %arg12[%dma_start3A_138, %dma_start3A_139] : memref<10112x64xf32, #tpu.memory_space<vmem_shared>> -> memref<10112x64xf32, #tpu.memory_space<vmem_shared>>
        tpu.enqueue_indirect_dma source(%arg9 : memref<256x64xf32, #tpu.memory_space<vmem>>) target(%dma_start3A_140 : memref<10112x64xf32, #tpu.memory_space<vmem_shared>>) offsets(%dma_start3A_137 : memref<256xi32, #tpu.memory_space<vmem>>) semaphore(%run_scoped3A_134 : memref<!tpu.dma_semaphore, #tpu.memory_space<semaphore_mem>>) {add = true}
        %dma_wait3A_141 = arith.constant 0 : i32
        %dma_wait3A_142 = tpu.memref_slice %arg8[%mul3A_101, %dma_wait3A_141] : memref<40x256xi32, #tpu.memory_space<vmem>> -> memref<1x256xi32, #tpu.memory_space<vmem>>
        %dma_wait3A_143 = tpu.memref_squeeze %dma_wait3A_142 : memref<1x256xi32, #tpu.memory_space<vmem>> -> memref<256xi32, #tpu.memory_space<vmem>>
        %dma_wait3A_144 = arith.constant 0 : i32
        %dma_wait3A_145 = arith.constant 0 : i32
        %dma_wait3A_146 = tpu.memref_slice %arg12[%dma_wait3A_144, %dma_wait3A_145] : memref<10112x64xf32, #tpu.memory_space<vmem_shared>> -> memref<10112x64xf32, #tpu.memory_space<vmem_shared>>
        tpu.wait_indirect_dma semaphore(%run_scoped3A_134 : memref<!tpu.dma_semaphore, #tpu.memory_space<semaphore_mem>>) src(%arg9 : memref<256x64xf32, #tpu.memory_space<vmem>>) dst(%dma_wait3A_146 : memref<10112x64xf32, #tpu.memory_space<vmem_shared>>)
        tpu.yield
      }) : () -> ()
      %add3A_116 = arith.constant 2 : i32
      %add3A_117 = arith.addi %mul3A_101, %add3A_116 : i32
      %dma_start3A_118 = arith.constant 0 : i32
      %dma_start3A_119 = tpu.memref_slice %arg7[%add3A_117, %dma_start3A_118] : memref<40x256xi32, #tpu.memory_space<vmem>> -> memref<1x256xi32, #tpu.memory_space<vmem>>
      %dma_start3A_120 = tpu.memref_squeeze %dma_start3A_119 : memref<1x256xi32, #tpu.memory_space<vmem>> -> memref<256xi32, #tpu.memory_space<vmem>>
      %dma_start3A_121 = arith.constant 0 : i32
      %dma_start3A_122 = arith.constant 0 : i32
      %dma_start3A_123 = tpu.memref_slice %arg2[%dma_start3A_121, %dma_start3A_122] : memref<40000x64xf32, #tpu.memory_space<hbm>> -> memref<40000x64xf32, #tpu.memory_space<hbm>>
      tpu.enqueue_indirect_dma source(%dma_start3A_123 : memref<40000x64xf32, #tpu.memory_space<hbm>>) target(%arg9 : memref<256x64xf32, #tpu.memory_space<vmem>>) offsets(%dma_start3A_120 : memref<256xi32, #tpu.memory_space<vmem>>) semaphore(%arg13 : memref<!tpu.dma_semaphore, #tpu.memory_space<semaphore_mem>>)
      %add3A_124 = arith.constant 1 : i32
      %add3A_125 = arith.addi %mul3A_101, %add3A_124 : i32
      %dma_wait3A_126 = arith.constant 0 : i32
      %dma_wait3A_127 = tpu.memref_slice %arg7[%add3A_125, %dma_wait3A_126] : memref<40x256xi32, #tpu.memory_space<vmem>> -> memref<1x256xi32, #tpu.memory_space<vmem>>
      %dma_wait3A_128 = tpu.memref_squeeze %dma_wait3A_127 : memref<1x256xi32, #tpu.memory_space<vmem>> -> memref<256xi32, #tpu.memory_space<vmem>>
      %dma_wait3A_129 = arith.constant 0 : i32
      %dma_wait3A_130 = arith.constant 0 : i32
      %dma_wait3A_131 = tpu.memref_slice %arg2[%dma_wait3A_129, %dma_wait3A_130] : memref<40000x64xf32, #tpu.memory_space<hbm>> -> memref<40000x64xf32, #tpu.memory_space<hbm>>
      tpu.wait_indirect_dma semaphore(%arg14 : memref<!tpu.dma_semaphore, #tpu.memory_space<semaphore_mem>>) src(%dma_wait3A_131 : memref<40000x64xf32, #tpu.memory_space<hbm>>) dst(%arg10 : memref<256x64xf32, #tpu.memory_space<vmem>>)
      %add3A_132 = arith.constant 1 : i32
      %add3A_133 = arith.addi %mul3A_101, %add3A_132 : i32
      "tpu.region"() ({
        %run_scoped3A_134 = tpu.sem_alloc : memref<!tpu.dma_semaphore, #tpu.memory_space<semaphore_mem>>
        %dma_start3A_135 = arith.constant 0 : i32
        %dma_start3A_136 = tpu.memref_slice %arg8[%add3A_133, %dma_start3A_135] : memref<40x256xi32, #tpu.memory_space<vmem>> -> memref<1x256xi32, #tpu.memory_space<vmem>>
        %dma_start3A_137 = tpu.memref_squeeze %dma_start3A_136 : memref<1x256xi32, #tpu.memory_space<vmem>> -> memref<256xi32, #tpu.memory_space<vmem>>
        %dma_start3A_138 = arith.constant 0 : i32
        %dma_start3A_139 = arith.constant 0 : i32
        %dma_start3A_140 = tpu.memref_slice %arg12[%dma_start3A_138, %dma_start3A_139] : memref<10112x64xf32, #tpu.memory_space<vmem_shared>> -> memref<10112x64xf32, #tpu.memory_space<vmem_shared>>
        tpu.enqueue_indirect_dma source(%arg10 : memref<256x64xf32, #tpu.memory_space<vmem>>) target(%dma_start3A_140 : memref<10112x64xf32, #tpu.memory_space<vmem_shared>>) offsets(%dma_start3A_137 : memref<256xi32, #tpu.memory_space<vmem>>) semaphore(%run_scoped3A_134 : memref<!tpu.dma_semaphore, #tpu.memory_space<semaphore_mem>>) {add = true}
        %dma_wait3A_141 = arith.constant 0 : i32
        %dma_wait3A_142 = tpu.memref_slice %arg8[%add3A_133, %dma_wait3A_141] : memref<40x256xi32, #tpu.memory_space<vmem>> -> memref<1x256xi32, #tpu.memory_space<vmem>>
        %dma_wait3A_143 = tpu.memref_squeeze %dma_wait3A_142 : memref<1x256xi32, #tpu.memory_space<vmem>> -> memref<256xi32, #tpu.memory_space<vmem>>
        %dma_wait3A_144 = arith.constant 0 : i32
        %dma_wait3A_145 = arith.constant 0 : i32
        %dma_wait3A_146 = tpu.memref_slice %arg12[%dma_wait3A_144, %dma_wait3A_145] : memref<10112x64xf32, #tpu.memory_space<vmem_shared>> -> memref<10112x64xf32, #tpu.memory_space<vmem_shared>>
        tpu.wait_indirect_dma semaphore(%run_scoped3A_134 : memref<!tpu.dma_semaphore, #tpu.memory_space<semaphore_mem>>) src(%arg10 : memref<256x64xf32, #tpu.memory_space<vmem>>) dst(%dma_wait3A_146 : memref<10112x64xf32, #tpu.memory_space<vmem_shared>>)
        tpu.yield
      }) : () -> ()
    }
    %scan3A_20 = arith.constant 19 : i32
    %dma_start3A_21 = arith.constant 39 : i32
    %dma_start3A_22 = arith.constant 0 : i32
    %dma_start3A_23 = tpu.memref_slice %arg7[%dma_start3A_21, %dma_start3A_22] : memref<40x256xi32, #tpu.memory_space<vmem>> -> memref<1x256xi32, #tpu.memory_space<vmem>>
    %dma_start3A_24 = tpu.memref_squeeze %dma_start3A_23 : memref<1x256xi32, #tpu.memory_space<vmem>> -> memref<256xi32, #tpu.memory_space<vmem>>
    %dma_start3A_25 = arith.constant 0 : i32
    %dma_start3A_26 = arith.constant 0 : i32
    %dma_start3A_27 = tpu.memref_slice %arg2[%dma_start3A_25, %dma_start3A_26] : memref<40000x64xf32, #tpu.memory_space<hbm>> -> memref<40000x64xf32, #tpu.memory_space<hbm>>
    tpu.enqueue_indirect_dma source(%dma_start3A_27 : memref<40000x64xf32, #tpu.memory_space<hbm>>) target(%arg10 : memref<256x64xf32, #tpu.memory_space<vmem>>) offsets(%dma_start3A_24 : memref<256xi32, #tpu.memory_space<vmem>>) semaphore(%arg14 : memref<!tpu.dma_semaphore, #tpu.memory_space<semaphore_mem>>)
    %dma_wait3A = arith.constant 38 : i32
    %dma_wait3A_28 = arith.constant 0 : i32
    %dma_wait3A_29 = tpu.memref_slice %arg7[%dma_wait3A, %dma_wait3A_28] : memref<40x256xi32, #tpu.memory_space<vmem>> -> memref<1x256xi32, #tpu.memory_space<vmem>>
    %dma_wait3A_30 = tpu.memref_squeeze %dma_wait3A_29 : memref<1x256xi32, #tpu.memory_space<vmem>> -> memref<256xi32, #tpu.memory_space<vmem>>
    %dma_wait3A_31 = arith.constant 0 : i32
    %dma_wait3A_32 = arith.constant 0 : i32
    %dma_wait3A_33 = tpu.memref_slice %arg2[%dma_wait3A_31, %dma_wait3A_32] : memref<40000x64xf32, #tpu.memory_space<hbm>> -> memref<40000x64xf32, #tpu.memory_space<hbm>>
    tpu.wait_indirect_dma semaphore(%arg13 : memref<!tpu.dma_semaphore, #tpu.memory_space<semaphore_mem>>) src(%dma_wait3A_33 : memref<40000x64xf32, #tpu.memory_space<hbm>>) dst(%arg9 : memref<256x64xf32, #tpu.memory_space<vmem>>)
    %run_scoped3A_34 = arith.constant 38 : i32
    "tpu.region"() ({
      %run_scoped3A_99 = tpu.sem_alloc : memref<!tpu.dma_semaphore, #tpu.memory_space<semaphore_mem>>
      %dma_start3A_100 = arith.constant 0 : i32
      %dma_start3A_101 = tpu.memref_slice %arg8[%run_scoped3A_34, %dma_start3A_100] : memref<40x256xi32, #tpu.memory_space<vmem>> -> memref<1x256xi32, #tpu.memory_space<vmem>>
      %dma_start3A_102 = tpu.memref_squeeze %dma_start3A_101 : memref<1x256xi32, #tpu.memory_space<vmem>> -> memref<256xi32, #tpu.memory_space<vmem>>
      %dma_start3A_103 = arith.constant 0 : i32
      %dma_start3A_104 = arith.constant 0 : i32
      %dma_start3A_105 = tpu.memref_slice %arg12[%dma_start3A_103, %dma_start3A_104] : memref<10112x64xf32, #tpu.memory_space<vmem_shared>> -> memref<10112x64xf32, #tpu.memory_space<vmem_shared>>
      tpu.enqueue_indirect_dma source(%arg9 : memref<256x64xf32, #tpu.memory_space<vmem>>) target(%dma_start3A_105 : memref<10112x64xf32, #tpu.memory_space<vmem_shared>>) offsets(%dma_start3A_102 : memref<256xi32, #tpu.memory_space<vmem>>) semaphore(%run_scoped3A_99 : memref<!tpu.dma_semaphore, #tpu.memory_space<semaphore_mem>>) {add = true}
      %dma_wait3A_106 = arith.constant 0 : i32
      %dma_wait3A_107 = tpu.memref_slice %arg8[%run_scoped3A_34, %dma_wait3A_106] : memref<40x256xi32, #tpu.memory_space<vmem>> -> memref<1x256xi32, #tpu.memory_space<vmem>>
      %dma_wait3A_108 = tpu.memref_squeeze %dma_wait3A_107 : memref<1x256xi32, #tpu.memory_space<vmem>> -> memref<256xi32, #tpu.memory_space<vmem>>
      %dma_wait3A_109 = arith.constant 0 : i32
      %dma_wait3A_110 = arith.constant 0 : i32
      %dma_wait3A_111 = tpu.memref_slice %arg12[%dma_wait3A_109, %dma_wait3A_110] : memref<10112x64xf32, #tpu.memory_space<vmem_shared>> -> memref<10112x64xf32, #tpu.memory_space<vmem_shared>>
      tpu.wait_indirect_dma semaphore(%run_scoped3A_99 : memref<!tpu.dma_semaphore, #tpu.memory_space<semaphore_mem>>) src(%arg9 : memref<256x64xf32, #tpu.memory_space<vmem>>) dst(%dma_wait3A_111 : memref<10112x64xf32, #tpu.memory_space<vmem_shared>>)
      tpu.yield
    }) : () -> ()
    %dma_wait3A_35 = arith.constant 39 : i32
    %dma_wait3A_36 = arith.constant 0 : i32
    %dma_wait3A_37 = tpu.memref_slice %arg7[%dma_wait3A_35, %dma_wait3A_36] : memref<40x256xi32, #tpu.memory_space<vmem>> -> memref<1x256xi32, #tpu.memory_space<vmem>>
    %dma_wait3A_38 = tpu.memref_squeeze %dma_wait3A_37 : memref<1x256xi32, #tpu.memory_space<vmem>> -> memref<256xi32, #tpu.memory_space<vmem>>
    %dma_wait3A_39 = arith.constant 0 : i32
    %dma_wait3A_40 = arith.constant 0 : i32
    %dma_wait3A_41 = tpu.memref_slice %arg2[%dma_wait3A_39, %dma_wait3A_40] : memref<40000x64xf32, #tpu.memory_space<hbm>> -> memref<40000x64xf32, #tpu.memory_space<hbm>>
    tpu.wait_indirect_dma semaphore(%arg14 : memref<!tpu.dma_semaphore, #tpu.memory_space<semaphore_mem>>) src(%dma_wait3A_41 : memref<40000x64xf32, #tpu.memory_space<hbm>>) dst(%arg10 : memref<256x64xf32, #tpu.memory_space<vmem>>)
    %run_scoped3A_42 = arith.constant 39 : i32
    "tpu.region"() ({
      %run_scoped3A_99 = tpu.sem_alloc : memref<!tpu.dma_semaphore, #tpu.memory_space<semaphore_mem>>
      %dma_start3A_100 = arith.constant 0 : i32
      %dma_start3A_101 = tpu.memref_slice %arg8[%run_scoped3A_42, %dma_start3A_100] : memref<40x256xi32, #tpu.memory_space<vmem>> -> memref<1x256xi32, #tpu.memory_space<vmem>>
      %dma_start3A_102 = tpu.memref_squeeze %dma_start3A_101 : memref<1x256xi32, #tpu.memory_space<vmem>> -> memref<256xi32, #tpu.memory_space<vmem>>
      %dma_start3A_103 = arith.constant 0 : i32
      %dma_start3A_104 = arith.constant 0 : i32
      %dma_start3A_105 = tpu.memref_slice %arg12[%dma_start3A_103, %dma_start3A_104] : memref<10112x64xf32, #tpu.memory_space<vmem_shared>> -> memref<10112x64xf32, #tpu.memory_space<vmem_shared>>
      tpu.enqueue_indirect_dma source(%arg10 : memref<256x64xf32, #tpu.memory_space<vmem>>) target(%dma_start3A_105 : memref<10112x64xf32, #tpu.memory_space<vmem_shared>>) offsets(%dma_start3A_102 : memref<256xi32, #tpu.memory_space<vmem>>) semaphore(%run_scoped3A_99 : memref<!tpu.dma_semaphore, #tpu.memory_space<semaphore_mem>>) {add = true}
      %dma_wait3A_106 = arith.constant 0 : i32
      %dma_wait3A_107 = tpu.memref_slice %arg8[%run_scoped3A_42, %dma_wait3A_106] : memref<40x256xi32, #tpu.memory_space<vmem>> -> memref<1x256xi32, #tpu.memory_space<vmem>>
      %dma_wait3A_108 = tpu.memref_squeeze %dma_wait3A_107 : memref<1x256xi32, #tpu.memory_space<vmem>> -> memref<256xi32, #tpu.memory_space<vmem>>
      %dma_wait3A_109 = arith.constant 0 : i32
      %dma_wait3A_110 = arith.constant 0 : i32
      %dma_wait3A_111 = tpu.memref_slice %arg12[%dma_wait3A_109, %dma_wait3A_110] : memref<10112x64xf32, #tpu.memory_space<vmem_shared>> -> memref<10112x64xf32, #tpu.memory_space<vmem_shared>>
      tpu.wait_indirect_dma semaphore(%run_scoped3A_99 : memref<!tpu.dma_semaphore, #tpu.memory_space<semaphore_mem>>) src(%arg10 : memref<256x64xf32, #tpu.memory_space<vmem>>) dst(%dma_wait3A_111 : memref<10112x64xf32, #tpu.memory_space<vmem_shared>>)
      tpu.yield
    }) : () -> ()
    %barrier3A_43 = arith.constant 0 : index
    tpu.barrier barrier_id(%barrier3A_43)
    %mul3A_44 = arith.constant 64 : i32
    %mul3A_45 = arith.muli %arg0, %mul3A_44 : i32
    %run_scoped3A_46 = arith.constant 0 : i32
    "tpu.region"() ({
      %run_scoped3A_99 = tpu.sem_alloc : memref<!tpu.dma_semaphore, #tpu.memory_space<semaphore_mem>>
      %dma_start3A_100 = tpu.memref_slice %arg6[%run_scoped3A_46, %mul3A_0, %mul3A_45] : memref<2x10112x128xf32, #tpu.memory_space<hbm>> -> memref<1x632x64xf32, #tpu.memory_space<hbm>>
      %dma_start3A_101 = tpu.memref_squeeze %dma_start3A_100 : memref<1x632x64xf32, #tpu.memory_space<hbm>> -> memref<632x64xf32, #tpu.memory_space<hbm>>
      %dma_start3A_102 = arith.constant 0 : i32
      %dma_start3A_103 = tpu.memref_slice %arg12[%mul3A_0, %dma_start3A_102] : memref<10112x64xf32, #tpu.memory_space<vmem_shared>> -> memref<632x64xf32, #tpu.memory_space<vmem_shared>>
      tpu.enqueue_dma source(%dma_start3A_103 : memref<632x64xf32, #tpu.memory_space<vmem_shared>>) target(%dma_start3A_101 : memref<632x64xf32, #tpu.memory_space<hbm>>) target_semaphore(%run_scoped3A_99 : memref<!tpu.dma_semaphore, #tpu.memory_space<semaphore_mem>>)
      %dma_wait3A_104 = tpu.memref_slice %arg6[%run_scoped3A_46, %mul3A_0, %mul3A_45] : memref<2x10112x128xf32, #tpu.memory_space<hbm>> -> memref<1x632x64xf32, #tpu.memory_space<hbm>>
      %dma_wait3A_105 = tpu.memref_squeeze %dma_wait3A_104 : memref<1x632x64xf32, #tpu.memory_space<hbm>> -> memref<632x64xf32, #tpu.memory_space<hbm>>
      %dma_wait3A_106 = arith.constant 0 : i32
      %dma_wait3A_107 = tpu.memref_slice %arg12[%mul3A_0, %dma_wait3A_106] : memref<10112x64xf32, #tpu.memory_space<vmem_shared>> -> memref<632x64xf32, #tpu.memory_space<vmem_shared>>
      tpu.wait_dma2 semaphore(%run_scoped3A_99 : memref<!tpu.dma_semaphore, #tpu.memory_space<semaphore_mem>>) src(%dma_wait3A_107 : memref<632x64xf32, #tpu.memory_space<vmem_shared>>) dst(%dma_wait3A_105 : memref<632x64xf32, #tpu.memory_space<hbm>>)
      tpu.yield
    }) : () -> ()
    %run_scoped3A_47 = arith.constant 1 : i32
    "tpu.region"() ({
      %run_scoped3A_99 = tpu.sem_alloc : memref<!tpu.dma_semaphore, #tpu.memory_space<semaphore_mem>>
      %dma_start3A_100 = arith.constant 0 : i32
      %dma_start3A_101 = arith.constant 0 : i32
      %dma_start3A_102 = tpu.memref_slice %arg3[%arg0, %run_scoped3A_47, %arg1, %dma_start3A_100, %dma_start3A_101] : memref<2x2x16x40x256xi32, #tpu.memory_space<hbm>> -> memref<1x1x1x40x256xi32, #tpu.memory_space<hbm>>
      %dma_start3A_103 = tpu.memref_squeeze %dma_start3A_102 : memref<1x1x1x40x256xi32, #tpu.memory_space<hbm>> -> memref<40x256xi32, #tpu.memory_space<hbm>>
      %dma_start3A_104 = arith.constant 0 : i32
      %dma_start3A_105 = arith.constant 0 : i32
      %dma_start3A_106 = tpu.memref_slice %arg3[%arg0, %run_scoped3A_47, %arg1, %dma_start3A_104, %dma_start3A_105] : memref<2x2x16x40x256xi32, #tpu.memory_space<hbm>> -> memref<1x1x1x40x256xi32, #tpu.memory_space<hbm>>
      %dma_start3A_107 = tpu.memref_squeeze %dma_start3A_106 : memref<1x1x1x40x256xi32, #tpu.memory_space<hbm>> -> memref<40x256xi32, #tpu.memory_space<hbm>>
      tpu.enqueue_dma source(%dma_start3A_107 : memref<40x256xi32, #tpu.memory_space<hbm>>) target(%arg7 : memref<40x256xi32, #tpu.memory_space<vmem>>) target_semaphore(%run_scoped3A_99 : memref<!tpu.dma_semaphore, #tpu.memory_space<semaphore_mem>>)
      %dma_wait3A_108 = arith.constant 0 : i32
      %dma_wait3A_109 = arith.constant 0 : i32
      %dma_wait3A_110 = tpu.memref_slice %arg3[%arg0, %run_scoped3A_47, %arg1, %dma_wait3A_108, %dma_wait3A_109] : memref<2x2x16x40x256xi32, #tpu.memory_space<hbm>> -> memref<1x1x1x40x256xi32, #tpu.memory_space<hbm>>
      %dma_wait3A_111 = tpu.memref_squeeze %dma_wait3A_110 : memref<1x1x1x40x256xi32, #tpu.memory_space<hbm>> -> memref<40x256xi32, #tpu.memory_space<hbm>>
      %dma_wait3A_112 = arith.constant 0 : i32
      %dma_wait3A_113 = arith.constant 0 : i32
      %dma_wait3A_114 = tpu.memref_slice %arg3[%arg0, %run_scoped3A_47, %arg1, %dma_wait3A_112, %dma_wait3A_113] : memref<2x2x16x40x256xi32, #tpu.memory_space<hbm>> -> memref<1x1x1x40x256xi32, #tpu.memory_space<hbm>>
      %dma_wait3A_115 = tpu.memref_squeeze %dma_wait3A_114 : memref<1x1x1x40x256xi32, #tpu.memory_space<hbm>> -> memref<40x256xi32, #tpu.memory_space<hbm>>
      tpu.wait_dma2 semaphore(%run_scoped3A_99 : memref<!tpu.dma_semaphore, #tpu.memory_space<semaphore_mem>>) src(%dma_wait3A_115 : memref<40x256xi32, #tpu.memory_space<hbm>>) dst(%arg7 : memref<40x256xi32, #tpu.memory_space<vmem>>)
      tpu.yield
    }) : () -> ()
    %add3A_48 = arith.constant 0 : i32
    %add3A_49 = arith.addi %mul3A_0, %add3A_48 : i32
    "tpu.region"() ({
      %run_scoped3A_99 = tpu.sem_alloc : memref<!tpu.dma_semaphore, #tpu.memory_space<semaphore_mem>>
      %dma_start3A_100 = arith.constant 0 : i32
      %dma_start3A_101 = tpu.memref_slice %arg12[%add3A_49, %dma_start3A_100] : memref<10112x64xf32, #tpu.memory_space<vmem_shared>> -> memref<128x64xf32, #tpu.memory_space<vmem_shared>>
      %dma_start3A_102 = arith.constant 0 : i32
      %dma_start3A_103 = tpu.memref_slice %arg12[%add3A_49, %dma_start3A_102] : memref<10112x64xf32, #tpu.memory_space<vmem_shared>> -> memref<128x64xf32, #tpu.memory_space<vmem_shared>>
      tpu.enqueue_dma source(%arg11 : memref<128x64xf32, #tpu.memory_space<vmem>>) target(%dma_start3A_103 : memref<128x64xf32, #tpu.memory_space<vmem_shared>>) target_semaphore(%run_scoped3A_99 : memref<!tpu.dma_semaphore, #tpu.memory_space<semaphore_mem>>)
      %dma_wait3A_104 = arith.constant 0 : i32
      %dma_wait3A_105 = tpu.memref_slice %arg12[%add3A_49, %dma_wait3A_104] : memref<10112x64xf32, #tpu.memory_space<vmem_shared>> -> memref<128x64xf32, #tpu.memory_space<vmem_shared>>
      %dma_wait3A_106 = arith.constant 0 : i32
      %dma_wait3A_107 = tpu.memref_slice %arg12[%add3A_49, %dma_wait3A_106] : memref<10112x64xf32, #tpu.memory_space<vmem_shared>> -> memref<128x64xf32, #tpu.memory_space<vmem_shared>>
      tpu.wait_dma2 semaphore(%run_scoped3A_99 : memref<!tpu.dma_semaphore, #tpu.memory_space<semaphore_mem>>) src(%arg11 : memref<128x64xf32, #tpu.memory_space<vmem>>) dst(%dma_wait3A_107 : memref<128x64xf32, #tpu.memory_space<vmem_shared>>)
      tpu.yield
    }) : () -> ()
    %add3A_50 = arith.constant 128 : i32
    %add3A_51 = arith.addi %mul3A_0, %add3A_50 : i32
    "tpu.region"() ({
      %run_scoped3A_99 = tpu.sem_alloc : memref<!tpu.dma_semaphore, #tpu.memory_space<semaphore_mem>>
      %dma_start3A_100 = arith.constant 0 : i32
      %dma_start3A_101 = tpu.memref_slice %arg12[%add3A_51, %dma_start3A_100] : memref<10112x64xf32, #tpu.memory_space<vmem_shared>> -> memref<128x64xf32, #tpu.memory_space<vmem_shared>>
      %dma_start3A_102 = arith.constant 0 : i32
      %dma_start3A_103 = tpu.memref_slice %arg12[%add3A_51, %dma_start3A_102] : memref<10112x64xf32, #tpu.memory_space<vmem_shared>> -> memref<128x64xf32, #tpu.memory_space<vmem_shared>>
      tpu.enqueue_dma source(%arg11 : memref<128x64xf32, #tpu.memory_space<vmem>>) target(%dma_start3A_103 : memref<128x64xf32, #tpu.memory_space<vmem_shared>>) target_semaphore(%run_scoped3A_99 : memref<!tpu.dma_semaphore, #tpu.memory_space<semaphore_mem>>)
      %dma_wait3A_104 = arith.constant 0 : i32
      %dma_wait3A_105 = tpu.memref_slice %arg12[%add3A_51, %dma_wait3A_104] : memref<10112x64xf32, #tpu.memory_space<vmem_shared>> -> memref<128x64xf32, #tpu.memory_space<vmem_shared>>
      %dma_wait3A_106 = arith.constant 0 : i32
      %dma_wait3A_107 = tpu.memref_slice %arg12[%add3A_51, %dma_wait3A_106] : memref<10112x64xf32, #tpu.memory_space<vmem_shared>> -> memref<128x64xf32, #tpu.memory_space<vmem_shared>>
      tpu.wait_dma2 semaphore(%run_scoped3A_99 : memref<!tpu.dma_semaphore, #tpu.memory_space<semaphore_mem>>) src(%arg11 : memref<128x64xf32, #tpu.memory_space<vmem>>) dst(%dma_wait3A_107 : memref<128x64xf32, #tpu.memory_space<vmem_shared>>)
      tpu.yield
    }) : () -> ()
    %add3A_52 = arith.constant 256 : i32
    %add3A_53 = arith.addi %mul3A_0, %add3A_52 : i32
    "tpu.region"() ({
      %run_scoped3A_99 = tpu.sem_alloc : memref<!tpu.dma_semaphore, #tpu.memory_space<semaphore_mem>>
      %dma_start3A_100 = arith.constant 0 : i32
      %dma_start3A_101 = tpu.memref_slice %arg12[%add3A_53, %dma_start3A_100] : memref<10112x64xf32, #tpu.memory_space<vmem_shared>> -> memref<128x64xf32, #tpu.memory_space<vmem_shared>>
      %dma_start3A_102 = arith.constant 0 : i32
      %dma_start3A_103 = tpu.memref_slice %arg12[%add3A_53, %dma_start3A_102] : memref<10112x64xf32, #tpu.memory_space<vmem_shared>> -> memref<128x64xf32, #tpu.memory_space<vmem_shared>>
      tpu.enqueue_dma source(%arg11 : memref<128x64xf32, #tpu.memory_space<vmem>>) target(%dma_start3A_103 : memref<128x64xf32, #tpu.memory_space<vmem_shared>>) target_semaphore(%run_scoped3A_99 : memref<!tpu.dma_semaphore, #tpu.memory_space<semaphore_mem>>)
      %dma_wait3A_104 = arith.constant 0 : i32
      %dma_wait3A_105 = tpu.memref_slice %arg12[%add3A_53, %dma_wait3A_104] : memref<10112x64xf32, #tpu.memory_space<vmem_shared>> -> memref<128x64xf32, #tpu.memory_space<vmem_shared>>
      %dma_wait3A_106 = arith.constant 0 : i32
      %dma_wait3A_107 = tpu.memref_slice %arg12[%add3A_53, %dma_wait3A_106] : memref<10112x64xf32, #tpu.memory_space<vmem_shared>> -> memref<128x64xf32, #tpu.memory_space<vmem_shared>>
      tpu.wait_dma2 semaphore(%run_scoped3A_99 : memref<!tpu.dma_semaphore, #tpu.memory_space<semaphore_mem>>) src(%arg11 : memref<128x64xf32, #tpu.memory_space<vmem>>) dst(%dma_wait3A_107 : memref<128x64xf32, #tpu.memory_space<vmem_shared>>)
      tpu.yield
    }) : () -> ()
    %add3A_54 = arith.constant 384 : i32
    %add3A_55 = arith.addi %mul3A_0, %add3A_54 : i32
    "tpu.region"() ({
      %run_scoped3A_99 = tpu.sem_alloc : memref<!tpu.dma_semaphore, #tpu.memory_space<semaphore_mem>>
      %dma_start3A_100 = arith.constant 0 : i32
      %dma_start3A_101 = tpu.memref_slice %arg12[%add3A_55, %dma_start3A_100] : memref<10112x64xf32, #tpu.memory_space<vmem_shared>> -> memref<128x64xf32, #tpu.memory_space<vmem_shared>>
      %dma_start3A_102 = arith.constant 0 : i32
      %dma_start3A_103 = tpu.memref_slice %arg12[%add3A_55, %dma_start3A_102] : memref<10112x64xf32, #tpu.memory_space<vmem_shared>> -> memref<128x64xf32, #tpu.memory_space<vmem_shared>>
      tpu.enqueue_dma source(%arg11 : memref<128x64xf32, #tpu.memory_space<vmem>>) target(%dma_start3A_103 : memref<128x64xf32, #tpu.memory_space<vmem_shared>>) target_semaphore(%run_scoped3A_99 : memref<!tpu.dma_semaphore, #tpu.memory_space<semaphore_mem>>)
      %dma_wait3A_104 = arith.constant 0 : i32
      %dma_wait3A_105 = tpu.memref_slice %arg12[%add3A_55, %dma_wait3A_104] : memref<10112x64xf32, #tpu.memory_space<vmem_shared>> -> memref<128x64xf32, #tpu.memory_space<vmem_shared>>
      %dma_wait3A_106 = arith.constant 0 : i32
      %dma_wait3A_107 = tpu.memref_slice %arg12[%add3A_55, %dma_wait3A_106] : memref<10112x64xf32, #tpu.memory_space<vmem_shared>> -> memref<128x64xf32, #tpu.memory_space<vmem_shared>>
      tpu.wait_dma2 semaphore(%run_scoped3A_99 : memref<!tpu.dma_semaphore, #tpu.memory_space<semaphore_mem>>) src(%arg11 : memref<128x64xf32, #tpu.memory_space<vmem>>) dst(%dma_wait3A_107 : memref<128x64xf32, #tpu.memory_space<vmem_shared>>)
      tpu.yield
    }) : () -> ()
    %add3A_56 = arith.constant 512 : i32
    %add3A_57 = arith.addi %mul3A_0, %add3A_56 : i32
    "tpu.region"() ({
      %run_scoped3A_99 = tpu.sem_alloc : memref<!tpu.dma_semaphore, #tpu.memory_space<semaphore_mem>>
      %dma_start3A_100 = arith.constant 0 : i32
      %dma_start3A_101 = arith.constant 0 : i32
      %dma_start3A_102 = tpu.memref_slice %arg11[%dma_start3A_100, %dma_start3A_101] : memref<128x64xf32, #tpu.memory_space<vmem>> -> memref<120x64xf32, #tpu.memory_space<vmem>>
      %dma_start3A_103 = arith.constant 0 : i32
      %dma_start3A_104 = tpu.memref_slice %arg12[%add3A_57, %dma_start3A_103] : memref<10112x64xf32, #tpu.memory_space<vmem_shared>> -> memref<120x64xf32, #tpu.memory_space<vmem_shared>>
      %dma_start3A_105 = arith.constant 0 : i32
      %dma_start3A_106 = tpu.memref_slice %arg12[%add3A_57, %dma_start3A_105] : memref<10112x64xf32, #tpu.memory_space<vmem_shared>> -> memref<120x64xf32, #tpu.memory_space<vmem_shared>>
      %dma_start3A_107 = arith.constant 0 : i32
      %dma_start3A_108 = arith.constant 0 : i32
      %dma_start3A_109 = tpu.memref_slice %arg11[%dma_start3A_107, %dma_start3A_108] : memref<128x64xf32, #tpu.memory_space<vmem>> -> memref<120x64xf32, #tpu.memory_space<vmem>>
      tpu.enqueue_dma source(%dma_start3A_109 : memref<120x64xf32, #tpu.memory_space<vmem>>) target(%dma_start3A_106 : memref<120x64xf32, #tpu.memory_space<vmem_shared>>) target_semaphore(%run_scoped3A_99 : memref<!tpu.dma_semaphore, #tpu.memory_space<semaphore_mem>>)
      %dma_wait3A_110 = arith.constant 0 : i32
      %dma_wait3A_111 = arith.constant 0 : i32
      %dma_wait3A_112 = tpu.memref_slice %arg11[%dma_wait3A_110, %dma_wait3A_111] : memref<128x64xf32, #tpu.memory_space<vmem>> -> memref<120x64xf32, #tpu.memory_space<vmem>>
      %dma_wait3A_113 = arith.constant 0 : i32
      %dma_wait3A_114 = tpu.memref_slice %arg12[%add3A_57, %dma_wait3A_113] : memref<10112x64xf32, #tpu.memory_space<vmem_shared>> -> memref<120x64xf32, #tpu.memory_space<vmem_shared>>
      %dma_wait3A_115 = arith.constant 0 : i32
      %dma_wait3A_116 = tpu.memref_slice %arg12[%add3A_57, %dma_wait3A_115] : memref<10112x64xf32, #tpu.memory_space<vmem_shared>> -> memref<120x64xf32, #tpu.memory_space<vmem_shared>>
      %dma_wait3A_117 = arith.constant 0 : i32
      %dma_wait3A_118 = arith.constant 0 : i32
      %dma_wait3A_119 = tpu.memref_slice %arg11[%dma_wait3A_117, %dma_wait3A_118] : memref<128x64xf32, #tpu.memory_space<vmem>> -> memref<120x64xf32, #tpu.memory_space<vmem>>
      tpu.wait_dma2 semaphore(%run_scoped3A_99 : memref<!tpu.dma_semaphore, #tpu.memory_space<semaphore_mem>>) src(%dma_wait3A_119 : memref<120x64xf32, #tpu.memory_space<vmem>>) dst(%dma_wait3A_116 : memref<120x64xf32, #tpu.memory_space<vmem_shared>>)
      tpu.yield
    }) : () -> ()
    %barrier3A_58 = arith.constant 0 : index
    tpu.barrier barrier_id(%barrier3A_58)
    %dma_start3A_59 = arith.constant 0 : i32
    %dma_start3A_60 = arith.constant 0 : i32
    %dma_start3A_61 = tpu.memref_slice %arg7[%dma_start3A_59, %dma_start3A_60] : memref<40x256xi32, #tpu.memory_space<vmem>> -> memref<1x256xi32, #tpu.memory_space<vmem>>
    %dma_start3A_62 = tpu.memref_squeeze %dma_start3A_61 : memref<1x256xi32, #tpu.memory_space<vmem>> -> memref<256xi32, #tpu.memory_space<vmem>>
    %dma_start3A_63 = arith.constant 0 : i32
    %dma_start3A_64 = arith.constant 0 : i32
    %dma_start3A_65 = tpu.memref_slice %arg2[%dma_start3A_63, %dma_start3A_64] : memref<40000x64xf32, #tpu.memory_space<hbm>> -> memref<40000x64xf32, #tpu.memory_space<hbm>>
    tpu.enqueue_indirect_dma source(%dma_start3A_65 : memref<40000x64xf32, #tpu.memory_space<hbm>>) target(%arg9 : memref<256x64xf32, #tpu.memory_space<vmem>>) offsets(%dma_start3A_62 : memref<256xi32, #tpu.memory_space<vmem>>) semaphore(%arg13 : memref<!tpu.dma_semaphore, #tpu.memory_space<semaphore_mem>>)
    %scan3A_66 = arith.constant 0 : i32
    %scan3A_67 = arith.constant 0 : i32
    %scan3A_68 = arith.constant 19 : i32
    %scan3A_69 = arith.addi %scan3A_67, %scan3A_68 : i32
    %scan3A_70 = arith.constant 1 : i32
    scf.for %scan3A_99 = %scan3A_67 to %scan3A_69 step %scan3A_70  : i32 {
      %mul3A_100 = arith.constant 2 : i32
      %mul3A_101 = arith.muli %mul3A_100, %scan3A_99 : i32
      %add3A_102 = arith.constant 1 : i32
      %add3A_103 = arith.addi %mul3A_101, %add3A_102 : i32
      %dma_start3A_104 = arith.constant 0 : i32
      %dma_start3A_105 = tpu.memref_slice %arg7[%add3A_103, %dma_start3A_104] : memref<40x256xi32, #tpu.memory_space<vmem>> -> memref<1x256xi32, #tpu.memory_space<vmem>>
      %dma_start3A_106 = tpu.memref_squeeze %dma_start3A_105 : memref<1x256xi32, #tpu.memory_space<vmem>> -> memref<256xi32, #tpu.memory_space<vmem>>
      %dma_start3A_107 = arith.constant 0 : i32
      %dma_start3A_108 = arith.constant 0 : i32
      %dma_start3A_109 = tpu.memref_slice %arg2[%dma_start3A_107, %dma_start3A_108] : memref<40000x64xf32, #tpu.memory_space<hbm>> -> memref<40000x64xf32, #tpu.memory_space<hbm>>
      tpu.enqueue_indirect_dma source(%dma_start3A_109 : memref<40000x64xf32, #tpu.memory_space<hbm>>) target(%arg10 : memref<256x64xf32, #tpu.memory_space<vmem>>) offsets(%dma_start3A_106 : memref<256xi32, #tpu.memory_space<vmem>>) semaphore(%arg14 : memref<!tpu.dma_semaphore, #tpu.memory_space<semaphore_mem>>)
      %dma_wait3A_110 = arith.constant 0 : i32
      %dma_wait3A_111 = tpu.memref_slice %arg7[%mul3A_101, %dma_wait3A_110] : memref<40x256xi32, #tpu.memory_space<vmem>> -> memref<1x256xi32, #tpu.memory_space<vmem>>
      %dma_wait3A_112 = tpu.memref_squeeze %dma_wait3A_111 : memref<1x256xi32, #tpu.memory_space<vmem>> -> memref<256xi32, #tpu.memory_space<vmem>>
      %dma_wait3A_113 = arith.constant 0 : i32
      %dma_wait3A_114 = arith.constant 0 : i32
      %dma_wait3A_115 = tpu.memref_slice %arg2[%dma_wait3A_113, %dma_wait3A_114] : memref<40000x64xf32, #tpu.memory_space<hbm>> -> memref<40000x64xf32, #tpu.memory_space<hbm>>
      tpu.wait_indirect_dma semaphore(%arg13 : memref<!tpu.dma_semaphore, #tpu.memory_space<semaphore_mem>>) src(%dma_wait3A_115 : memref<40000x64xf32, #tpu.memory_space<hbm>>) dst(%arg9 : memref<256x64xf32, #tpu.memory_space<vmem>>)
      "tpu.region"() ({
        %run_scoped3A_134 = tpu.sem_alloc : memref<!tpu.dma_semaphore, #tpu.memory_space<semaphore_mem>>
        %dma_start3A_135 = arith.constant 0 : i32
        %dma_start3A_136 = tpu.memref_slice %arg8[%mul3A_101, %dma_start3A_135] : memref<40x256xi32, #tpu.memory_space<vmem>> -> memref<1x256xi32, #tpu.memory_space<vmem>>
        %dma_start3A_137 = tpu.memref_squeeze %dma_start3A_136 : memref<1x256xi32, #tpu.memory_space<vmem>> -> memref<256xi32, #tpu.memory_space<vmem>>
        %dma_start3A_138 = arith.constant 0 : i32
        %dma_start3A_139 = arith.constant 0 : i32
        %dma_start3A_140 = tpu.memref_slice %arg12[%dma_start3A_138, %dma_start3A_139] : memref<10112x64xf32, #tpu.memory_space<vmem_shared>> -> memref<10112x64xf32, #tpu.memory_space<vmem_shared>>
        tpu.enqueue_indirect_dma source(%arg9 : memref<256x64xf32, #tpu.memory_space<vmem>>) target(%dma_start3A_140 : memref<10112x64xf32, #tpu.memory_space<vmem_shared>>) offsets(%dma_start3A_137 : memref<256xi32, #tpu.memory_space<vmem>>) semaphore(%run_scoped3A_134 : memref<!tpu.dma_semaphore, #tpu.memory_space<semaphore_mem>>) {add = true}
        %dma_wait3A_141 = arith.constant 0 : i32
        %dma_wait3A_142 = tpu.memref_slice %arg8[%mul3A_101, %dma_wait3A_141] : memref<40x256xi32, #tpu.memory_space<vmem>> -> memref<1x256xi32, #tpu.memory_space<vmem>>
        %dma_wait3A_143 = tpu.memref_squeeze %dma_wait3A_142 : memref<1x256xi32, #tpu.memory_space<vmem>> -> memref<256xi32, #tpu.memory_space<vmem>>
        %dma_wait3A_144 = arith.constant 0 : i32
        %dma_wait3A_145 = arith.constant 0 : i32
        %dma_wait3A_146 = tpu.memref_slice %arg12[%dma_wait3A_144, %dma_wait3A_145] : memref<10112x64xf32, #tpu.memory_space<vmem_shared>> -> memref<10112x64xf32, #tpu.memory_space<vmem_shared>>
        tpu.wait_indirect_dma semaphore(%run_scoped3A_134 : memref<!tpu.dma_semaphore, #tpu.memory_space<semaphore_mem>>) src(%arg9 : memref<256x64xf32, #tpu.memory_space<vmem>>) dst(%dma_wait3A_146 : memref<10112x64xf32, #tpu.memory_space<vmem_shared>>)
        tpu.yield
      }) : () -> ()
      %add3A_116 = arith.constant 2 : i32
      %add3A_117 = arith.addi %mul3A_101, %add3A_116 : i32
      %dma_start3A_118 = arith.constant 0 : i32
      %dma_start3A_119 = tpu.memref_slice %arg7[%add3A_117, %dma_start3A_118] : memref<40x256xi32, #tpu.memory_space<vmem>> -> memref<1x256xi32, #tpu.memory_space<vmem>>
      %dma_start3A_120 = tpu.memref_squeeze %dma_start3A_119 : memref<1x256xi32, #tpu.memory_space<vmem>> -> memref<256xi32, #tpu.memory_space<vmem>>
      %dma_start3A_121 = arith.constant 0 : i32
      %dma_start3A_122 = arith.constant 0 : i32
      %dma_start3A_123 = tpu.memref_slice %arg2[%dma_start3A_121, %dma_start3A_122] : memref<40000x64xf32, #tpu.memory_space<hbm>> -> memref<40000x64xf32, #tpu.memory_space<hbm>>
      tpu.enqueue_indirect_dma source(%dma_start3A_123 : memref<40000x64xf32, #tpu.memory_space<hbm>>) target(%arg9 : memref<256x64xf32, #tpu.memory_space<vmem>>) offsets(%dma_start3A_120 : memref<256xi32, #tpu.memory_space<vmem>>) semaphore(%arg13 : memref<!tpu.dma_semaphore, #tpu.memory_space<semaphore_mem>>)
      %add3A_124 = arith.constant 1 : i32
      %add3A_125 = arith.addi %mul3A_101, %add3A_124 : i32
      %dma_wait3A_126 = arith.constant 0 : i32
      %dma_wait3A_127 = tpu.memref_slice %arg7[%add3A_125, %dma_wait3A_126] : memref<40x256xi32, #tpu.memory_space<vmem>> -> memref<1x256xi32, #tpu.memory_space<vmem>>
      %dma_wait3A_128 = tpu.memref_squeeze %dma_wait3A_127 : memref<1x256xi32, #tpu.memory_space<vmem>> -> memref<256xi32, #tpu.memory_space<vmem>>
      %dma_wait3A_129 = arith.constant 0 : i32
      %dma_wait3A_130 = arith.constant 0 : i32
      %dma_wait3A_131 = tpu.memref_slice %arg2[%dma_wait3A_129, %dma_wait3A_130] : memref<40000x64xf32, #tpu.memory_space<hbm>> -> memref<40000x64xf32, #tpu.memory_space<hbm>>
      tpu.wait_indirect_dma semaphore(%arg14 : memref<!tpu.dma_semaphore, #tpu.memory_space<semaphore_mem>>) src(%dma_wait3A_131 : memref<40000x64xf32, #tpu.memory_space<hbm>>) dst(%arg10 : memref<256x64xf32, #tpu.memory_space<vmem>>)
      %add3A_132 = arith.constant 1 : i32
      %add3A_133 = arith.addi %mul3A_101, %add3A_132 : i32
      "tpu.region"() ({
        %run_scoped3A_134 = tpu.sem_alloc : memref<!tpu.dma_semaphore, #tpu.memory_space<semaphore_mem>>
        %dma_start3A_135 = arith.constant 0 : i32
        %dma_start3A_136 = tpu.memref_slice %arg8[%add3A_133, %dma_start3A_135] : memref<40x256xi32, #tpu.memory_space<vmem>> -> memref<1x256xi32, #tpu.memory_space<vmem>>
        %dma_start3A_137 = tpu.memref_squeeze %dma_start3A_136 : memref<1x256xi32, #tpu.memory_space<vmem>> -> memref<256xi32, #tpu.memory_space<vmem>>
        %dma_start3A_138 = arith.constant 0 : i32
        %dma_start3A_139 = arith.constant 0 : i32
        %dma_start3A_140 = tpu.memref_slice %arg12[%dma_start3A_138, %dma_start3A_139] : memref<10112x64xf32, #tpu.memory_space<vmem_shared>> -> memref<10112x64xf32, #tpu.memory_space<vmem_shared>>
        tpu.enqueue_indirect_dma source(%arg10 : memref<256x64xf32, #tpu.memory_space<vmem>>) target(%dma_start3A_140 : memref<10112x64xf32, #tpu.memory_space<vmem_shared>>) offsets(%dma_start3A_137 : memref<256xi32, #tpu.memory_space<vmem>>) semaphore(%run_scoped3A_134 : memref<!tpu.dma_semaphore, #tpu.memory_space<semaphore_mem>>) {add = true}
        %dma_wait3A_141 = arith.constant 0 : i32
        %dma_wait3A_142 = tpu.memref_slice %arg8[%add3A_133, %dma_wait3A_141] : memref<40x256xi32, #tpu.memory_space<vmem>> -> memref<1x256xi32, #tpu.memory_space<vmem>>
        %dma_wait3A_143 = tpu.memref_squeeze %dma_wait3A_142 : memref<1x256xi32, #tpu.memory_space<vmem>> -> memref<256xi32, #tpu.memory_space<vmem>>
        %dma_wait3A_144 = arith.constant 0 : i32
        %dma_wait3A_145 = arith.constant 0 : i32
        %dma_wait3A_146 = tpu.memref_slice %arg12[%dma_wait3A_144, %dma_wait3A_145] : memref<10112x64xf32, #tpu.memory_space<vmem_shared>> -> memref<10112x64xf32, #tpu.memory_space<vmem_shared>>
        tpu.wait_indirect_dma semaphore(%run_scoped3A_134 : memref<!tpu.dma_semaphore, #tpu.memory_space<semaphore_mem>>) src(%arg10 : memref<256x64xf32, #tpu.memory_space<vmem>>) dst(%dma_wait3A_146 : memref<10112x64xf32, #tpu.memory_space<vmem_shared>>)
        tpu.yield
      }) : () -> ()
    }
    %scan3A_71 = arith.constant 19 : i32
    %dma_start3A_72 = arith.constant 39 : i32
    %dma_start3A_73 = arith.constant 0 : i32
    %dma_start3A_74 = tpu.memref_slice %arg7[%dma_start3A_72, %dma_start3A_73] : memref<40x256xi32, #tpu.memory_space<vmem>> -> memref<1x256xi32, #tpu.memory_space<vmem>>
    %dma_start3A_75 = tpu.memref_squeeze %dma_start3A_74 : memref<1x256xi32, #tpu.memory_space<vmem>> -> memref<256xi32, #tpu.memory_space<vmem>>
    %dma_start3A_76 = arith.constant 0 : i32
    %dma_start3A_77 = arith.constant 0 : i32
    %dma_start3A_78 = tpu.memref_slice %arg2[%dma_start3A_76, %dma_start3A_77] : memref<40000x64xf32, #tpu.memory_space<hbm>> -> memref<40000x64xf32, #tpu.memory_space<hbm>>
    tpu.enqueue_indirect_dma source(%dma_start3A_78 : memref<40000x64xf32, #tpu.memory_space<hbm>>) target(%arg10 : memref<256x64xf32, #tpu.memory_space<vmem>>) offsets(%dma_start3A_75 : memref<256xi32, #tpu.memory_space<vmem>>) semaphore(%arg14 : memref<!tpu.dma_semaphore, #tpu.memory_space<semaphore_mem>>)
    %dma_wait3A_79 = arith.constant 38 : i32
    %dma_wait3A_80 = arith.constant 0 : i32
    %dma_wait3A_81 = tpu.memref_slice %arg7[%dma_wait3A_79, %dma_wait3A_80] : memref<40x256xi32, #tpu.memory_space<vmem>> -> memref<1x256xi32, #tpu.memory_space<vmem>>
    %dma_wait3A_82 = tpu.memref_squeeze %dma_wait3A_81 : memref<1x256xi32, #tpu.memory_space<vmem>> -> memref<256xi32, #tpu.memory_space<vmem>>
    %dma_wait3A_83 = arith.constant 0 : i32
    %dma_wait3A_84 = arith.constant 0 : i32
    %dma_wait3A_85 = tpu.memref_slice %arg2[%dma_wait3A_83, %dma_wait3A_84] : memref<40000x64xf32, #tpu.memory_space<hbm>> -> memref<40000x64xf32, #tpu.memory_space<hbm>>
    tpu.wait_indirect_dma semaphore(%arg13 : memref<!tpu.dma_semaphore, #tpu.memory_space<semaphore_mem>>) src(%dma_wait3A_85 : memref<40000x64xf32, #tpu.memory_space<hbm>>) dst(%arg9 : memref<256x64xf32, #tpu.memory_space<vmem>>)
    %run_scoped3A_86 = arith.constant 38 : i32
    "tpu.region"() ({
      %run_scoped3A_99 = tpu.sem_alloc : memref<!tpu.dma_semaphore, #tpu.memory_space<semaphore_mem>>
      %dma_start3A_100 = arith.constant 0 : i32
      %dma_start3A_101 = tpu.memref_slice %arg8[%run_scoped3A_86, %dma_start3A_100] : memref<40x256xi32, #tpu.memory_space<vmem>> -> memref<1x256xi32, #tpu.memory_space<vmem>>
      %dma_start3A_102 = tpu.memref_squeeze %dma_start3A_101 : memref<1x256xi32, #tpu.memory_space<vmem>> -> memref<256xi32, #tpu.memory_space<vmem>>
      %dma_start3A_103 = arith.constant 0 : i32
      %dma_start3A_104 = arith.constant 0 : i32
      %dma_start3A_105 = tpu.memref_slice %arg12[%dma_start3A_103, %dma_start3A_104] : memref<10112x64xf32, #tpu.memory_space<vmem_shared>> -> memref<10112x64xf32, #tpu.memory_space<vmem_shared>>
      tpu.enqueue_indirect_dma source(%arg9 : memref<256x64xf32, #tpu.memory_space<vmem>>) target(%dma_start3A_105 : memref<10112x64xf32, #tpu.memory_space<vmem_shared>>) offsets(%dma_start3A_102 : memref<256xi32, #tpu.memory_space<vmem>>) semaphore(%run_scoped3A_99 : memref<!tpu.dma_semaphore, #tpu.memory_space<semaphore_mem>>) {add = true}
      %dma_wait3A_106 = arith.constant 0 : i32
      %dma_wait3A_107 = tpu.memref_slice %arg8[%run_scoped3A_86, %dma_wait3A_106] : memref<40x256xi32, #tpu.memory_space<vmem>> -> memref<1x256xi32, #tpu.memory_space<vmem>>
      %dma_wait3A_108 = tpu.memref_squeeze %dma_wait3A_107 : memref<1x256xi32, #tpu.memory_space<vmem>> -> memref<256xi32, #tpu.memory_space<vmem>>
      %dma_wait3A_109 = arith.constant 0 : i32
      %dma_wait3A_110 = arith.constant 0 : i32
      %dma_wait3A_111 = tpu.memref_slice %arg12[%dma_wait3A_109, %dma_wait3A_110] : memref<10112x64xf32, #tpu.memory_space<vmem_shared>> -> memref<10112x64xf32, #tpu.memory_space<vmem_shared>>
      tpu.wait_indirect_dma semaphore(%run_scoped3A_99 : memref<!tpu.dma_semaphore, #tpu.memory_space<semaphore_mem>>) src(%arg9 : memref<256x64xf32, #tpu.memory_space<vmem>>) dst(%dma_wait3A_111 : memref<10112x64xf32, #tpu.memory_space<vmem_shared>>)
      tpu.yield
    }) : () -> ()
    %dma_wait3A_87 = arith.constant 39 : i32
    %dma_wait3A_88 = arith.constant 0 : i32
    %dma_wait3A_89 = tpu.memref_slice %arg7[%dma_wait3A_87, %dma_wait3A_88] : memref<40x256xi32, #tpu.memory_space<vmem>> -> memref<1x256xi32, #tpu.memory_space<vmem>>
    %dma_wait3A_90 = tpu.memref_squeeze %dma_wait3A_89 : memref<1x256xi32, #tpu.memory_space<vmem>> -> memref<256xi32, #tpu.memory_space<vmem>>
    %dma_wait3A_91 = arith.constant 0 : i32
    %dma_wait3A_92 = arith.constant 0 : i32
    %dma_wait3A_93 = tpu.memref_slice %arg2[%dma_wait3A_91, %dma_wait3A_92] : memref<40000x64xf32, #tpu.memory_space<hbm>> -> memref<40000x64xf32, #tpu.memory_space<hbm>>
    tpu.wait_indirect_dma semaphore(%arg14 : memref<!tpu.dma_semaphore, #tpu.memory_space<semaphore_mem>>) src(%dma_wait3A_93 : memref<40000x64xf32, #tpu.memory_space<hbm>>) dst(%arg10 : memref<256x64xf32, #tpu.memory_space<vmem>>)
    %run_scoped3A_94 = arith.constant 39 : i32
    "tpu.region"() ({
      %run_scoped3A_99 = tpu.sem_alloc : memref<!tpu.dma_semaphore, #tpu.memory_space<semaphore_mem>>
      %dma_start3A_100 = arith.constant 0 : i32
      %dma_start3A_101 = tpu.memref_slice %arg8[%run_scoped3A_94, %dma_start3A_100] : memref<40x256xi32, #tpu.memory_space<vmem>> -> memref<1x256xi32, #tpu.memory_space<vmem>>
      %dma_start3A_102 = tpu.memref_squeeze %dma_start3A_101 : memref<1x256xi32, #tpu.memory_space<vmem>> -> memref<256xi32, #tpu.memory_space<vmem>>
      %dma_start3A_103 = arith.constant 0 : i32
      %dma_start3A_104 = arith.constant 0 : i32
      %dma_start3A_105 = tpu.memref_slice %arg12[%dma_start3A_103, %dma_start3A_104] : memref<10112x64xf32, #tpu.memory_space<vmem_shared>> -> memref<10112x64xf32, #tpu.memory_space<vmem_shared>>
      tpu.enqueue_indirect_dma source(%arg10 : memref<256x64xf32, #tpu.memory_space<vmem>>) target(%dma_start3A_105 : memref<10112x64xf32, #tpu.memory_space<vmem_shared>>) offsets(%dma_start3A_102 : memref<256xi32, #tpu.memory_space<vmem>>) semaphore(%run_scoped3A_99 : memref<!tpu.dma_semaphore, #tpu.memory_space<semaphore_mem>>) {add = true}
      %dma_wait3A_106 = arith.constant 0 : i32
      %dma_wait3A_107 = tpu.memref_slice %arg8[%run_scoped3A_94, %dma_wait3A_106] : memref<40x256xi32, #tpu.memory_space<vmem>> -> memref<1x256xi32, #tpu.memory_space<vmem>>
      %dma_wait3A_108 = tpu.memref_squeeze %dma_wait3A_107 : memref<1x256xi32, #tpu.memory_space<vmem>> -> memref<256xi32, #tpu.memory_space<vmem>>
      %dma_wait3A_109 = arith.constant 0 : i32
      %dma_wait3A_110 = arith.constant 0 : i32
      %dma_wait3A_111 = tpu.memref_slice %arg12[%dma_wait3A_109, %dma_wait3A_110] : memref<10112x64xf32, #tpu.memory_space<vmem_shared>> -> memref<10112x64xf32, #tpu.memory_space<vmem_shared>>
      tpu.wait_indirect_dma semaphore(%run_scoped3A_99 : memref<!tpu.dma_semaphore, #tpu.memory_space<semaphore_mem>>) src(%arg10 : memref<256x64xf32, #tpu.memory_space<vmem>>) dst(%dma_wait3A_111 : memref<10112x64xf32, #tpu.memory_space<vmem_shared>>)
      tpu.yield
    }) : () -> ()
    %barrier3A_95 = arith.constant 0 : index
    tpu.barrier barrier_id(%barrier3A_95)
    %mul3A_96 = arith.constant 64 : i32
    %mul3A_97 = arith.muli %arg0, %mul3A_96 : i32
    %run_scoped3A_98 = arith.constant 1 : i32
    "tpu.region"() ({
      %run_scoped3A_99 = tpu.sem_alloc : memref<!tpu.dma_semaphore, #tpu.memory_space<semaphore_mem>>
      %dma_start3A_100 = tpu.memref_slice %arg6[%run_scoped3A_98, %mul3A_0, %mul3A_97] : memref<2x10112x128xf32, #tpu.memory_space<hbm>> -> memref<1x632x64xf32, #tpu.memory_space<hbm>>
      %dma_start3A_101 = tpu.memref_squeeze %dma_start3A_100 : memref<1x632x64xf32, #tpu.memory_space<hbm>> -> memref<632x64xf32, #tpu.memory_space<hbm>>
      %dma_start3A_102 = arith.constant 0 : i32
      %dma_start3A_103 = tpu.memref_slice %arg12[%mul3A_0, %dma_start3A_102] : memref<10112x64xf32, #tpu.memory_space<vmem_shared>> -> memref<632x64xf32, #tpu.memory_space<vmem_shared>>
      tpu.enqueue_dma source(%dma_start3A_103 : memref<632x64xf32, #tpu.memory_space<vmem_shared>>) target(%dma_start3A_101 : memref<632x64xf32, #tpu.memory_space<hbm>>) target_semaphore(%run_scoped3A_99 : memref<!tpu.dma_semaphore, #tpu.memory_space<semaphore_mem>>)
      %dma_wait3A_104 = tpu.memref_slice %arg6[%run_scoped3A_98, %mul3A_0, %mul3A_97] : memref<2x10112x128xf32, #tpu.memory_space<hbm>> -> memref<1x632x64xf32, #tpu.memory_space<hbm>>
      %dma_wait3A_105 = tpu.memref_squeeze %dma_wait3A_104 : memref<1x632x64xf32, #tpu.memory_space<hbm>> -> memref<632x64xf32, #tpu.memory_space<hbm>>
      %dma_wait3A_106 = arith.constant 0 : i32
      %dma_wait3A_107 = tpu.memref_slice %arg12[%mul3A_0, %dma_wait3A_106] : memref<10112x64xf32, #tpu.memory_space<vmem_shared>> -> memref<632x64xf32, #tpu.memory_space<vmem_shared>>
      tpu.wait_dma2 semaphore(%run_scoped3A_99 : memref<!tpu.dma_semaphore, #tpu.memory_space<semaphore_mem>>) src(%dma_wait3A_107 : memref<632x64xf32, #tpu.memory_space<vmem_shared>>) dst(%dma_wait3A_105 : memref<632x64xf32, #tpu.memory_space<hbm>>)
      tpu.yield
    }) : () -> ()
    return
  }
}

#map = affine_map<(d0, d1) -> (0, 0)>
#map1 = affine_map<(d0, d1) -> (0, 0, 0, 0, 0)>
#map2 = affine_map<(d0, d1) -> (0, 0, 0)>
module attributes {stable_mosaic.version = 14 : i64} {
  func.func @_sc_edge_body(%arg0: i32, %arg1: i32, %arg2: memref<40000x64xf32, #tpu.memory_space<hbm>>, %arg3: memref<2x2x16x40x256xi32, #tpu.memory_space<hbm>>, %arg4: memref<16x40x256xi32, #tpu.memory_space<hbm>>, %arg5: memref<128x64xf32, #tpu.memory_space<hbm>>, %arg6: memref<2x10112x128xf32, #tpu.memory_space<hbm>>, %arg7: memref<40x256xi32, #tpu.memory_space<vmem>>, %arg8: memref<40x256xi32, #tpu.memory_space<vmem>>, %arg9: memref<256x64xf32, #tpu.memory_space<vmem>>, %arg10: memref<256x64xf32, #tpu.memory_space<vmem>>, %arg11: memref<128x64xf32, #tpu.memory_space<vmem>>, %arg12: memref<10112x64xf32, #tpu.memory_space<vmem_shared>>, %arg13: memref<!tpu.dma_semaphore, #tpu.memory_space<semaphore_mem>>, %arg14: memref<!tpu.dma_semaphore, #tpu.memory_space<semaphore_mem>>) attributes {dimension_semantics = [#tpu.dimension_semantics<core_parallel>, #tpu.dimension_semantics<subcore_parallel>], iteration_bounds = array<i64: 2, 16>, scalar_prefetch = 0 : i64, scratch_operands = 8 : i64, tpu.core_type = #tpu.core_type<sc_vector_subcore>, window_params = [{transform_indices = #map}, {transform_indices = #map1}, {transform_indices = #map2}, {transform_indices = #map}, {transform_indices = #map2}]} {
    %mul3A = arith.constant 632 : i32
    %mul3A_0 = arith.muli %arg1, %mul3A : i32
    "tpu.region"() ({
      %run_scoped3A_99 = tpu.sem_alloc : memref<!tpu.dma_semaphore, #tpu.memory_space<semaphore_mem>>
      %dma_start3A_100 = arith.constant 0 : i32
      %dma_start3A_101 = arith.constant 0 : i32
      %dma_start3A_102 = tpu.memref_slice %arg4[%arg1, %dma_start3A_100, %dma_start3A_101] : memref<16x40x256xi32, #tpu.memory_space<hbm>> -> memref<1x40x256xi32, #tpu.memory_space<hbm>>
      %dma_start3A_103 = tpu.memref_squeeze %dma_start3A_102 : memref<1x40x256xi32, #tpu.memory_space<hbm>> -> memref<40x256xi32, #tpu.memory_space<hbm>>
      %dma_start3A_104 = arith.constant 0 : i32
      %dma_start3A_105 = arith.constant 0 : i32
      %dma_start3A_106 = tpu.memref_slice %arg4[%arg1, %dma_start3A_104, %dma_start3A_105] : memref<16x40x256xi32, #tpu.memory_space<hbm>> -> memref<1x40x256xi32, #tpu.memory_space<hbm>>
      %dma_start3A_107 = tpu.memref_squeeze %dma_start3A_106 : memref<1x40x256xi32, #tpu.memory_space<hbm>> -> memref<40x256xi32, #tpu.memory_space<hbm>>
      tpu.enqueue_dma source(%dma_start3A_107 : memref<40x256xi32, #tpu.memory_space<hbm>>) target(%arg8 : memref<40x256xi32, #tpu.memory_space<vmem>>) target_semaphore(%run_scoped3A_99 : memref<!tpu.dma_semaphore, #tpu.memory_space<semaphore_mem>>)
      %dma_wait3A_108 = arith.constant 0 : i32
      %dma_wait3A_109 = arith.constant 0 : i32
      %dma_wait3A_110 = tpu.memref_slice %arg4[%arg1, %dma_wait3A_108, %dma_wait3A_109] : memref<16x40x256xi32, #tpu.memory_space<hbm>> -> memref<1x40x256xi32, #tpu.memory_space<hbm>>
      %dma_wait3A_111 = tpu.memref_squeeze %dma_wait3A_110 : memref<1x40x256xi32, #tpu.memory_space<hbm>> -> memref<40x256xi32, #tpu.memory_space<hbm>>
      %dma_wait3A_112 = arith.constant 0 : i32
      %dma_wait3A_113 = arith.constant 0 : i32
      %dma_wait3A_114 = tpu.memref_slice %arg4[%arg1, %dma_wait3A_112, %dma_wait3A_113] : memref<16x40x256xi32, #tpu.memory_space<hbm>> -> memref<1x40x256xi32, #tpu.memory_space<hbm>>
      %dma_wait3A_115 = tpu.memref_squeeze %dma_wait3A_114 : memref<1x40x256xi32, #tpu.memory_space<hbm>> -> memref<40x256xi32, #tpu.memory_space<hbm>>
      tpu.wait_dma2 semaphore(%run_scoped3A_99 : memref<!tpu.dma_semaphore, #tpu.memory_space<semaphore_mem>>) src(%dma_wait3A_115 : memref<40x256xi32, #tpu.memory_space<hbm>>) dst(%arg8 : memref<40x256xi32, #tpu.memory_space<vmem>>)
      tpu.yield
    }) : () -> ()
    "tpu.region"() ({
      %run_scoped3A_99 = tpu.sem_alloc : memref<!tpu.dma_semaphore, #tpu.memory_space<semaphore_mem>>
      tpu.enqueue_dma source(%arg5 : memref<128x64xf32, #tpu.memory_space<hbm>>) target(%arg11 : memref<128x64xf32, #tpu.memory_space<vmem>>) target_semaphore(%run_scoped3A_99 : memref<!tpu.dma_semaphore, #tpu.memory_space<semaphore_mem>>)
      tpu.wait_dma2 semaphore(%run_scoped3A_99 : memref<!tpu.dma_semaphore, #tpu.memory_space<semaphore_mem>>) src(%arg5 : memref<128x64xf32, #tpu.memory_space<hbm>>) dst(%arg11 : memref<128x64xf32, #tpu.memory_space<vmem>>)
      tpu.yield
    }) : () -> ()
    %run_scoped3A = arith.constant 0 : i32
    "tpu.region"() ({
      %run_scoped3A_99 = tpu.sem_alloc : memref<!tpu.dma_semaphore, #tpu.memory_space<semaphore_mem>>
      %dma_start3A_100 = arith.constant 0 : i32
      %dma_start3A_101 = arith.constant 0 : i32
      %dma_start3A_102 = tpu.memref_slice %arg3[%arg0, %run_scoped3A, %arg1, %dma_start3A_100, %dma_start3A_101] : memref<2x2x16x40x256xi32, #tpu.memory_space<hbm>> -> memref<1x1x1x40x256xi32, #tpu.memory_space<hbm>>
      %dma_start3A_103 = tpu.memref_squeeze %dma_start3A_102 : memref<1x1x1x40x256xi32, #tpu.memory_space<hbm>> -> memref<40x256xi32, #tpu.memory_space<hbm>>
      %dma_start3A_104 = arith.constant 0 : i32
      %dma_start3A_105 = arith.constant 0 : i32
      %dma_start3A_106 = tpu.memref_slice %arg3[%arg0, %run_scoped3A, %arg1, %dma_start3A_104, %dma_start3A_105] : memref<2x2x16x40x256xi32, #tpu.memory_space<hbm>> -> memref<1x1x1x40x256xi32, #tpu.memory_space<hbm>>
      %dma_start3A_107 = tpu.memref_squeeze %dma_start3A_106 : memref<1x1x1x40x256xi32, #tpu.memory_space<hbm>> -> memref<40x256xi32, #tpu.memory_space<hbm>>
      tpu.enqueue_dma source(%dma_start3A_107 : memref<40x256xi32, #tpu.memory_space<hbm>>) target(%arg7 : memref<40x256xi32, #tpu.memory_space<vmem>>) target_semaphore(%run_scoped3A_99 : memref<!tpu.dma_semaphore, #tpu.memory_space<semaphore_mem>>)
      %dma_wait3A_108 = arith.constant 0 : i32
      %dma_wait3A_109 = arith.constant 0 : i32
      %dma_wait3A_110 = tpu.memref_slice %arg3[%arg0, %run_scoped3A, %arg1, %dma_wait3A_108, %dma_wait3A_109] : memref<2x2x16x40x256xi32, #tpu.memory_space<hbm>> -> memref<1x1x1x40x256xi32, #tpu.memory_space<hbm>>
      %dma_wait3A_111 = tpu.memref_squeeze %dma_wait3A_110 : memref<1x1x1x40x256xi32, #tpu.memory_space<hbm>> -> memref<40x256xi32, #tpu.memory_space<hbm>>
      %dma_wait3A_112 = arith.constant 0 : i32
      %dma_wait3A_113 = arith.constant 0 : i32
      %dma_wait3A_114 = tpu.memref_slice %arg3[%arg0, %run_scoped3A, %arg1, %dma_wait3A_112, %dma_wait3A_113] : memref<2x2x16x40x256xi32, #tpu.memory_space<hbm>> -> memref<1x1x1x40x256xi32, #tpu.memory_space<hbm>>
      %dma_wait3A_115 = tpu.memref_squeeze %dma_wait3A_114 : memref<1x1x1x40x256xi32, #tpu.memory_space<hbm>> -> memref<40x256xi32, #tpu.memory_space<hbm>>
      tpu.wait_dma2 semaphore(%run_scoped3A_99 : memref<!tpu.dma_semaphore, #tpu.memory_space<semaphore_mem>>) src(%dma_wait3A_115 : memref<40x256xi32, #tpu.memory_space<hbm>>) dst(%arg7 : memref<40x256xi32, #tpu.memory_space<vmem>>)
      tpu.yield
    }) : () -> ()
    %add3A = arith.constant 0 : i32
    %add3A_1 = arith.addi %mul3A_0, %add3A : i32
    "tpu.region"() ({
      %run_scoped3A_99 = tpu.sem_alloc : memref<!tpu.dma_semaphore, #tpu.memory_space<semaphore_mem>>
      %dma_start3A_100 = arith.constant 0 : i32
      %dma_start3A_101 = tpu.memref_slice %arg12[%add3A_1, %dma_start3A_100] : memref<10112x64xf32, #tpu.memory_space<vmem_shared>> -> memref<128x64xf32, #tpu.memory_space<vmem_shared>>
      %dma_start3A_102 = arith.constant 0 : i32
      %dma_start3A_103 = tpu.memref_slice %arg12[%add3A_1, %dma_start3A_102] : memref<10112x64xf32, #tpu.memory_space<vmem_shared>> -> memref<128x64xf32, #tpu.memory_space<vmem_shared>>
      tpu.enqueue_dma source(%arg11 : memref<128x64xf32, #tpu.memory_space<vmem>>) target(%dma_start3A_103 : memref<128x64xf32, #tpu.memory_space<vmem_shared>>) target_semaphore(%run_scoped3A_99 : memref<!tpu.dma_semaphore, #tpu.memory_space<semaphore_mem>>)
      %dma_wait3A_104 = arith.constant 0 : i32
      %dma_wait3A_105 = tpu.memref_slice %arg12[%add3A_1, %dma_wait3A_104] : memref<10112x64xf32, #tpu.memory_space<vmem_shared>> -> memref<128x64xf32, #tpu.memory_space<vmem_shared>>
      %dma_wait3A_106 = arith.constant 0 : i32
      %dma_wait3A_107 = tpu.memref_slice %arg12[%add3A_1, %dma_wait3A_106] : memref<10112x64xf32, #tpu.memory_space<vmem_shared>> -> memref<128x64xf32, #tpu.memory_space<vmem_shared>>
      tpu.wait_dma2 semaphore(%run_scoped3A_99 : memref<!tpu.dma_semaphore, #tpu.memory_space<semaphore_mem>>) src(%arg11 : memref<128x64xf32, #tpu.memory_space<vmem>>) dst(%dma_wait3A_107 : memref<128x64xf32, #tpu.memory_space<vmem_shared>>)
      tpu.yield
    }) : () -> ()
    %add3A_2 = arith.constant 128 : i32
    %add3A_3 = arith.addi %mul3A_0, %add3A_2 : i32
    "tpu.region"() ({
      %run_scoped3A_99 = tpu.sem_alloc : memref<!tpu.dma_semaphore, #tpu.memory_space<semaphore_mem>>
      %dma_start3A_100 = arith.constant 0 : i32
      %dma_start3A_101 = tpu.memref_slice %arg12[%add3A_3, %dma_start3A_100] : memref<10112x64xf32, #tpu.memory_space<vmem_shared>> -> memref<128x64xf32, #tpu.memory_space<vmem_shared>>
      %dma_start3A_102 = arith.constant 0 : i32
      %dma_start3A_103 = tpu.memref_slice %arg12[%add3A_3, %dma_start3A_102] : memref<10112x64xf32, #tpu.memory_space<vmem_shared>> -> memref<128x64xf32, #tpu.memory_space<vmem_shared>>
      tpu.enqueue_dma source(%arg11 : memref<128x64xf32, #tpu.memory_space<vmem>>) target(%dma_start3A_103 : memref<128x64xf32, #tpu.memory_space<vmem_shared>>) target_semaphore(%run_scoped3A_99 : memref<!tpu.dma_semaphore, #tpu.memory_space<semaphore_mem>>)
      %dma_wait3A_104 = arith.constant 0 : i32
      %dma_wait3A_105 = tpu.memref_slice %arg12[%add3A_3, %dma_wait3A_104] : memref<10112x64xf32, #tpu.memory_space<vmem_shared>> -> memref<128x64xf32, #tpu.memory_space<vmem_shared>>
      %dma_wait3A_106 = arith.constant 0 : i32
      %dma_wait3A_107 = tpu.memref_slice %arg12[%add3A_3, %dma_wait3A_106] : memref<10112x64xf32, #tpu.memory_space<vmem_shared>> -> memref<128x64xf32, #tpu.memory_space<vmem_shared>>
      tpu.wait_dma2 semaphore(%run_scoped3A_99 : memref<!tpu.dma_semaphore, #tpu.memory_space<semaphore_mem>>) src(%arg11 : memref<128x64xf32, #tpu.memory_space<vmem>>) dst(%dma_wait3A_107 : memref<128x64xf32, #tpu.memory_space<vmem_shared>>)
      tpu.yield
    }) : () -> ()
    %add3A_4 = arith.constant 256 : i32
    %add3A_5 = arith.addi %mul3A_0, %add3A_4 : i32
    "tpu.region"() ({
      %run_scoped3A_99 = tpu.sem_alloc : memref<!tpu.dma_semaphore, #tpu.memory_space<semaphore_mem>>
      %dma_start3A_100 = arith.constant 0 : i32
      %dma_start3A_101 = tpu.memref_slice %arg12[%add3A_5, %dma_start3A_100] : memref<10112x64xf32, #tpu.memory_space<vmem_shared>> -> memref<128x64xf32, #tpu.memory_space<vmem_shared>>
      %dma_start3A_102 = arith.constant 0 : i32
      %dma_start3A_103 = tpu.memref_slice %arg12[%add3A_5, %dma_start3A_102] : memref<10112x64xf32, #tpu.memory_space<vmem_shared>> -> memref<128x64xf32, #tpu.memory_space<vmem_shared>>
      tpu.enqueue_dma source(%arg11 : memref<128x64xf32, #tpu.memory_space<vmem>>) target(%dma_start3A_103 : memref<128x64xf32, #tpu.memory_space<vmem_shared>>) target_semaphore(%run_scoped3A_99 : memref<!tpu.dma_semaphore, #tpu.memory_space<semaphore_mem>>)
      %dma_wait3A_104 = arith.constant 0 : i32
      %dma_wait3A_105 = tpu.memref_slice %arg12[%add3A_5, %dma_wait3A_104] : memref<10112x64xf32, #tpu.memory_space<vmem_shared>> -> memref<128x64xf32, #tpu.memory_space<vmem_shared>>
      %dma_wait3A_106 = arith.constant 0 : i32
      %dma_wait3A_107 = tpu.memref_slice %arg12[%add3A_5, %dma_wait3A_106] : memref<10112x64xf32, #tpu.memory_space<vmem_shared>> -> memref<128x64xf32, #tpu.memory_space<vmem_shared>>
      tpu.wait_dma2 semaphore(%run_scoped3A_99 : memref<!tpu.dma_semaphore, #tpu.memory_space<semaphore_mem>>) src(%arg11 : memref<128x64xf32, #tpu.memory_space<vmem>>) dst(%dma_wait3A_107 : memref<128x64xf32, #tpu.memory_space<vmem_shared>>)
      tpu.yield
    }) : () -> ()
    %add3A_6 = arith.constant 384 : i32
    %add3A_7 = arith.addi %mul3A_0, %add3A_6 : i32
    "tpu.region"() ({
      %run_scoped3A_99 = tpu.sem_alloc : memref<!tpu.dma_semaphore, #tpu.memory_space<semaphore_mem>>
      %dma_start3A_100 = arith.constant 0 : i32
      %dma_start3A_101 = tpu.memref_slice %arg12[%add3A_7, %dma_start3A_100] : memref<10112x64xf32, #tpu.memory_space<vmem_shared>> -> memref<128x64xf32, #tpu.memory_space<vmem_shared>>
      %dma_start3A_102 = arith.constant 0 : i32
      %dma_start3A_103 = tpu.memref_slice %arg12[%add3A_7, %dma_start3A_102] : memref<10112x64xf32, #tpu.memory_space<vmem_shared>> -> memref<128x64xf32, #tpu.memory_space<vmem_shared>>
      tpu.enqueue_dma source(%arg11 : memref<128x64xf32, #tpu.memory_space<vmem>>) target(%dma_start3A_103 : memref<128x64xf32, #tpu.memory_space<vmem_shared>>) target_semaphore(%run_scoped3A_99 : memref<!tpu.dma_semaphore, #tpu.memory_space<semaphore_mem>>)
      %dma_wait3A_104 = arith.constant 0 : i32
      %dma_wait3A_105 = tpu.memref_slice %arg12[%add3A_7, %dma_wait3A_104] : memref<10112x64xf32, #tpu.memory_space<vmem_shared>> -> memref<128x64xf32, #tpu.memory_space<vmem_shared>>
      %dma_wait3A_106 = arith.constant 0 : i32
      %dma_wait3A_107 = tpu.memref_slice %arg12[%add3A_7, %dma_wait3A_106] : memref<10112x64xf32, #tpu.memory_space<vmem_shared>> -> memref<128x64xf32, #tpu.memory_space<vmem_shared>>
      tpu.wait_dma2 semaphore(%run_scoped3A_99 : memref<!tpu.dma_semaphore, #tpu.memory_space<semaphore_mem>>) src(%arg11 : memref<128x64xf32, #tpu.memory_space<vmem>>) dst(%dma_wait3A_107 : memref<128x64xf32, #tpu.memory_space<vmem_shared>>)
      tpu.yield
    }) : () -> ()
    %add3A_8 = arith.constant 512 : i32
    %add3A_9 = arith.addi %mul3A_0, %add3A_8 : i32
    "tpu.region"() ({
      %run_scoped3A_99 = tpu.sem_alloc : memref<!tpu.dma_semaphore, #tpu.memory_space<semaphore_mem>>
      %dma_start3A_100 = arith.constant 0 : i32
      %dma_start3A_101 = arith.constant 0 : i32
      %dma_start3A_102 = tpu.memref_slice %arg11[%dma_start3A_100, %dma_start3A_101] : memref<128x64xf32, #tpu.memory_space<vmem>> -> memref<120x64xf32, #tpu.memory_space<vmem>>
      %dma_start3A_103 = arith.constant 0 : i32
      %dma_start3A_104 = tpu.memref_slice %arg12[%add3A_9, %dma_start3A_103] : memref<10112x64xf32, #tpu.memory_space<vmem_shared>> -> memref<120x64xf32, #tpu.memory_space<vmem_shared>>
      %dma_start3A_105 = arith.constant 0 : i32
      %dma_start3A_106 = tpu.memref_slice %arg12[%add3A_9, %dma_start3A_105] : memref<10112x64xf32, #tpu.memory_space<vmem_shared>> -> memref<120x64xf32, #tpu.memory_space<vmem_shared>>
      %dma_start3A_107 = arith.constant 0 : i32
      %dma_start3A_108 = arith.constant 0 : i32
      %dma_start3A_109 = tpu.memref_slice %arg11[%dma_start3A_107, %dma_start3A_108] : memref<128x64xf32, #tpu.memory_space<vmem>> -> memref<120x64xf32, #tpu.memory_space<vmem>>
      tpu.enqueue_dma source(%dma_start3A_109 : memref<120x64xf32, #tpu.memory_space<vmem>>) target(%dma_start3A_106 : memref<120x64xf32, #tpu.memory_space<vmem_shared>>) target_semaphore(%run_scoped3A_99 : memref<!tpu.dma_semaphore, #tpu.memory_space<semaphore_mem>>)
      %dma_wait3A_110 = arith.constant 0 : i32
      %dma_wait3A_111 = arith.constant 0 : i32
      %dma_wait3A_112 = tpu.memref_slice %arg11[%dma_wait3A_110, %dma_wait3A_111] : memref<128x64xf32, #tpu.memory_space<vmem>> -> memref<120x64xf32, #tpu.memory_space<vmem>>
      %dma_wait3A_113 = arith.constant 0 : i32
      %dma_wait3A_114 = tpu.memref_slice %arg12[%add3A_9, %dma_wait3A_113] : memref<10112x64xf32, #tpu.memory_space<vmem_shared>> -> memref<120x64xf32, #tpu.memory_space<vmem_shared>>
      %dma_wait3A_115 = arith.constant 0 : i32
      %dma_wait3A_116 = tpu.memref_slice %arg12[%add3A_9, %dma_wait3A_115] : memref<10112x64xf32, #tpu.memory_space<vmem_shared>> -> memref<120x64xf32, #tpu.memory_space<vmem_shared>>
      %dma_wait3A_117 = arith.constant 0 : i32
      %dma_wait3A_118 = arith.constant 0 : i32
      %dma_wait3A_119 = tpu.memref_slice %arg11[%dma_wait3A_117, %dma_wait3A_118] : memref<128x64xf32, #tpu.memory_space<vmem>> -> memref<120x64xf32, #tpu.memory_space<vmem>>
      tpu.wait_dma2 semaphore(%run_scoped3A_99 : memref<!tpu.dma_semaphore, #tpu.memory_space<semaphore_mem>>) src(%dma_wait3A_119 : memref<120x64xf32, #tpu.memory_space<vmem>>) dst(%dma_wait3A_116 : memref<120x64xf32, #tpu.memory_space<vmem_shared>>)
      tpu.yield
    }) : () -> ()
    %barrier3A = arith.constant 0 : index
    tpu.barrier barrier_id(%barrier3A)
    %dma_start3A = arith.constant 0 : i32
    %dma_start3A_10 = arith.constant 0 : i32
    %dma_start3A_11 = tpu.memref_slice %arg7[%dma_start3A, %dma_start3A_10] : memref<40x256xi32, #tpu.memory_space<vmem>> -> memref<1x256xi32, #tpu.memory_space<vmem>>
    %dma_start3A_12 = tpu.memref_squeeze %dma_start3A_11 : memref<1x256xi32, #tpu.memory_space<vmem>> -> memref<256xi32, #tpu.memory_space<vmem>>
    %dma_start3A_13 = arith.constant 0 : i32
    %dma_start3A_14 = arith.constant 0 : i32
    %dma_start3A_15 = tpu.memref_slice %arg2[%dma_start3A_13, %dma_start3A_14] : memref<40000x64xf32, #tpu.memory_space<hbm>> -> memref<40000x64xf32, #tpu.memory_space<hbm>>
    tpu.enqueue_indirect_dma source(%dma_start3A_15 : memref<40000x64xf32, #tpu.memory_space<hbm>>) target(%arg9 : memref<256x64xf32, #tpu.memory_space<vmem>>) offsets(%dma_start3A_12 : memref<256xi32, #tpu.memory_space<vmem>>) semaphore(%arg13 : memref<!tpu.dma_semaphore, #tpu.memory_space<semaphore_mem>>)
    %scan3A = arith.constant 0 : i32
    %scan3A_16 = arith.constant 0 : i32
    %scan3A_17 = arith.constant 19 : i32
    %scan3A_18 = arith.addi %scan3A_16, %scan3A_17 : i32
    %scan3A_19 = arith.constant 1 : i32
    scf.for %scan3A_99 = %scan3A_16 to %scan3A_18 step %scan3A_19  : i32 {
      %mul3A_100 = arith.constant 2 : i32
      %mul3A_101 = arith.muli %mul3A_100, %scan3A_99 : i32
      %add3A_102 = arith.constant 1 : i32
      %add3A_103 = arith.addi %mul3A_101, %add3A_102 : i32
      %dma_start3A_104 = arith.constant 0 : i32
      %dma_start3A_105 = tpu.memref_slice %arg7[%add3A_103, %dma_start3A_104] : memref<40x256xi32, #tpu.memory_space<vmem>> -> memref<1x256xi32, #tpu.memory_space<vmem>>
      %dma_start3A_106 = tpu.memref_squeeze %dma_start3A_105 : memref<1x256xi32, #tpu.memory_space<vmem>> -> memref<256xi32, #tpu.memory_space<vmem>>
      %dma_start3A_107 = arith.constant 0 : i32
      %dma_start3A_108 = arith.constant 0 : i32
      %dma_start3A_109 = tpu.memref_slice %arg2[%dma_start3A_107, %dma_start3A_108] : memref<40000x64xf32, #tpu.memory_space<hbm>> -> memref<40000x64xf32, #tpu.memory_space<hbm>>
      tpu.enqueue_indirect_dma source(%dma_start3A_109 : memref<40000x64xf32, #tpu.memory_space<hbm>>) target(%arg10 : memref<256x64xf32, #tpu.memory_space<vmem>>) offsets(%dma_start3A_106 : memref<256xi32, #tpu.memory_space<vmem>>) semaphore(%arg14 : memref<!tpu.dma_semaphore, #tpu.memory_space<semaphore_mem>>)
      %dma_wait3A_110 = arith.constant 0 : i32
      %dma_wait3A_111 = tpu.memref_slice %arg7[%mul3A_101, %dma_wait3A_110] : memref<40x256xi32, #tpu.memory_space<vmem>> -> memref<1x256xi32, #tpu.memory_space<vmem>>
      %dma_wait3A_112 = tpu.memref_squeeze %dma_wait3A_111 : memref<1x256xi32, #tpu.memory_space<vmem>> -> memref<256xi32, #tpu.memory_space<vmem>>
      %dma_wait3A_113 = arith.constant 0 : i32
      %dma_wait3A_114 = arith.constant 0 : i32
      %dma_wait3A_115 = tpu.memref_slice %arg2[%dma_wait3A_113, %dma_wait3A_114] : memref<40000x64xf32, #tpu.memory_space<hbm>> -> memref<40000x64xf32, #tpu.memory_space<hbm>>
      tpu.wait_indirect_dma semaphore(%arg13 : memref<!tpu.dma_semaphore, #tpu.memory_space<semaphore_mem>>) src(%dma_wait3A_115 : memref<40000x64xf32, #tpu.memory_space<hbm>>) dst(%arg9 : memref<256x64xf32, #tpu.memory_space<vmem>>)
      "tpu.region"() ({
        %run_scoped3A_134 = tpu.sem_alloc : memref<!tpu.dma_semaphore, #tpu.memory_space<semaphore_mem>>
        %dma_start3A_135 = arith.constant 0 : i32
        %dma_start3A_136 = tpu.memref_slice %arg8[%mul3A_101, %dma_start3A_135] : memref<40x256xi32, #tpu.memory_space<vmem>> -> memref<1x256xi32, #tpu.memory_space<vmem>>
        %dma_start3A_137 = tpu.memref_squeeze %dma_start3A_136 : memref<1x256xi32, #tpu.memory_space<vmem>> -> memref<256xi32, #tpu.memory_space<vmem>>
        %dma_start3A_138 = arith.constant 0 : i32
        %dma_start3A_139 = arith.constant 0 : i32
        %dma_start3A_140 = tpu.memref_slice %arg12[%dma_start3A_138, %dma_start3A_139] : memref<10112x64xf32, #tpu.memory_space<vmem_shared>> -> memref<10112x64xf32, #tpu.memory_space<vmem_shared>>
        tpu.enqueue_indirect_dma source(%arg9 : memref<256x64xf32, #tpu.memory_space<vmem>>) target(%dma_start3A_140 : memref<10112x64xf32, #tpu.memory_space<vmem_shared>>) offsets(%dma_start3A_137 : memref<256xi32, #tpu.memory_space<vmem>>) semaphore(%run_scoped3A_134 : memref<!tpu.dma_semaphore, #tpu.memory_space<semaphore_mem>>) {add = true}
        %dma_wait3A_141 = arith.constant 0 : i32
        %dma_wait3A_142 = tpu.memref_slice %arg8[%mul3A_101, %dma_wait3A_141] : memref<40x256xi32, #tpu.memory_space<vmem>> -> memref<1x256xi32, #tpu.memory_space<vmem>>
        %dma_wait3A_143 = tpu.memref_squeeze %dma_wait3A_142 : memref<1x256xi32, #tpu.memory_space<vmem>> -> memref<256xi32, #tpu.memory_space<vmem>>
        %dma_wait3A_144 = arith.constant 0 : i32
        %dma_wait3A_145 = arith.constant 0 : i32
        %dma_wait3A_146 = tpu.memref_slice %arg12[%dma_wait3A_144, %dma_wait3A_145] : memref<10112x64xf32, #tpu.memory_space<vmem_shared>> -> memref<10112x64xf32, #tpu.memory_space<vmem_shared>>
        tpu.wait_indirect_dma semaphore(%run_scoped3A_134 : memref<!tpu.dma_semaphore, #tpu.memory_space<semaphore_mem>>) src(%arg9 : memref<256x64xf32, #tpu.memory_space<vmem>>) dst(%dma_wait3A_146 : memref<10112x64xf32, #tpu.memory_space<vmem_shared>>)
        tpu.yield
      }) : () -> ()
      %add3A_116 = arith.constant 2 : i32
      %add3A_117 = arith.addi %mul3A_101, %add3A_116 : i32
      %dma_start3A_118 = arith.constant 0 : i32
      %dma_start3A_119 = tpu.memref_slice %arg7[%add3A_117, %dma_start3A_118] : memref<40x256xi32, #tpu.memory_space<vmem>> -> memref<1x256xi32, #tpu.memory_space<vmem>>
      %dma_start3A_120 = tpu.memref_squeeze %dma_start3A_119 : memref<1x256xi32, #tpu.memory_space<vmem>> -> memref<256xi32, #tpu.memory_space<vmem>>
      %dma_start3A_121 = arith.constant 0 : i32
      %dma_start3A_122 = arith.constant 0 : i32
      %dma_start3A_123 = tpu.memref_slice %arg2[%dma_start3A_121, %dma_start3A_122] : memref<40000x64xf32, #tpu.memory_space<hbm>> -> memref<40000x64xf32, #tpu.memory_space<hbm>>
      tpu.enqueue_indirect_dma source(%dma_start3A_123 : memref<40000x64xf32, #tpu.memory_space<hbm>>) target(%arg9 : memref<256x64xf32, #tpu.memory_space<vmem>>) offsets(%dma_start3A_120 : memref<256xi32, #tpu.memory_space<vmem>>) semaphore(%arg13 : memref<!tpu.dma_semaphore, #tpu.memory_space<semaphore_mem>>)
      %add3A_124 = arith.constant 1 : i32
      %add3A_125 = arith.addi %mul3A_101, %add3A_124 : i32
      %dma_wait3A_126 = arith.constant 0 : i32
      %dma_wait3A_127 = tpu.memref_slice %arg7[%add3A_125, %dma_wait3A_126] : memref<40x256xi32, #tpu.memory_space<vmem>> -> memref<1x256xi32, #tpu.memory_space<vmem>>
      %dma_wait3A_128 = tpu.memref_squeeze %dma_wait3A_127 : memref<1x256xi32, #tpu.memory_space<vmem>> -> memref<256xi32, #tpu.memory_space<vmem>>
      %dma_wait3A_129 = arith.constant 0 : i32
      %dma_wait3A_130 = arith.constant 0 : i32
      %dma_wait3A_131 = tpu.memref_slice %arg2[%dma_wait3A_129, %dma_wait3A_130] : memref<40000x64xf32, #tpu.memory_space<hbm>> -> memref<40000x64xf32, #tpu.memory_space<hbm>>
      tpu.wait_indirect_dma semaphore(%arg14 : memref<!tpu.dma_semaphore, #tpu.memory_space<semaphore_mem>>) src(%dma_wait3A_131 : memref<40000x64xf32, #tpu.memory_space<hbm>>) dst(%arg10 : memref<256x64xf32, #tpu.memory_space<vmem>>)
      %add3A_132 = arith.constant 1 : i32
      %add3A_133 = arith.addi %mul3A_101, %add3A_132 : i32
      "tpu.region"() ({
        %run_scoped3A_134 = tpu.sem_alloc : memref<!tpu.dma_semaphore, #tpu.memory_space<semaphore_mem>>
        %dma_start3A_135 = arith.constant 0 : i32
        %dma_start3A_136 = tpu.memref_slice %arg8[%add3A_133, %dma_start3A_135] : memref<40x256xi32, #tpu.memory_space<vmem>> -> memref<1x256xi32, #tpu.memory_space<vmem>>
        %dma_start3A_137 = tpu.memref_squeeze %dma_start3A_136 : memref<1x256xi32, #tpu.memory_space<vmem>> -> memref<256xi32, #tpu.memory_space<vmem>>
        %dma_start3A_138 = arith.constant 0 : i32
        %dma_start3A_139 = arith.constant 0 : i32
        %dma_start3A_140 = tpu.memref_slice %arg12[%dma_start3A_138, %dma_start3A_139] : memref<10112x64xf32, #tpu.memory_space<vmem_shared>> -> memref<10112x64xf32, #tpu.memory_space<vmem_shared>>
        tpu.enqueue_indirect_dma source(%arg10 : memref<256x64xf32, #tpu.memory_space<vmem>>) target(%dma_start3A_140 : memref<10112x64xf32, #tpu.memory_space<vmem_shared>>) offsets(%dma_start3A_137 : memref<256xi32, #tpu.memory_space<vmem>>) semaphore(%run_scoped3A_134 : memref<!tpu.dma_semaphore, #tpu.memory_space<semaphore_mem>>) {add = true}
        %dma_wait3A_141 = arith.constant 0 : i32
        %dma_wait3A_142 = tpu.memref_slice %arg8[%add3A_133, %dma_wait3A_141] : memref<40x256xi32, #tpu.memory_space<vmem>> -> memref<1x256xi32, #tpu.memory_space<vmem>>
        %dma_wait3A_143 = tpu.memref_squeeze %dma_wait3A_142 : memref<1x256xi32, #tpu.memory_space<vmem>> -> memref<256xi32, #tpu.memory_space<vmem>>
        %dma_wait3A_144 = arith.constant 0 : i32
        %dma_wait3A_145 = arith.constant 0 : i32
        %dma_wait3A_146 = tpu.memref_slice %arg12[%dma_wait3A_144, %dma_wait3A_145] : memref<10112x64xf32, #tpu.memory_space<vmem_shared>> -> memref<10112x64xf32, #tpu.memory_space<vmem_shared>>
        tpu.wait_indirect_dma semaphore(%run_scoped3A_134 : memref<!tpu.dma_semaphore, #tpu.memory_space<semaphore_mem>>) src(%arg10 : memref<256x64xf32, #tpu.memory_space<vmem>>) dst(%dma_wait3A_146 : memref<10112x64xf32, #tpu.memory_space<vmem_shared>>)
        tpu.yield
      }) : () -> ()
    }
    %scan3A_20 = arith.constant 19 : i32
    %dma_start3A_21 = arith.constant 39 : i32
    %dma_start3A_22 = arith.constant 0 : i32
    %dma_start3A_23 = tpu.memref_slice %arg7[%dma_start3A_21, %dma_start3A_22] : memref<40x256xi32, #tpu.memory_space<vmem>> -> memref<1x256xi32, #tpu.memory_space<vmem>>
    %dma_start3A_24 = tpu.memref_squeeze %dma_start3A_23 : memref<1x256xi32, #tpu.memory_space<vmem>> -> memref<256xi32, #tpu.memory_space<vmem>>
    %dma_start3A_25 = arith.constant 0 : i32
    %dma_start3A_26 = arith.constant 0 : i32
    %dma_start3A_27 = tpu.memref_slice %arg2[%dma_start3A_25, %dma_start3A_26] : memref<40000x64xf32, #tpu.memory_space<hbm>> -> memref<40000x64xf32, #tpu.memory_space<hbm>>
    tpu.enqueue_indirect_dma source(%dma_start3A_27 : memref<40000x64xf32, #tpu.memory_space<hbm>>) target(%arg10 : memref<256x64xf32, #tpu.memory_space<vmem>>) offsets(%dma_start3A_24 : memref<256xi32, #tpu.memory_space<vmem>>) semaphore(%arg14 : memref<!tpu.dma_semaphore, #tpu.memory_space<semaphore_mem>>)
    %dma_wait3A = arith.constant 38 : i32
    %dma_wait3A_28 = arith.constant 0 : i32
    %dma_wait3A_29 = tpu.memref_slice %arg7[%dma_wait3A, %dma_wait3A_28] : memref<40x256xi32, #tpu.memory_space<vmem>> -> memref<1x256xi32, #tpu.memory_space<vmem>>
    %dma_wait3A_30 = tpu.memref_squeeze %dma_wait3A_29 : memref<1x256xi32, #tpu.memory_space<vmem>> -> memref<256xi32, #tpu.memory_space<vmem>>
    %dma_wait3A_31 = arith.constant 0 : i32
    %dma_wait3A_32 = arith.constant 0 : i32
    %dma_wait3A_33 = tpu.memref_slice %arg2[%dma_wait3A_31, %dma_wait3A_32] : memref<40000x64xf32, #tpu.memory_space<hbm>> -> memref<40000x64xf32, #tpu.memory_space<hbm>>
    tpu.wait_indirect_dma semaphore(%arg13 : memref<!tpu.dma_semaphore, #tpu.memory_space<semaphore_mem>>) src(%dma_wait3A_33 : memref<40000x64xf32, #tpu.memory_space<hbm>>) dst(%arg9 : memref<256x64xf32, #tpu.memory_space<vmem>>)
    %run_scoped3A_34 = arith.constant 38 : i32
    "tpu.region"() ({
      %run_scoped3A_99 = tpu.sem_alloc : memref<!tpu.dma_semaphore, #tpu.memory_space<semaphore_mem>>
      %dma_start3A_100 = arith.constant 0 : i32
      %dma_start3A_101 = tpu.memref_slice %arg8[%run_scoped3A_34, %dma_start3A_100] : memref<40x256xi32, #tpu.memory_space<vmem>> -> memref<1x256xi32, #tpu.memory_space<vmem>>
      %dma_start3A_102 = tpu.memref_squeeze %dma_start3A_101 : memref<1x256xi32, #tpu.memory_space<vmem>> -> memref<256xi32, #tpu.memory_space<vmem>>
      %dma_start3A_103 = arith.constant 0 : i32
      %dma_start3A_104 = arith.constant 0 : i32
      %dma_start3A_105 = tpu.memref_slice %arg12[%dma_start3A_103, %dma_start3A_104] : memref<10112x64xf32, #tpu.memory_space<vmem_shared>> -> memref<10112x64xf32, #tpu.memory_space<vmem_shared>>
      tpu.enqueue_indirect_dma source(%arg9 : memref<256x64xf32, #tpu.memory_space<vmem>>) target(%dma_start3A_105 : memref<10112x64xf32, #tpu.memory_space<vmem_shared>>) offsets(%dma_start3A_102 : memref<256xi32, #tpu.memory_space<vmem>>) semaphore(%run_scoped3A_99 : memref<!tpu.dma_semaphore, #tpu.memory_space<semaphore_mem>>) {add = true}
      %dma_wait3A_106 = arith.constant 0 : i32
      %dma_wait3A_107 = tpu.memref_slice %arg8[%run_scoped3A_34, %dma_wait3A_106] : memref<40x256xi32, #tpu.memory_space<vmem>> -> memref<1x256xi32, #tpu.memory_space<vmem>>
      %dma_wait3A_108 = tpu.memref_squeeze %dma_wait3A_107 : memref<1x256xi32, #tpu.memory_space<vmem>> -> memref<256xi32, #tpu.memory_space<vmem>>
      %dma_wait3A_109 = arith.constant 0 : i32
      %dma_wait3A_110 = arith.constant 0 : i32
      %dma_wait3A_111 = tpu.memref_slice %arg12[%dma_wait3A_109, %dma_wait3A_110] : memref<10112x64xf32, #tpu.memory_space<vmem_shared>> -> memref<10112x64xf32, #tpu.memory_space<vmem_shared>>
      tpu.wait_indirect_dma semaphore(%run_scoped3A_99 : memref<!tpu.dma_semaphore, #tpu.memory_space<semaphore_mem>>) src(%arg9 : memref<256x64xf32, #tpu.memory_space<vmem>>) dst(%dma_wait3A_111 : memref<10112x64xf32, #tpu.memory_space<vmem_shared>>)
      tpu.yield
    }) : () -> ()
    %dma_wait3A_35 = arith.constant 39 : i32
    %dma_wait3A_36 = arith.constant 0 : i32
    %dma_wait3A_37 = tpu.memref_slice %arg7[%dma_wait3A_35, %dma_wait3A_36] : memref<40x256xi32, #tpu.memory_space<vmem>> -> memref<1x256xi32, #tpu.memory_space<vmem>>
    %dma_wait3A_38 = tpu.memref_squeeze %dma_wait3A_37 : memref<1x256xi32, #tpu.memory_space<vmem>> -> memref<256xi32, #tpu.memory_space<vmem>>
    %dma_wait3A_39 = arith.constant 0 : i32
    %dma_wait3A_40 = arith.constant 0 : i32
    %dma_wait3A_41 = tpu.memref_slice %arg2[%dma_wait3A_39, %dma_wait3A_40] : memref<40000x64xf32, #tpu.memory_space<hbm>> -> memref<40000x64xf32, #tpu.memory_space<hbm>>
    tpu.wait_indirect_dma semaphore(%arg14 : memref<!tpu.dma_semaphore, #tpu.memory_space<semaphore_mem>>) src(%dma_wait3A_41 : memref<40000x64xf32, #tpu.memory_space<hbm>>) dst(%arg10 : memref<256x64xf32, #tpu.memory_space<vmem>>)
    %run_scoped3A_42 = arith.constant 39 : i32
    "tpu.region"() ({
      %run_scoped3A_99 = tpu.sem_alloc : memref<!tpu.dma_semaphore, #tpu.memory_space<semaphore_mem>>
      %dma_start3A_100 = arith.constant 0 : i32
      %dma_start3A_101 = tpu.memref_slice %arg8[%run_scoped3A_42, %dma_start3A_100] : memref<40x256xi32, #tpu.memory_space<vmem>> -> memref<1x256xi32, #tpu.memory_space<vmem>>
      %dma_start3A_102 = tpu.memref_squeeze %dma_start3A_101 : memref<1x256xi32, #tpu.memory_space<vmem>> -> memref<256xi32, #tpu.memory_space<vmem>>
      %dma_start3A_103 = arith.constant 0 : i32
      %dma_start3A_104 = arith.constant 0 : i32
      %dma_start3A_105 = tpu.memref_slice %arg12[%dma_start3A_103, %dma_start3A_104] : memref<10112x64xf32, #tpu.memory_space<vmem_shared>> -> memref<10112x64xf32, #tpu.memory_space<vmem_shared>>
      tpu.enqueue_indirect_dma source(%arg10 : memref<256x64xf32, #tpu.memory_space<vmem>>) target(%dma_start3A_105 : memref<10112x64xf32, #tpu.memory_space<vmem_shared>>) offsets(%dma_start3A_102 : memref<256xi32, #tpu.memory_space<vmem>>) semaphore(%run_scoped3A_99 : memref<!tpu.dma_semaphore, #tpu.memory_space<semaphore_mem>>) {add = true}
      %dma_wait3A_106 = arith.constant 0 : i32
      %dma_wait3A_107 = tpu.memref_slice %arg8[%run_scoped3A_42, %dma_wait3A_106] : memref<40x256xi32, #tpu.memory_space<vmem>> -> memref<1x256xi32, #tpu.memory_space<vmem>>
      %dma_wait3A_108 = tpu.memref_squeeze %dma_wait3A_107 : memref<1x256xi32, #tpu.memory_space<vmem>> -> memref<256xi32, #tpu.memory_space<vmem>>
      %dma_wait3A_109 = arith.constant 0 : i32
      %dma_wait3A_110 = arith.constant 0 : i32
      %dma_wait3A_111 = tpu.memref_slice %arg12[%dma_wait3A_109, %dma_wait3A_110] : memref<10112x64xf32, #tpu.memory_space<vmem_shared>> -> memref<10112x64xf32, #tpu.memory_space<vmem_shared>>
      tpu.wait_indirect_dma semaphore(%run_scoped3A_99 : memref<!tpu.dma_semaphore, #tpu.memory_space<semaphore_mem>>) src(%arg10 : memref<256x64xf32, #tpu.memory_space<vmem>>) dst(%dma_wait3A_111 : memref<10112x64xf32, #tpu.memory_space<vmem_shared>>)
      tpu.yield
    }) : () -> ()
    %barrier3A_43 = arith.constant 0 : index
    tpu.barrier barrier_id(%barrier3A_43)
    %mul3A_44 = arith.constant 64 : i32
    %mul3A_45 = arith.muli %arg0, %mul3A_44 : i32
    %run_scoped3A_46 = arith.constant 0 : i32
    "tpu.region"() ({
      %run_scoped3A_99 = tpu.sem_alloc : memref<!tpu.dma_semaphore, #tpu.memory_space<semaphore_mem>>
      %dma_start3A_100 = tpu.memref_slice %arg6[%run_scoped3A_46, %mul3A_0, %mul3A_45] : memref<2x10112x128xf32, #tpu.memory_space<hbm>> -> memref<1x632x64xf32, #tpu.memory_space<hbm>>
      %dma_start3A_101 = tpu.memref_squeeze %dma_start3A_100 : memref<1x632x64xf32, #tpu.memory_space<hbm>> -> memref<632x64xf32, #tpu.memory_space<hbm>>
      %dma_start3A_102 = arith.constant 0 : i32
      %dma_start3A_103 = tpu.memref_slice %arg12[%mul3A_0, %dma_start3A_102] : memref<10112x64xf32, #tpu.memory_space<vmem_shared>> -> memref<632x64xf32, #tpu.memory_space<vmem_shared>>
      tpu.enqueue_dma source(%dma_start3A_103 : memref<632x64xf32, #tpu.memory_space<vmem_shared>>) target(%dma_start3A_101 : memref<632x64xf32, #tpu.memory_space<hbm>>) target_semaphore(%run_scoped3A_99 : memref<!tpu.dma_semaphore, #tpu.memory_space<semaphore_mem>>)
      %dma_wait3A_104 = tpu.memref_slice %arg6[%run_scoped3A_46, %mul3A_0, %mul3A_45] : memref<2x10112x128xf32, #tpu.memory_space<hbm>> -> memref<1x632x64xf32, #tpu.memory_space<hbm>>
      %dma_wait3A_105 = tpu.memref_squeeze %dma_wait3A_104 : memref<1x632x64xf32, #tpu.memory_space<hbm>> -> memref<632x64xf32, #tpu.memory_space<hbm>>
      %dma_wait3A_106 = arith.constant 0 : i32
      %dma_wait3A_107 = tpu.memref_slice %arg12[%mul3A_0, %dma_wait3A_106] : memref<10112x64xf32, #tpu.memory_space<vmem_shared>> -> memref<632x64xf32, #tpu.memory_space<vmem_shared>>
      tpu.wait_dma2 semaphore(%run_scoped3A_99 : memref<!tpu.dma_semaphore, #tpu.memory_space<semaphore_mem>>) src(%dma_wait3A_107 : memref<632x64xf32, #tpu.memory_space<vmem_shared>>) dst(%dma_wait3A_105 : memref<632x64xf32, #tpu.memory_space<hbm>>)
      tpu.yield
    }) : () -> ()
    %run_scoped3A_47 = arith.constant 1 : i32
    "tpu.region"() ({
      %run_scoped3A_99 = tpu.sem_alloc : memref<!tpu.dma_semaphore, #tpu.memory_space<semaphore_mem>>
      %dma_start3A_100 = arith.constant 0 : i32
      %dma_start3A_101 = arith.constant 0 : i32
      %dma_start3A_102 = tpu.memref_slice %arg3[%arg0, %run_scoped3A_47, %arg1, %dma_start3A_100, %dma_start3A_101] : memref<2x2x16x40x256xi32, #tpu.memory_space<hbm>> -> memref<1x1x1x40x256xi32, #tpu.memory_space<hbm>>
      %dma_start3A_103 = tpu.memref_squeeze %dma_start3A_102 : memref<1x1x1x40x256xi32, #tpu.memory_space<hbm>> -> memref<40x256xi32, #tpu.memory_space<hbm>>
      %dma_start3A_104 = arith.constant 0 : i32
      %dma_start3A_105 = arith.constant 0 : i32
      %dma_start3A_106 = tpu.memref_slice %arg3[%arg0, %run_scoped3A_47, %arg1, %dma_start3A_104, %dma_start3A_105] : memref<2x2x16x40x256xi32, #tpu.memory_space<hbm>> -> memref<1x1x1x40x256xi32, #tpu.memory_space<hbm>>
      %dma_start3A_107 = tpu.memref_squeeze %dma_start3A_106 : memref<1x1x1x40x256xi32, #tpu.memory_space<hbm>> -> memref<40x256xi32, #tpu.memory_space<hbm>>
      tpu.enqueue_dma source(%dma_start3A_107 : memref<40x256xi32, #tpu.memory_space<hbm>>) target(%arg7 : memref<40x256xi32, #tpu.memory_space<vmem>>) target_semaphore(%run_scoped3A_99 : memref<!tpu.dma_semaphore, #tpu.memory_space<semaphore_mem>>)
      %dma_wait3A_108 = arith.constant 0 : i32
      %dma_wait3A_109 = arith.constant 0 : i32
      %dma_wait3A_110 = tpu.memref_slice %arg3[%arg0, %run_scoped3A_47, %arg1, %dma_wait3A_108, %dma_wait3A_109] : memref<2x2x16x40x256xi32, #tpu.memory_space<hbm>> -> memref<1x1x1x40x256xi32, #tpu.memory_space<hbm>>
      %dma_wait3A_111 = tpu.memref_squeeze %dma_wait3A_110 : memref<1x1x1x40x256xi32, #tpu.memory_space<hbm>> -> memref<40x256xi32, #tpu.memory_space<hbm>>
      %dma_wait3A_112 = arith.constant 0 : i32
      %dma_wait3A_113 = arith.constant 0 : i32
      %dma_wait3A_114 = tpu.memref_slice %arg3[%arg0, %run_scoped3A_47, %arg1, %dma_wait3A_112, %dma_wait3A_113] : memref<2x2x16x40x256xi32, #tpu.memory_space<hbm>> -> memref<1x1x1x40x256xi32, #tpu.memory_space<hbm>>
      %dma_wait3A_115 = tpu.memref_squeeze %dma_wait3A_114 : memref<1x1x1x40x256xi32, #tpu.memory_space<hbm>> -> memref<40x256xi32, #tpu.memory_space<hbm>>
      tpu.wait_dma2 semaphore(%run_scoped3A_99 : memref<!tpu.dma_semaphore, #tpu.memory_space<semaphore_mem>>) src(%dma_wait3A_115 : memref<40x256xi32, #tpu.memory_space<hbm>>) dst(%arg7 : memref<40x256xi32, #tpu.memory_space<vmem>>)
      tpu.yield
    }) : () -> ()
    %add3A_48 = arith.constant 0 : i32
    %add3A_49 = arith.addi %mul3A_0, %add3A_48 : i32
    "tpu.region"() ({
      %run_scoped3A_99 = tpu.sem_alloc : memref<!tpu.dma_semaphore, #tpu.memory_space<semaphore_mem>>
      %dma_start3A_100 = arith.constant 0 : i32
      %dma_start3A_101 = tpu.memref_slice %arg12[%add3A_49, %dma_start3A_100] : memref<10112x64xf32, #tpu.memory_space<vmem_shared>> -> memref<128x64xf32, #tpu.memory_space<vmem_shared>>
      %dma_start3A_102 = arith.constant 0 : i32
      %dma_start3A_103 = tpu.memref_slice %arg12[%add3A_49, %dma_start3A_102] : memref<10112x64xf32, #tpu.memory_space<vmem_shared>> -> memref<128x64xf32, #tpu.memory_space<vmem_shared>>
      tpu.enqueue_dma source(%arg11 : memref<128x64xf32, #tpu.memory_space<vmem>>) target(%dma_start3A_103 : memref<128x64xf32, #tpu.memory_space<vmem_shared>>) target_semaphore(%run_scoped3A_99 : memref<!tpu.dma_semaphore, #tpu.memory_space<semaphore_mem>>)
      %dma_wait3A_104 = arith.constant 0 : i32
      %dma_wait3A_105 = tpu.memref_slice %arg12[%add3A_49, %dma_wait3A_104] : memref<10112x64xf32, #tpu.memory_space<vmem_shared>> -> memref<128x64xf32, #tpu.memory_space<vmem_shared>>
      %dma_wait3A_106 = arith.constant 0 : i32
      %dma_wait3A_107 = tpu.memref_slice %arg12[%add3A_49, %dma_wait3A_106] : memref<10112x64xf32, #tpu.memory_space<vmem_shared>> -> memref<128x64xf32, #tpu.memory_space<vmem_shared>>
      tpu.wait_dma2 semaphore(%run_scoped3A_99 : memref<!tpu.dma_semaphore, #tpu.memory_space<semaphore_mem>>) src(%arg11 : memref<128x64xf32, #tpu.memory_space<vmem>>) dst(%dma_wait3A_107 : memref<128x64xf32, #tpu.memory_space<vmem_shared>>)
      tpu.yield
    }) : () -> ()
    %add3A_50 = arith.constant 128 : i32
    %add3A_51 = arith.addi %mul3A_0, %add3A_50 : i32
    "tpu.region"() ({
      %run_scoped3A_99 = tpu.sem_alloc : memref<!tpu.dma_semaphore, #tpu.memory_space<semaphore_mem>>
      %dma_start3A_100 = arith.constant 0 : i32
      %dma_start3A_101 = tpu.memref_slice %arg12[%add3A_51, %dma_start3A_100] : memref<10112x64xf32, #tpu.memory_space<vmem_shared>> -> memref<128x64xf32, #tpu.memory_space<vmem_shared>>
      %dma_start3A_102 = arith.constant 0 : i32
      %dma_start3A_103 = tpu.memref_slice %arg12[%add3A_51, %dma_start3A_102] : memref<10112x64xf32, #tpu.memory_space<vmem_shared>> -> memref<128x64xf32, #tpu.memory_space<vmem_shared>>
      tpu.enqueue_dma source(%arg11 : memref<128x64xf32, #tpu.memory_space<vmem>>) target(%dma_start3A_103 : memref<128x64xf32, #tpu.memory_space<vmem_shared>>) target_semaphore(%run_scoped3A_99 : memref<!tpu.dma_semaphore, #tpu.memory_space<semaphore_mem>>)
      %dma_wait3A_104 = arith.constant 0 : i32
      %dma_wait3A_105 = tpu.memref_slice %arg12[%add3A_51, %dma_wait3A_104] : memref<10112x64xf32, #tpu.memory_space<vmem_shared>> -> memref<128x64xf32, #tpu.memory_space<vmem_shared>>
      %dma_wait3A_106 = arith.constant 0 : i32
      %dma_wait3A_107 = tpu.memref_slice %arg12[%add3A_51, %dma_wait3A_106] : memref<10112x64xf32, #tpu.memory_space<vmem_shared>> -> memref<128x64xf32, #tpu.memory_space<vmem_shared>>
      tpu.wait_dma2 semaphore(%run_scoped3A_99 : memref<!tpu.dma_semaphore, #tpu.memory_space<semaphore_mem>>) src(%arg11 : memref<128x64xf32, #tpu.memory_space<vmem>>) dst(%dma_wait3A_107 : memref<128x64xf32, #tpu.memory_space<vmem_shared>>)
      tpu.yield
    }) : () -> ()
    %add3A_52 = arith.constant 256 : i32
    %add3A_53 = arith.addi %mul3A_0, %add3A_52 : i32
    "tpu.region"() ({
      %run_scoped3A_99 = tpu.sem_alloc : memref<!tpu.dma_semaphore, #tpu.memory_space<semaphore_mem>>
      %dma_start3A_100 = arith.constant 0 : i32
      %dma_start3A_101 = tpu.memref_slice %arg12[%add3A_53, %dma_start3A_100] : memref<10112x64xf32, #tpu.memory_space<vmem_shared>> -> memref<128x64xf32, #tpu.memory_space<vmem_shared>>
      %dma_start3A_102 = arith.constant 0 : i32
      %dma_start3A_103 = tpu.memref_slice %arg12[%add3A_53, %dma_start3A_102] : memref<10112x64xf32, #tpu.memory_space<vmem_shared>> -> memref<128x64xf32, #tpu.memory_space<vmem_shared>>
      tpu.enqueue_dma source(%arg11 : memref<128x64xf32, #tpu.memory_space<vmem>>) target(%dma_start3A_103 : memref<128x64xf32, #tpu.memory_space<vmem_shared>>) target_semaphore(%run_scoped3A_99 : memref<!tpu.dma_semaphore, #tpu.memory_space<semaphore_mem>>)
      %dma_wait3A_104 = arith.constant 0 : i32
      %dma_wait3A_105 = tpu.memref_slice %arg12[%add3A_53, %dma_wait3A_104] : memref<10112x64xf32, #tpu.memory_space<vmem_shared>> -> memref<128x64xf32, #tpu.memory_space<vmem_shared>>
      %dma_wait3A_106 = arith.constant 0 : i32
      %dma_wait3A_107 = tpu.memref_slice %arg12[%add3A_53, %dma_wait3A_106] : memref<10112x64xf32, #tpu.memory_space<vmem_shared>> -> memref<128x64xf32, #tpu.memory_space<vmem_shared>>
      tpu.wait_dma2 semaphore(%run_scoped3A_99 : memref<!tpu.dma_semaphore, #tpu.memory_space<semaphore_mem>>) src(%arg11 : memref<128x64xf32, #tpu.memory_space<vmem>>) dst(%dma_wait3A_107 : memref<128x64xf32, #tpu.memory_space<vmem_shared>>)
      tpu.yield
    }) : () -> ()
    %add3A_54 = arith.constant 384 : i32
    %add3A_55 = arith.addi %mul3A_0, %add3A_54 : i32
    "tpu.region"() ({
      %run_scoped3A_99 = tpu.sem_alloc : memref<!tpu.dma_semaphore, #tpu.memory_space<semaphore_mem>>
      %dma_start3A_100 = arith.constant 0 : i32
      %dma_start3A_101 = tpu.memref_slice %arg12[%add3A_55, %dma_start3A_100] : memref<10112x64xf32, #tpu.memory_space<vmem_shared>> -> memref<128x64xf32, #tpu.memory_space<vmem_shared>>
      %dma_start3A_102 = arith.constant 0 : i32
      %dma_start3A_103 = tpu.memref_slice %arg12[%add3A_55, %dma_start3A_102] : memref<10112x64xf32, #tpu.memory_space<vmem_shared>> -> memref<128x64xf32, #tpu.memory_space<vmem_shared>>
      tpu.enqueue_dma source(%arg11 : memref<128x64xf32, #tpu.memory_space<vmem>>) target(%dma_start3A_103 : memref<128x64xf32, #tpu.memory_space<vmem_shared>>) target_semaphore(%run_scoped3A_99 : memref<!tpu.dma_semaphore, #tpu.memory_space<semaphore_mem>>)
      %dma_wait3A_104 = arith.constant 0 : i32
      %dma_wait3A_105 = tpu.memref_slice %arg12[%add3A_55, %dma_wait3A_104] : memref<10112x64xf32, #tpu.memory_space<vmem_shared>> -> memref<128x64xf32, #tpu.memory_space<vmem_shared>>
      %dma_wait3A_106 = arith.constant 0 : i32
      %dma_wait3A_107 = tpu.memref_slice %arg12[%add3A_55, %dma_wait3A_106] : memref<10112x64xf32, #tpu.memory_space<vmem_shared>> -> memref<128x64xf32, #tpu.memory_space<vmem_shared>>
      tpu.wait_dma2 semaphore(%run_scoped3A_99 : memref<!tpu.dma_semaphore, #tpu.memory_space<semaphore_mem>>) src(%arg11 : memref<128x64xf32, #tpu.memory_space<vmem>>) dst(%dma_wait3A_107 : memref<128x64xf32, #tpu.memory_space<vmem_shared>>)
      tpu.yield
    }) : () -> ()
    %add3A_56 = arith.constant 512 : i32
    %add3A_57 = arith.addi %mul3A_0, %add3A_56 : i32
    "tpu.region"() ({
      %run_scoped3A_99 = tpu.sem_alloc : memref<!tpu.dma_semaphore, #tpu.memory_space<semaphore_mem>>
      %dma_start3A_100 = arith.constant 0 : i32
      %dma_start3A_101 = arith.constant 0 : i32
      %dma_start3A_102 = tpu.memref_slice %arg11[%dma_start3A_100, %dma_start3A_101] : memref<128x64xf32, #tpu.memory_space<vmem>> -> memref<120x64xf32, #tpu.memory_space<vmem>>
      %dma_start3A_103 = arith.constant 0 : i32
      %dma_start3A_104 = tpu.memref_slice %arg12[%add3A_57, %dma_start3A_103] : memref<10112x64xf32, #tpu.memory_space<vmem_shared>> -> memref<120x64xf32, #tpu.memory_space<vmem_shared>>
      %dma_start3A_105 = arith.constant 0 : i32
      %dma_start3A_106 = tpu.memref_slice %arg12[%add3A_57, %dma_start3A_105] : memref<10112x64xf32, #tpu.memory_space<vmem_shared>> -> memref<120x64xf32, #tpu.memory_space<vmem_shared>>
      %dma_start3A_107 = arith.constant 0 : i32
      %dma_start3A_108 = arith.constant 0 : i32
      %dma_start3A_109 = tpu.memref_slice %arg11[%dma_start3A_107, %dma_start3A_108] : memref<128x64xf32, #tpu.memory_space<vmem>> -> memref<120x64xf32, #tpu.memory_space<vmem>>
      tpu.enqueue_dma source(%dma_start3A_109 : memref<120x64xf32, #tpu.memory_space<vmem>>) target(%dma_start3A_106 : memref<120x64xf32, #tpu.memory_space<vmem_shared>>) target_semaphore(%run_scoped3A_99 : memref<!tpu.dma_semaphore, #tpu.memory_space<semaphore_mem>>)
      %dma_wait3A_110 = arith.constant 0 : i32
      %dma_wait3A_111 = arith.constant 0 : i32
      %dma_wait3A_112 = tpu.memref_slice %arg11[%dma_wait3A_110, %dma_wait3A_111] : memref<128x64xf32, #tpu.memory_space<vmem>> -> memref<120x64xf32, #tpu.memory_space<vmem>>
      %dma_wait3A_113 = arith.constant 0 : i32
      %dma_wait3A_114 = tpu.memref_slice %arg12[%add3A_57, %dma_wait3A_113] : memref<10112x64xf32, #tpu.memory_space<vmem_shared>> -> memref<120x64xf32, #tpu.memory_space<vmem_shared>>
      %dma_wait3A_115 = arith.constant 0 : i32
      %dma_wait3A_116 = tpu.memref_slice %arg12[%add3A_57, %dma_wait3A_115] : memref<10112x64xf32, #tpu.memory_space<vmem_shared>> -> memref<120x64xf32, #tpu.memory_space<vmem_shared>>
      %dma_wait3A_117 = arith.constant 0 : i32
      %dma_wait3A_118 = arith.constant 0 : i32
      %dma_wait3A_119 = tpu.memref_slice %arg11[%dma_wait3A_117, %dma_wait3A_118] : memref<128x64xf32, #tpu.memory_space<vmem>> -> memref<120x64xf32, #tpu.memory_space<vmem>>
      tpu.wait_dma2 semaphore(%run_scoped3A_99 : memref<!tpu.dma_semaphore, #tpu.memory_space<semaphore_mem>>) src(%dma_wait3A_119 : memref<120x64xf32, #tpu.memory_space<vmem>>) dst(%dma_wait3A_116 : memref<120x64xf32, #tpu.memory_space<vmem_shared>>)
      tpu.yield
    }) : () -> ()
    %barrier3A_58 = arith.constant 0 : index
    tpu.barrier barrier_id(%barrier3A_58)
    %dma_start3A_59 = arith.constant 0 : i32
    %dma_start3A_60 = arith.constant 0 : i32
    %dma_start3A_61 = tpu.memref_slice %arg7[%dma_start3A_59, %dma_start3A_60] : memref<40x256xi32, #tpu.memory_space<vmem>> -> memref<1x256xi32, #tpu.memory_space<vmem>>
    %dma_start3A_62 = tpu.memref_squeeze %dma_start3A_61 : memref<1x256xi32, #tpu.memory_space<vmem>> -> memref<256xi32, #tpu.memory_space<vmem>>
    %dma_start3A_63 = arith.constant 0 : i32
    %dma_start3A_64 = arith.constant 0 : i32
    %dma_start3A_65 = tpu.memref_slice %arg2[%dma_start3A_63, %dma_start3A_64] : memref<40000x64xf32, #tpu.memory_space<hbm>> -> memref<40000x64xf32, #tpu.memory_space<hbm>>
    tpu.enqueue_indirect_dma source(%dma_start3A_65 : memref<40000x64xf32, #tpu.memory_space<hbm>>) target(%arg9 : memref<256x64xf32, #tpu.memory_space<vmem>>) offsets(%dma_start3A_62 : memref<256xi32, #tpu.memory_space<vmem>>) semaphore(%arg13 : memref<!tpu.dma_semaphore, #tpu.memory_space<semaphore_mem>>)
    %scan3A_66 = arith.constant 0 : i32
    %scan3A_67 = arith.constant 0 : i32
    %scan3A_68 = arith.constant 19 : i32
    %scan3A_69 = arith.addi %scan3A_67, %scan3A_68 : i32
    %scan3A_70 = arith.constant 1 : i32
    scf.for %scan3A_99 = %scan3A_67 to %scan3A_69 step %scan3A_70  : i32 {
      %mul3A_100 = arith.constant 2 : i32
      %mul3A_101 = arith.muli %mul3A_100, %scan3A_99 : i32
      %add3A_102 = arith.constant 1 : i32
      %add3A_103 = arith.addi %mul3A_101, %add3A_102 : i32
      %dma_start3A_104 = arith.constant 0 : i32
      %dma_start3A_105 = tpu.memref_slice %arg7[%add3A_103, %dma_start3A_104] : memref<40x256xi32, #tpu.memory_space<vmem>> -> memref<1x256xi32, #tpu.memory_space<vmem>>
      %dma_start3A_106 = tpu.memref_squeeze %dma_start3A_105 : memref<1x256xi32, #tpu.memory_space<vmem>> -> memref<256xi32, #tpu.memory_space<vmem>>
      %dma_start3A_107 = arith.constant 0 : i32
      %dma_start3A_108 = arith.constant 0 : i32
      %dma_start3A_109 = tpu.memref_slice %arg2[%dma_start3A_107, %dma_start3A_108] : memref<40000x64xf32, #tpu.memory_space<hbm>> -> memref<40000x64xf32, #tpu.memory_space<hbm>>
      tpu.enqueue_indirect_dma source(%dma_start3A_109 : memref<40000x64xf32, #tpu.memory_space<hbm>>) target(%arg10 : memref<256x64xf32, #tpu.memory_space<vmem>>) offsets(%dma_start3A_106 : memref<256xi32, #tpu.memory_space<vmem>>) semaphore(%arg14 : memref<!tpu.dma_semaphore, #tpu.memory_space<semaphore_mem>>)
      %dma_wait3A_110 = arith.constant 0 : i32
      %dma_wait3A_111 = tpu.memref_slice %arg7[%mul3A_101, %dma_wait3A_110] : memref<40x256xi32, #tpu.memory_space<vmem>> -> memref<1x256xi32, #tpu.memory_space<vmem>>
      %dma_wait3A_112 = tpu.memref_squeeze %dma_wait3A_111 : memref<1x256xi32, #tpu.memory_space<vmem>> -> memref<256xi32, #tpu.memory_space<vmem>>
      %dma_wait3A_113 = arith.constant 0 : i32
      %dma_wait3A_114 = arith.constant 0 : i32
      %dma_wait3A_115 = tpu.memref_slice %arg2[%dma_wait3A_113, %dma_wait3A_114] : memref<40000x64xf32, #tpu.memory_space<hbm>> -> memref<40000x64xf32, #tpu.memory_space<hbm>>
      tpu.wait_indirect_dma semaphore(%arg13 : memref<!tpu.dma_semaphore, #tpu.memory_space<semaphore_mem>>) src(%dma_wait3A_115 : memref<40000x64xf32, #tpu.memory_space<hbm>>) dst(%arg9 : memref<256x64xf32, #tpu.memory_space<vmem>>)
      "tpu.region"() ({
        %run_scoped3A_134 = tpu.sem_alloc : memref<!tpu.dma_semaphore, #tpu.memory_space<semaphore_mem>>
        %dma_start3A_135 = arith.constant 0 : i32
        %dma_start3A_136 = tpu.memref_slice %arg8[%mul3A_101, %dma_start3A_135] : memref<40x256xi32, #tpu.memory_space<vmem>> -> memref<1x256xi32, #tpu.memory_space<vmem>>
        %dma_start3A_137 = tpu.memref_squeeze %dma_start3A_136 : memref<1x256xi32, #tpu.memory_space<vmem>> -> memref<256xi32, #tpu.memory_space<vmem>>
        %dma_start3A_138 = arith.constant 0 : i32
        %dma_start3A_139 = arith.constant 0 : i32
        %dma_start3A_140 = tpu.memref_slice %arg12[%dma_start3A_138, %dma_start3A_139] : memref<10112x64xf32, #tpu.memory_space<vmem_shared>> -> memref<10112x64xf32, #tpu.memory_space<vmem_shared>>
        tpu.enqueue_indirect_dma source(%arg9 : memref<256x64xf32, #tpu.memory_space<vmem>>) target(%dma_start3A_140 : memref<10112x64xf32, #tpu.memory_space<vmem_shared>>) offsets(%dma_start3A_137 : memref<256xi32, #tpu.memory_space<vmem>>) semaphore(%run_scoped3A_134 : memref<!tpu.dma_semaphore, #tpu.memory_space<semaphore_mem>>) {add = true}
        %dma_wait3A_141 = arith.constant 0 : i32
        %dma_wait3A_142 = tpu.memref_slice %arg8[%mul3A_101, %dma_wait3A_141] : memref<40x256xi32, #tpu.memory_space<vmem>> -> memref<1x256xi32, #tpu.memory_space<vmem>>
        %dma_wait3A_143 = tpu.memref_squeeze %dma_wait3A_142 : memref<1x256xi32, #tpu.memory_space<vmem>> -> memref<256xi32, #tpu.memory_space<vmem>>
        %dma_wait3A_144 = arith.constant 0 : i32
        %dma_wait3A_145 = arith.constant 0 : i32
        %dma_wait3A_146 = tpu.memref_slice %arg12[%dma_wait3A_144, %dma_wait3A_145] : memref<10112x64xf32, #tpu.memory_space<vmem_shared>> -> memref<10112x64xf32, #tpu.memory_space<vmem_shared>>
        tpu.wait_indirect_dma semaphore(%run_scoped3A_134 : memref<!tpu.dma_semaphore, #tpu.memory_space<semaphore_mem>>) src(%arg9 : memref<256x64xf32, #tpu.memory_space<vmem>>) dst(%dma_wait3A_146 : memref<10112x64xf32, #tpu.memory_space<vmem_shared>>)
        tpu.yield
      }) : () -> ()
      %add3A_116 = arith.constant 2 : i32
      %add3A_117 = arith.addi %mul3A_101, %add3A_116 : i32
      %dma_start3A_118 = arith.constant 0 : i32
      %dma_start3A_119 = tpu.memref_slice %arg7[%add3A_117, %dma_start3A_118] : memref<40x256xi32, #tpu.memory_space<vmem>> -> memref<1x256xi32, #tpu.memory_space<vmem>>
      %dma_start3A_120 = tpu.memref_squeeze %dma_start3A_119 : memref<1x256xi32, #tpu.memory_space<vmem>> -> memref<256xi32, #tpu.memory_space<vmem>>
      %dma_start3A_121 = arith.constant 0 : i32
      %dma_start3A_122 = arith.constant 0 : i32
      %dma_start3A_123 = tpu.memref_slice %arg2[%dma_start3A_121, %dma_start3A_122] : memref<40000x64xf32, #tpu.memory_space<hbm>> -> memref<40000x64xf32, #tpu.memory_space<hbm>>
      tpu.enqueue_indirect_dma source(%dma_start3A_123 : memref<40000x64xf32, #tpu.memory_space<hbm>>) target(%arg9 : memref<256x64xf32, #tpu.memory_space<vmem>>) offsets(%dma_start3A_120 : memref<256xi32, #tpu.memory_space<vmem>>) semaphore(%arg13 : memref<!tpu.dma_semaphore, #tpu.memory_space<semaphore_mem>>)
      %add3A_124 = arith.constant 1 : i32
      %add3A_125 = arith.addi %mul3A_101, %add3A_124 : i32
      %dma_wait3A_126 = arith.constant 0 : i32
      %dma_wait3A_127 = tpu.memref_slice %arg7[%add3A_125, %dma_wait3A_126] : memref<40x256xi32, #tpu.memory_space<vmem>> -> memref<1x256xi32, #tpu.memory_space<vmem>>
      %dma_wait3A_128 = tpu.memref_squeeze %dma_wait3A_127 : memref<1x256xi32, #tpu.memory_space<vmem>> -> memref<256xi32, #tpu.memory_space<vmem>>
      %dma_wait3A_129 = arith.constant 0 : i32
      %dma_wait3A_130 = arith.constant 0 : i32
      %dma_wait3A_131 = tpu.memref_slice %arg2[%dma_wait3A_129, %dma_wait3A_130] : memref<40000x64xf32, #tpu.memory_space<hbm>> -> memref<40000x64xf32, #tpu.memory_space<hbm>>
      tpu.wait_indirect_dma semaphore(%arg14 : memref<!tpu.dma_semaphore, #tpu.memory_space<semaphore_mem>>) src(%dma_wait3A_131 : memref<40000x64xf32, #tpu.memory_space<hbm>>) dst(%arg10 : memref<256x64xf32, #tpu.memory_space<vmem>>)
      %add3A_132 = arith.constant 1 : i32
      %add3A_133 = arith.addi %mul3A_101, %add3A_132 : i32
      "tpu.region"() ({
        %run_scoped3A_134 = tpu.sem_alloc : memref<!tpu.dma_semaphore, #tpu.memory_space<semaphore_mem>>
        %dma_start3A_135 = arith.constant 0 : i32
        %dma_start3A_136 = tpu.memref_slice %arg8[%add3A_133, %dma_start3A_135] : memref<40x256xi32, #tpu.memory_space<vmem>> -> memref<1x256xi32, #tpu.memory_space<vmem>>
        %dma_start3A_137 = tpu.memref_squeeze %dma_start3A_136 : memref<1x256xi32, #tpu.memory_space<vmem>> -> memref<256xi32, #tpu.memory_space<vmem>>
        %dma_start3A_138 = arith.constant 0 : i32
        %dma_start3A_139 = arith.constant 0 : i32
        %dma_start3A_140 = tpu.memref_slice %arg12[%dma_start3A_138, %dma_start3A_139] : memref<10112x64xf32, #tpu.memory_space<vmem_shared>> -> memref<10112x64xf32, #tpu.memory_space<vmem_shared>>
        tpu.enqueue_indirect_dma source(%arg10 : memref<256x64xf32, #tpu.memory_space<vmem>>) target(%dma_start3A_140 : memref<10112x64xf32, #tpu.memory_space<vmem_shared>>) offsets(%dma_start3A_137 : memref<256xi32, #tpu.memory_space<vmem>>) semaphore(%run_scoped3A_134 : memref<!tpu.dma_semaphore, #tpu.memory_space<semaphore_mem>>) {add = true}
        %dma_wait3A_141 = arith.constant 0 : i32
        %dma_wait3A_142 = tpu.memref_slice %arg8[%add3A_133, %dma_wait3A_141] : memref<40x256xi32, #tpu.memory_space<vmem>> -> memref<1x256xi32, #tpu.memory_space<vmem>>
        %dma_wait3A_143 = tpu.memref_squeeze %dma_wait3A_142 : memref<1x256xi32, #tpu.memory_space<vmem>> -> memref<256xi32, #tpu.memory_space<vmem>>
        %dma_wait3A_144 = arith.constant 0 : i32
        %dma_wait3A_145 = arith.constant 0 : i32
        %dma_wait3A_146 = tpu.memref_slice %arg12[%dma_wait3A_144, %dma_wait3A_145] : memref<10112x64xf32, #tpu.memory_space<vmem_shared>> -> memref<10112x64xf32, #tpu.memory_space<vmem_shared>>
        tpu.wait_indirect_dma semaphore(%run_scoped3A_134 : memref<!tpu.dma_semaphore, #tpu.memory_space<semaphore_mem>>) src(%arg10 : memref<256x64xf32, #tpu.memory_space<vmem>>) dst(%dma_wait3A_146 : memref<10112x64xf32, #tpu.memory_space<vmem_shared>>)
        tpu.yield
      }) : () -> ()
    }
    %scan3A_71 = arith.constant 19 : i32
    %dma_start3A_72 = arith.constant 39 : i32
    %dma_start3A_73 = arith.constant 0 : i32
    %dma_start3A_74 = tpu.memref_slice %arg7[%dma_start3A_72, %dma_start3A_73] : memref<40x256xi32, #tpu.memory_space<vmem>> -> memref<1x256xi32, #tpu.memory_space<vmem>>
    %dma_start3A_75 = tpu.memref_squeeze %dma_start3A_74 : memref<1x256xi32, #tpu.memory_space<vmem>> -> memref<256xi32, #tpu.memory_space<vmem>>
    %dma_start3A_76 = arith.constant 0 : i32
    %dma_start3A_77 = arith.constant 0 : i32
    %dma_start3A_78 = tpu.memref_slice %arg2[%dma_start3A_76, %dma_start3A_77] : memref<40000x64xf32, #tpu.memory_space<hbm>> -> memref<40000x64xf32, #tpu.memory_space<hbm>>
    tpu.enqueue_indirect_dma source(%dma_start3A_78 : memref<40000x64xf32, #tpu.memory_space<hbm>>) target(%arg10 : memref<256x64xf32, #tpu.memory_space<vmem>>) offsets(%dma_start3A_75 : memref<256xi32, #tpu.memory_space<vmem>>) semaphore(%arg14 : memref<!tpu.dma_semaphore, #tpu.memory_space<semaphore_mem>>)
    %dma_wait3A_79 = arith.constant 38 : i32
    %dma_wait3A_80 = arith.constant 0 : i32
    %dma_wait3A_81 = tpu.memref_slice %arg7[%dma_wait3A_79, %dma_wait3A_80] : memref<40x256xi32, #tpu.memory_space<vmem>> -> memref<1x256xi32, #tpu.memory_space<vmem>>
    %dma_wait3A_82 = tpu.memref_squeeze %dma_wait3A_81 : memref<1x256xi32, #tpu.memory_space<vmem>> -> memref<256xi32, #tpu.memory_space<vmem>>
    %dma_wait3A_83 = arith.constant 0 : i32
    %dma_wait3A_84 = arith.constant 0 : i32
    %dma_wait3A_85 = tpu.memref_slice %arg2[%dma_wait3A_83, %dma_wait3A_84] : memref<40000x64xf32, #tpu.memory_space<hbm>> -> memref<40000x64xf32, #tpu.memory_space<hbm>>
    tpu.wait_indirect_dma semaphore(%arg13 : memref<!tpu.dma_semaphore, #tpu.memory_space<semaphore_mem>>) src(%dma_wait3A_85 : memref<40000x64xf32, #tpu.memory_space<hbm>>) dst(%arg9 : memref<256x64xf32, #tpu.memory_space<vmem>>)
    %run_scoped3A_86 = arith.constant 38 : i32
    "tpu.region"() ({
      %run_scoped3A_99 = tpu.sem_alloc : memref<!tpu.dma_semaphore, #tpu.memory_space<semaphore_mem>>
      %dma_start3A_100 = arith.constant 0 : i32
      %dma_start3A_101 = tpu.memref_slice %arg8[%run_scoped3A_86, %dma_start3A_100] : memref<40x256xi32, #tpu.memory_space<vmem>> -> memref<1x256xi32, #tpu.memory_space<vmem>>
      %dma_start3A_102 = tpu.memref_squeeze %dma_start3A_101 : memref<1x256xi32, #tpu.memory_space<vmem>> -> memref<256xi32, #tpu.memory_space<vmem>>
      %dma_start3A_103 = arith.constant 0 : i32
      %dma_start3A_104 = arith.constant 0 : i32
      %dma_start3A_105 = tpu.memref_slice %arg12[%dma_start3A_103, %dma_start3A_104] : memref<10112x64xf32, #tpu.memory_space<vmem_shared>> -> memref<10112x64xf32, #tpu.memory_space<vmem_shared>>
      tpu.enqueue_indirect_dma source(%arg9 : memref<256x64xf32, #tpu.memory_space<vmem>>) target(%dma_start3A_105 : memref<10112x64xf32, #tpu.memory_space<vmem_shared>>) offsets(%dma_start3A_102 : memref<256xi32, #tpu.memory_space<vmem>>) semaphore(%run_scoped3A_99 : memref<!tpu.dma_semaphore, #tpu.memory_space<semaphore_mem>>) {add = true}
      %dma_wait3A_106 = arith.constant 0 : i32
      %dma_wait3A_107 = tpu.memref_slice %arg8[%run_scoped3A_86, %dma_wait3A_106] : memref<40x256xi32, #tpu.memory_space<vmem>> -> memref<1x256xi32, #tpu.memory_space<vmem>>
      %dma_wait3A_108 = tpu.memref_squeeze %dma_wait3A_107 : memref<1x256xi32, #tpu.memory_space<vmem>> -> memref<256xi32, #tpu.memory_space<vmem>>
      %dma_wait3A_109 = arith.constant 0 : i32
      %dma_wait3A_110 = arith.constant 0 : i32
      %dma_wait3A_111 = tpu.memref_slice %arg12[%dma_wait3A_109, %dma_wait3A_110] : memref<10112x64xf32, #tpu.memory_space<vmem_shared>> -> memref<10112x64xf32, #tpu.memory_space<vmem_shared>>
      tpu.wait_indirect_dma semaphore(%run_scoped3A_99 : memref<!tpu.dma_semaphore, #tpu.memory_space<semaphore_mem>>) src(%arg9 : memref<256x64xf32, #tpu.memory_space<vmem>>) dst(%dma_wait3A_111 : memref<10112x64xf32, #tpu.memory_space<vmem_shared>>)
      tpu.yield
    }) : () -> ()
    %dma_wait3A_87 = arith.constant 39 : i32
    %dma_wait3A_88 = arith.constant 0 : i32
    %dma_wait3A_89 = tpu.memref_slice %arg7[%dma_wait3A_87, %dma_wait3A_88] : memref<40x256xi32, #tpu.memory_space<vmem>> -> memref<1x256xi32, #tpu.memory_space<vmem>>
    %dma_wait3A_90 = tpu.memref_squeeze %dma_wait3A_89 : memref<1x256xi32, #tpu.memory_space<vmem>> -> memref<256xi32, #tpu.memory_space<vmem>>
    %dma_wait3A_91 = arith.constant 0 : i32
    %dma_wait3A_92 = arith.constant 0 : i32
    %dma_wait3A_93 = tpu.memref_slice %arg2[%dma_wait3A_91, %dma_wait3A_92] : memref<40000x64xf32, #tpu.memory_space<hbm>> -> memref<40000x64xf32, #tpu.memory_space<hbm>>
    tpu.wait_indirect_dma semaphore(%arg14 : memref<!tpu.dma_semaphore, #tpu.memory_space<semaphore_mem>>) src(%dma_wait3A_93 : memref<40000x64xf32, #tpu.memory_space<hbm>>) dst(%arg10 : memref<256x64xf32, #tpu.memory_space<vmem>>)
    %run_scoped3A_94 = arith.constant 39 : i32
    "tpu.region"() ({
      %run_scoped3A_99 = tpu.sem_alloc : memref<!tpu.dma_semaphore, #tpu.memory_space<semaphore_mem>>
      %dma_start3A_100 = arith.constant 0 : i32
      %dma_start3A_101 = tpu.memref_slice %arg8[%run_scoped3A_94, %dma_start3A_100] : memref<40x256xi32, #tpu.memory_space<vmem>> -> memref<1x256xi32, #tpu.memory_space<vmem>>
      %dma_start3A_102 = tpu.memref_squeeze %dma_start3A_101 : memref<1x256xi32, #tpu.memory_space<vmem>> -> memref<256xi32, #tpu.memory_space<vmem>>
      %dma_start3A_103 = arith.constant 0 : i32
      %dma_start3A_104 = arith.constant 0 : i32
      %dma_start3A_105 = tpu.memref_slice %arg12[%dma_start3A_103, %dma_start3A_104] : memref<10112x64xf32, #tpu.memory_space<vmem_shared>> -> memref<10112x64xf32, #tpu.memory_space<vmem_shared>>
      tpu.enqueue_indirect_dma source(%arg10 : memref<256x64xf32, #tpu.memory_space<vmem>>) target(%dma_start3A_105 : memref<10112x64xf32, #tpu.memory_space<vmem_shared>>) offsets(%dma_start3A_102 : memref<256xi32, #tpu.memory_space<vmem>>) semaphore(%run_scoped3A_99 : memref<!tpu.dma_semaphore, #tpu.memory_space<semaphore_mem>>) {add = true}
      %dma_wait3A_106 = arith.constant 0 : i32
      %dma_wait3A_107 = tpu.memref_slice %arg8[%run_scoped3A_94, %dma_wait3A_106] : memref<40x256xi32, #tpu.memory_space<vmem>> -> memref<1x256xi32, #tpu.memory_space<vmem>>
      %dma_wait3A_108 = tpu.memref_squeeze %dma_wait3A_107 : memref<1x256xi32, #tpu.memory_space<vmem>> -> memref<256xi32, #tpu.memory_space<vmem>>
      %dma_wait3A_109 = arith.constant 0 : i32
      %dma_wait3A_110 = arith.constant 0 : i32
      %dma_wait3A_111 = tpu.memref_slice %arg12[%dma_wait3A_109, %dma_wait3A_110] : memref<10112x64xf32, #tpu.memory_space<vmem_shared>> -> memref<10112x64xf32, #tpu.memory_space<vmem_shared>>
      tpu.wait_indirect_dma semaphore(%run_scoped3A_99 : memref<!tpu.dma_semaphore, #tpu.memory_space<semaphore_mem>>) src(%arg10 : memref<256x64xf32, #tpu.memory_space<vmem>>) dst(%dma_wait3A_111 : memref<10112x64xf32, #tpu.memory_space<vmem_shared>>)
      tpu.yield
    }) : () -> ()
    %barrier3A_95 = arith.constant 0 : index
    tpu.barrier barrier_id(%barrier3A_95)
    %mul3A_96 = arith.constant 64 : i32
    %mul3A_97 = arith.muli %arg0, %mul3A_96 : i32
    %run_scoped3A_98 = arith.constant 1 : i32
    "tpu.region"() ({
      %run_scoped3A_99 = tpu.sem_alloc : memref<!tpu.dma_semaphore, #tpu.memory_space<semaphore_mem>>
      %dma_start3A_100 = tpu.memref_slice %arg6[%run_scoped3A_98, %mul3A_0, %mul3A_97] : memref<2x10112x128xf32, #tpu.memory_space<hbm>> -> memref<1x632x64xf32, #tpu.memory_space<hbm>>
      %dma_start3A_101 = tpu.memref_squeeze %dma_start3A_100 : memref<1x632x64xf32, #tpu.memory_space<hbm>> -> memref<632x64xf32, #tpu.memory_space<hbm>>
      %dma_start3A_102 = arith.constant 0 : i32
      %dma_start3A_103 = tpu.memref_slice %arg12[%mul3A_0, %dma_start3A_102] : memref<10112x64xf32, #tpu.memory_space<vmem_shared>> -> memref<632x64xf32, #tpu.memory_space<vmem_shared>>
      tpu.enqueue_dma source(%dma_start3A_103 : memref<632x64xf32, #tpu.memory_space<vmem_shared>>) target(%dma_start3A_101 : memref<632x64xf32, #tpu.memory_space<hbm>>) target_semaphore(%run_scoped3A_99 : memref<!tpu.dma_semaphore, #tpu.memory_space<semaphore_mem>>)
      %dma_wait3A_104 = tpu.memref_slice %arg6[%run_scoped3A_98, %mul3A_0, %mul3A_97] : memref<2x10112x128xf32, #tpu.memory_space<hbm>> -> memref<1x632x64xf32, #tpu.memory_space<hbm>>
      %dma_wait3A_105 = tpu.memref_squeeze %dma_wait3A_104 : memref<1x632x64xf32, #tpu.memory_space<hbm>> -> memref<632x64xf32, #tpu.memory_space<hbm>>
      %dma_wait3A_106 = arith.constant 0 : i32
      %dma_wait3A_107 = tpu.memref_slice %arg12[%mul3A_0, %dma_wait3A_106] : memref<10112x64xf32, #tpu.memory_space<vmem_shared>> -> memref<632x64xf32, #tpu.memory_space<vmem_shared>>
      tpu.wait_dma2 semaphore(%run_scoped3A_99 : memref<!tpu.dma_semaphore, #tpu.memory_space<semaphore_mem>>) src(%dma_wait3A_107 : memref<632x64xf32, #tpu.memory_space<vmem_shared>>) dst(%dma_wait3A_105 : memref<632x64xf32, #tpu.memory_space<hbm>>)
      tpu.yield
    }) : () -> ()
    return
  }
}

#map = affine_map<(d0, d1) -> (0, 0, 0)>
#map1 = affine_map<(d0, d1) -> (0, 0)>
module attributes {stable_mosaic.version = 14 : i64} {
  func.func @_sc_deg_body(%arg0: i32, %arg1: i32, %arg2: memref<16x80x128xi32, #tpu.memory_space<hbm>>, %arg3: memref<2x256xf32, #tpu.memory_space<hbm>>, %arg4: memref<2x10240xf32, #tpu.memory_space<hbm>>, %arg5: memref<40x128xi32, #tpu.memory_space<vmem>>, %arg6: memref<128xf32, #tpu.memory_space<vmem>>, %arg7: memref<128xf32, #tpu.memory_space<vmem>>, %arg8: memref<10240xf32, #tpu.memory_space<vmem_shared>>) attributes {dimension_semantics = [#tpu.dimension_semantics<core_parallel>, #tpu.dimension_semantics<subcore_parallel>], iteration_bounds = array<i64: 2, 16>, scalar_prefetch = 0 : i64, scratch_operands = 4 : i64, tpu.core_type = #tpu.core_type<sc_vector_subcore>, window_params = [{transform_indices = #map}, {transform_indices = #map1}, {transform_indices = #map1}]} {
    %mul3A = arith.constant 640 : i32
    %mul3A_0 = arith.muli %arg1, %mul3A : i32
    %mul3A_1 = arith.constant 40 : i32
    %mul3A_2 = arith.muli %arg0, %mul3A_1 : i32
    "tpu.region"() ({
      %run_scoped3A_19 = tpu.sem_alloc : memref<!tpu.dma_semaphore, #tpu.memory_space<semaphore_mem>>
      %dma_start3A = arith.constant 0 : i32
      %dma_start3A_20 = tpu.memref_slice %arg2[%arg1, %mul3A_2, %dma_start3A] : memref<16x80x128xi32, #tpu.memory_space<hbm>> -> memref<1x40x128xi32, #tpu.memory_space<hbm>>
      %dma_start3A_21 = tpu.memref_squeeze %dma_start3A_20 : memref<1x40x128xi32, #tpu.memory_space<hbm>> -> memref<40x128xi32, #tpu.memory_space<hbm>>
      %dma_start3A_22 = arith.constant 0 : i32
      %dma_start3A_23 = tpu.memref_slice %arg2[%arg1, %mul3A_2, %dma_start3A_22] : memref<16x80x128xi32, #tpu.memory_space<hbm>> -> memref<1x40x128xi32, #tpu.memory_space<hbm>>
      %dma_start3A_24 = tpu.memref_squeeze %dma_start3A_23 : memref<1x40x128xi32, #tpu.memory_space<hbm>> -> memref<40x128xi32, #tpu.memory_space<hbm>>
      tpu.enqueue_dma source(%dma_start3A_24 : memref<40x128xi32, #tpu.memory_space<hbm>>) target(%arg5 : memref<40x128xi32, #tpu.memory_space<vmem>>) target_semaphore(%run_scoped3A_19 : memref<!tpu.dma_semaphore, #tpu.memory_space<semaphore_mem>>)
      %dma_wait3A = arith.constant 0 : i32
      %dma_wait3A_25 = tpu.memref_slice %arg2[%arg1, %mul3A_2, %dma_wait3A] : memref<16x80x128xi32, #tpu.memory_space<hbm>> -> memref<1x40x128xi32, #tpu.memory_space<hbm>>
      %dma_wait3A_26 = tpu.memref_squeeze %dma_wait3A_25 : memref<1x40x128xi32, #tpu.memory_space<hbm>> -> memref<40x128xi32, #tpu.memory_space<hbm>>
      %dma_wait3A_27 = arith.constant 0 : i32
      %dma_wait3A_28 = tpu.memref_slice %arg2[%arg1, %mul3A_2, %dma_wait3A_27] : memref<16x80x128xi32, #tpu.memory_space<hbm>> -> memref<1x40x128xi32, #tpu.memory_space<hbm>>
      %dma_wait3A_29 = tpu.memref_squeeze %dma_wait3A_28 : memref<1x40x128xi32, #tpu.memory_space<hbm>> -> memref<40x128xi32, #tpu.memory_space<hbm>>
      tpu.wait_dma2 semaphore(%run_scoped3A_19 : memref<!tpu.dma_semaphore, #tpu.memory_space<semaphore_mem>>) src(%dma_wait3A_29 : memref<40x128xi32, #tpu.memory_space<hbm>>) dst(%arg5 : memref<40x128xi32, #tpu.memory_space<vmem>>)
      tpu.yield
    }) : () -> ()
    %run_scoped3A = arith.constant 0 : i32
    "tpu.region"() ({
      %run_scoped3A_19 = tpu.sem_alloc : memref<!tpu.dma_semaphore, #tpu.memory_space<semaphore_mem>>
      %dma_start3A = arith.constant 0 : i32
      %dma_start3A_20 = tpu.memref_slice %arg3[%run_scoped3A, %dma_start3A] : memref<2x256xf32, #tpu.memory_space<hbm>> -> memref<1x128xf32, #tpu.memory_space<hbm>>
      %dma_start3A_21 = tpu.memref_squeeze %dma_start3A_20 : memref<1x128xf32, #tpu.memory_space<hbm>> -> memref<128xf32, #tpu.memory_space<hbm>>
      %dma_start3A_22 = arith.constant 0 : i32
      %dma_start3A_23 = tpu.memref_slice %arg3[%run_scoped3A, %dma_start3A_22] : memref<2x256xf32, #tpu.memory_space<hbm>> -> memref<1x128xf32, #tpu.memory_space<hbm>>
      %dma_start3A_24 = tpu.memref_squeeze %dma_start3A_23 : memref<1x128xf32, #tpu.memory_space<hbm>> -> memref<128xf32, #tpu.memory_space<hbm>>
      tpu.enqueue_dma source(%dma_start3A_24 : memref<128xf32, #tpu.memory_space<hbm>>) target(%arg6 : memref<128xf32, #tpu.memory_space<vmem>>) target_semaphore(%run_scoped3A_19 : memref<!tpu.dma_semaphore, #tpu.memory_space<semaphore_mem>>)
      %dma_wait3A = arith.constant 0 : i32
      %dma_wait3A_25 = tpu.memref_slice %arg3[%run_scoped3A, %dma_wait3A] : memref<2x256xf32, #tpu.memory_space<hbm>> -> memref<1x128xf32, #tpu.memory_space<hbm>>
      %dma_wait3A_26 = tpu.memref_squeeze %dma_wait3A_25 : memref<1x128xf32, #tpu.memory_space<hbm>> -> memref<128xf32, #tpu.memory_space<hbm>>
      %dma_wait3A_27 = arith.constant 0 : i32
      %dma_wait3A_28 = tpu.memref_slice %arg3[%run_scoped3A, %dma_wait3A_27] : memref<2x256xf32, #tpu.memory_space<hbm>> -> memref<1x128xf32, #tpu.memory_space<hbm>>
      %dma_wait3A_29 = tpu.memref_squeeze %dma_wait3A_28 : memref<1x128xf32, #tpu.memory_space<hbm>> -> memref<128xf32, #tpu.memory_space<hbm>>
      tpu.wait_dma2 semaphore(%run_scoped3A_19 : memref<!tpu.dma_semaphore, #tpu.memory_space<semaphore_mem>>) src(%dma_wait3A_29 : memref<128xf32, #tpu.memory_space<hbm>>) dst(%arg6 : memref<128xf32, #tpu.memory_space<vmem>>)
      tpu.yield
    }) : () -> ()
    %run_scoped3A_3 = arith.constant 1 : i32
    "tpu.region"() ({
      %run_scoped3A_19 = tpu.sem_alloc : memref<!tpu.dma_semaphore, #tpu.memory_space<semaphore_mem>>
      %dma_start3A = arith.constant 0 : i32
      %dma_start3A_20 = tpu.memref_slice %arg3[%run_scoped3A_3, %dma_start3A] : memref<2x256xf32, #tpu.memory_space<hbm>> -> memref<1x128xf32, #tpu.memory_space<hbm>>
      %dma_start3A_21 = tpu.memref_squeeze %dma_start3A_20 : memref<1x128xf32, #tpu.memory_space<hbm>> -> memref<128xf32, #tpu.memory_space<hbm>>
      %dma_start3A_22 = arith.constant 0 : i32
      %dma_start3A_23 = tpu.memref_slice %arg3[%run_scoped3A_3, %dma_start3A_22] : memref<2x256xf32, #tpu.memory_space<hbm>> -> memref<1x128xf32, #tpu.memory_space<hbm>>
      %dma_start3A_24 = tpu.memref_squeeze %dma_start3A_23 : memref<1x128xf32, #tpu.memory_space<hbm>> -> memref<128xf32, #tpu.memory_space<hbm>>
      tpu.enqueue_dma source(%dma_start3A_24 : memref<128xf32, #tpu.memory_space<hbm>>) target(%arg7 : memref<128xf32, #tpu.memory_space<vmem>>) target_semaphore(%run_scoped3A_19 : memref<!tpu.dma_semaphore, #tpu.memory_space<semaphore_mem>>)
      %dma_wait3A = arith.constant 0 : i32
      %dma_wait3A_25 = tpu.memref_slice %arg3[%run_scoped3A_3, %dma_wait3A] : memref<2x256xf32, #tpu.memory_space<hbm>> -> memref<1x128xf32, #tpu.memory_space<hbm>>
      %dma_wait3A_26 = tpu.memref_squeeze %dma_wait3A_25 : memref<1x128xf32, #tpu.memory_space<hbm>> -> memref<128xf32, #tpu.memory_space<hbm>>
      %dma_wait3A_27 = arith.constant 0 : i32
      %dma_wait3A_28 = tpu.memref_slice %arg3[%run_scoped3A_3, %dma_wait3A_27] : memref<2x256xf32, #tpu.memory_space<hbm>> -> memref<1x128xf32, #tpu.memory_space<hbm>>
      %dma_wait3A_29 = tpu.memref_squeeze %dma_wait3A_28 : memref<1x128xf32, #tpu.memory_space<hbm>> -> memref<128xf32, #tpu.memory_space<hbm>>
      tpu.wait_dma2 semaphore(%run_scoped3A_19 : memref<!tpu.dma_semaphore, #tpu.memory_space<semaphore_mem>>) src(%dma_wait3A_29 : memref<128xf32, #tpu.memory_space<hbm>>) dst(%arg7 : memref<128xf32, #tpu.memory_space<vmem>>)
      tpu.yield
    }) : () -> ()
    %add3A = arith.constant 0 : i32
    %add3A_4 = arith.addi %mul3A_0, %add3A : i32
    "tpu.region"() ({
      %run_scoped3A_19 = tpu.sem_alloc : memref<!tpu.dma_semaphore, #tpu.memory_space<semaphore_mem>>
      %dma_start3A = tpu.memref_slice %arg8[%add3A_4] : memref<10240xf32, #tpu.memory_space<vmem_shared>> -> memref<128xf32, #tpu.memory_space<vmem_shared>>
      %dma_start3A_20 = tpu.memref_slice %arg8[%add3A_4] : memref<10240xf32, #tpu.memory_space<vmem_shared>> -> memref<128xf32, #tpu.memory_space<vmem_shared>>
      tpu.enqueue_dma source(%arg6 : memref<128xf32, #tpu.memory_space<vmem>>) target(%dma_start3A_20 : memref<128xf32, #tpu.memory_space<vmem_shared>>) target_semaphore(%run_scoped3A_19 : memref<!tpu.dma_semaphore, #tpu.memory_space<semaphore_mem>>)
      %dma_wait3A = tpu.memref_slice %arg8[%add3A_4] : memref<10240xf32, #tpu.memory_space<vmem_shared>> -> memref<128xf32, #tpu.memory_space<vmem_shared>>
      %dma_wait3A_21 = tpu.memref_slice %arg8[%add3A_4] : memref<10240xf32, #tpu.memory_space<vmem_shared>> -> memref<128xf32, #tpu.memory_space<vmem_shared>>
      tpu.wait_dma2 semaphore(%run_scoped3A_19 : memref<!tpu.dma_semaphore, #tpu.memory_space<semaphore_mem>>) src(%arg6 : memref<128xf32, #tpu.memory_space<vmem>>) dst(%dma_wait3A_21 : memref<128xf32, #tpu.memory_space<vmem_shared>>)
      tpu.yield
    }) : () -> ()
    %add3A_5 = arith.constant 128 : i32
    %add3A_6 = arith.addi %mul3A_0, %add3A_5 : i32
    "tpu.region"() ({
      %run_scoped3A_19 = tpu.sem_alloc : memref<!tpu.dma_semaphore, #tpu.memory_space<semaphore_mem>>
      %dma_start3A = tpu.memref_slice %arg8[%add3A_6] : memref<10240xf32, #tpu.memory_space<vmem_shared>> -> memref<128xf32, #tpu.memory_space<vmem_shared>>
      %dma_start3A_20 = tpu.memref_slice %arg8[%add3A_6] : memref<10240xf32, #tpu.memory_space<vmem_shared>> -> memref<128xf32, #tpu.memory_space<vmem_shared>>
      tpu.enqueue_dma source(%arg6 : memref<128xf32, #tpu.memory_space<vmem>>) target(%dma_start3A_20 : memref<128xf32, #tpu.memory_space<vmem_shared>>) target_semaphore(%run_scoped3A_19 : memref<!tpu.dma_semaphore, #tpu.memory_space<semaphore_mem>>)
      %dma_wait3A = tpu.memref_slice %arg8[%add3A_6] : memref<10240xf32, #tpu.memory_space<vmem_shared>> -> memref<128xf32, #tpu.memory_space<vmem_shared>>
      %dma_wait3A_21 = tpu.memref_slice %arg8[%add3A_6] : memref<10240xf32, #tpu.memory_space<vmem_shared>> -> memref<128xf32, #tpu.memory_space<vmem_shared>>
      tpu.wait_dma2 semaphore(%run_scoped3A_19 : memref<!tpu.dma_semaphore, #tpu.memory_space<semaphore_mem>>) src(%arg6 : memref<128xf32, #tpu.memory_space<vmem>>) dst(%dma_wait3A_21 : memref<128xf32, #tpu.memory_space<vmem_shared>>)
      tpu.yield
    }) : () -> ()
    %add3A_7 = arith.constant 256 : i32
    %add3A_8 = arith.addi %mul3A_0, %add3A_7 : i32
    "tpu.region"() ({
      %run_scoped3A_19 = tpu.sem_alloc : memref<!tpu.dma_semaphore, #tpu.memory_space<semaphore_mem>>
      %dma_start3A = tpu.memref_slice %arg8[%add3A_8] : memref<10240xf32, #tpu.memory_space<vmem_shared>> -> memref<128xf32, #tpu.memory_space<vmem_shared>>
      %dma_start3A_20 = tpu.memref_slice %arg8[%add3A_8] : memref<10240xf32, #tpu.memory_space<vmem_shared>> -> memref<128xf32, #tpu.memory_space<vmem_shared>>
      tpu.enqueue_dma source(%arg6 : memref<128xf32, #tpu.memory_space<vmem>>) target(%dma_start3A_20 : memref<128xf32, #tpu.memory_space<vmem_shared>>) target_semaphore(%run_scoped3A_19 : memref<!tpu.dma_semaphore, #tpu.memory_space<semaphore_mem>>)
      %dma_wait3A = tpu.memref_slice %arg8[%add3A_8] : memref<10240xf32, #tpu.memory_space<vmem_shared>> -> memref<128xf32, #tpu.memory_space<vmem_shared>>
      %dma_wait3A_21 = tpu.memref_slice %arg8[%add3A_8] : memref<10240xf32, #tpu.memory_space<vmem_shared>> -> memref<128xf32, #tpu.memory_space<vmem_shared>>
      tpu.wait_dma2 semaphore(%run_scoped3A_19 : memref<!tpu.dma_semaphore, #tpu.memory_space<semaphore_mem>>) src(%arg6 : memref<128xf32, #tpu.memory_space<vmem>>) dst(%dma_wait3A_21 : memref<128xf32, #tpu.memory_space<vmem_shared>>)
      tpu.yield
    }) : () -> ()
    %add3A_9 = arith.constant 384 : i32
    %add3A_10 = arith.addi %mul3A_0, %add3A_9 : i32
    "tpu.region"() ({
      %run_scoped3A_19 = tpu.sem_alloc : memref<!tpu.dma_semaphore, #tpu.memory_space<semaphore_mem>>
      %dma_start3A = tpu.memref_slice %arg8[%add3A_10] : memref<10240xf32, #tpu.memory_space<vmem_shared>> -> memref<128xf32, #tpu.memory_space<vmem_shared>>
      %dma_start3A_20 = tpu.memref_slice %arg8[%add3A_10] : memref<10240xf32, #tpu.memory_space<vmem_shared>> -> memref<128xf32, #tpu.memory_space<vmem_shared>>
      tpu.enqueue_dma source(%arg6 : memref<128xf32, #tpu.memory_space<vmem>>) target(%dma_start3A_20 : memref<128xf32, #tpu.memory_space<vmem_shared>>) target_semaphore(%run_scoped3A_19 : memref<!tpu.dma_semaphore, #tpu.memory_space<semaphore_mem>>)
      %dma_wait3A = tpu.memref_slice %arg8[%add3A_10] : memref<10240xf32, #tpu.memory_space<vmem_shared>> -> memref<128xf32, #tpu.memory_space<vmem_shared>>
      %dma_wait3A_21 = tpu.memref_slice %arg8[%add3A_10] : memref<10240xf32, #tpu.memory_space<vmem_shared>> -> memref<128xf32, #tpu.memory_space<vmem_shared>>
      tpu.wait_dma2 semaphore(%run_scoped3A_19 : memref<!tpu.dma_semaphore, #tpu.memory_space<semaphore_mem>>) src(%arg6 : memref<128xf32, #tpu.memory_space<vmem>>) dst(%dma_wait3A_21 : memref<128xf32, #tpu.memory_space<vmem_shared>>)
      tpu.yield
    }) : () -> ()
    %add3A_11 = arith.constant 512 : i32
    %add3A_12 = arith.addi %mul3A_0, %add3A_11 : i32
    "tpu.region"() ({
      %run_scoped3A_19 = tpu.sem_alloc : memref<!tpu.dma_semaphore, #tpu.memory_space<semaphore_mem>>
      %dma_start3A = tpu.memref_slice %arg8[%add3A_12] : memref<10240xf32, #tpu.memory_space<vmem_shared>> -> memref<128xf32, #tpu.memory_space<vmem_shared>>
      %dma_start3A_20 = tpu.memref_slice %arg8[%add3A_12] : memref<10240xf32, #tpu.memory_space<vmem_shared>> -> memref<128xf32, #tpu.memory_space<vmem_shared>>
      tpu.enqueue_dma source(%arg6 : memref<128xf32, #tpu.memory_space<vmem>>) target(%dma_start3A_20 : memref<128xf32, #tpu.memory_space<vmem_shared>>) target_semaphore(%run_scoped3A_19 : memref<!tpu.dma_semaphore, #tpu.memory_space<semaphore_mem>>)
      %dma_wait3A = tpu.memref_slice %arg8[%add3A_12] : memref<10240xf32, #tpu.memory_space<vmem_shared>> -> memref<128xf32, #tpu.memory_space<vmem_shared>>
      %dma_wait3A_21 = tpu.memref_slice %arg8[%add3A_12] : memref<10240xf32, #tpu.memory_space<vmem_shared>> -> memref<128xf32, #tpu.memory_space<vmem_shared>>
      tpu.wait_dma2 semaphore(%run_scoped3A_19 : memref<!tpu.dma_semaphore, #tpu.memory_space<semaphore_mem>>) src(%arg6 : memref<128xf32, #tpu.memory_space<vmem>>) dst(%dma_wait3A_21 : memref<128xf32, #tpu.memory_space<vmem_shared>>)
      tpu.yield
    }) : () -> ()
    %barrier3A = arith.constant 0 : index
    tpu.barrier barrier_id(%barrier3A)
    %scan3A = arith.constant 0 : i32
    %scan3A_13 = arith.constant 0 : i32
    %scan3A_14 = arith.constant 40 : i32
    %scan3A_15 = arith.addi %scan3A_13, %scan3A_14 : i32
    %scan3A_16 = arith.constant 1 : i32
    scf.for %scan3A_19 = %scan3A_13 to %scan3A_15 step %scan3A_16  : i32 {
      "tpu.region"() ({
        %run_scoped3A_20 = tpu.sem_alloc : memref<!tpu.dma_semaphore, #tpu.memory_space<semaphore_mem>>
        %dma_start3A = arith.constant 0 : i32
        %dma_start3A_21 = tpu.memref_slice %arg5[%scan3A_19, %dma_start3A] : memref<40x128xi32, #tpu.memory_space<vmem>> -> memref<1x128xi32, #tpu.memory_space<vmem>>
        %dma_start3A_22 = tpu.memref_squeeze %dma_start3A_21 : memref<1x128xi32, #tpu.memory_space<vmem>> -> memref<128xi32, #tpu.memory_space<vmem>>
        %dma_start3A_23 = arith.constant 0 : i32
        %dma_start3A_24 = tpu.memref_slice %arg8[%dma_start3A_23] : memref<10240xf32, #tpu.memory_space<vmem_shared>> -> memref<10240xf32, #tpu.memory_space<vmem_shared>>
        tpu.enqueue_indirect_dma source(%arg7 : memref<128xf32, #tpu.memory_space<vmem>>) target(%dma_start3A_24 : memref<10240xf32, #tpu.memory_space<vmem_shared>>) offsets(%dma_start3A_22 : memref<128xi32, #tpu.memory_space<vmem>>) semaphore(%run_scoped3A_20 : memref<!tpu.dma_semaphore, #tpu.memory_space<semaphore_mem>>) {add = true}
        %dma_wait3A = arith.constant 0 : i32
        %dma_wait3A_25 = tpu.memref_slice %arg5[%scan3A_19, %dma_wait3A] : memref<40x128xi32, #tpu.memory_space<vmem>> -> memref<1x128xi32, #tpu.memory_space<vmem>>
        %dma_wait3A_26 = tpu.memref_squeeze %dma_wait3A_25 : memref<1x128xi32, #tpu.memory_space<vmem>> -> memref<128xi32, #tpu.memory_space<vmem>>
        %dma_wait3A_27 = arith.constant 0 : i32
        %dma_wait3A_28 = tpu.memref_slice %arg8[%dma_wait3A_27] : memref<10240xf32, #tpu.memory_space<vmem_shared>> -> memref<10240xf32, #tpu.memory_space<vmem_shared>>
        tpu.wait_indirect_dma semaphore(%run_scoped3A_20 : memref<!tpu.dma_semaphore, #tpu.memory_space<semaphore_mem>>) src(%arg7 : memref<128xf32, #tpu.memory_space<vmem>>) dst(%dma_wait3A_28 : memref<10240xf32, #tpu.memory_space<vmem_shared>>)
        tpu.yield
      }) : () -> ()
    }
    %scan3A_17 = arith.constant 40 : i32
    %barrier3A_18 = arith.constant 0 : index
    tpu.barrier barrier_id(%barrier3A_18)
    "tpu.region"() ({
      %run_scoped3A_19 = tpu.sem_alloc : memref<!tpu.dma_semaphore, #tpu.memory_space<semaphore_mem>>
      %dma_start3A = tpu.memref_slice %arg4[%arg0, %mul3A_0] : memref<2x10240xf32, #tpu.memory_space<hbm>> -> memref<1x640xf32, #tpu.memory_space<hbm>>
      %dma_start3A_20 = tpu.memref_squeeze %dma_start3A : memref<1x640xf32, #tpu.memory_space<hbm>> -> memref<640xf32, #tpu.memory_space<hbm>>
      %dma_start3A_21 = tpu.memref_slice %arg8[%mul3A_0] : memref<10240xf32, #tpu.memory_space<vmem_shared>> -> memref<640xf32, #tpu.memory_space<vmem_shared>>
      tpu.enqueue_dma source(%dma_start3A_21 : memref<640xf32, #tpu.memory_space<vmem_shared>>) target(%dma_start3A_20 : memref<640xf32, #tpu.memory_space<hbm>>) target_semaphore(%run_scoped3A_19 : memref<!tpu.dma_semaphore, #tpu.memory_space<semaphore_mem>>)
      %dma_wait3A = tpu.memref_slice %arg4[%arg0, %mul3A_0] : memref<2x10240xf32, #tpu.memory_space<hbm>> -> memref<1x640xf32, #tpu.memory_space<hbm>>
      %dma_wait3A_22 = tpu.memref_squeeze %dma_wait3A : memref<1x640xf32, #tpu.memory_space<hbm>> -> memref<640xf32, #tpu.memory_space<hbm>>
      %dma_wait3A_23 = tpu.memref_slice %arg8[%mul3A_0] : memref<10240xf32, #tpu.memory_space<vmem_shared>> -> memref<640xf32, #tpu.memory_space<vmem_shared>>
      tpu.wait_dma2 semaphore(%run_scoped3A_19 : memref<!tpu.dma_semaphore, #tpu.memory_space<semaphore_mem>>) src(%dma_wait3A_23 : memref<640xf32, #tpu.memory_space<vmem_shared>>) dst(%dma_wait3A_22 : memref<640xf32, #tpu.memory_space<hbm>>)
      tpu.yield
    }) : () -> ()
    return
  }
}

module attributes {stable_mosaic.version = 14 : i64} {
  func.func @_tc1_body(%arg0: i32, %arg1: memref<1000x256xf32, #tpu.memory_space<vmem>>, %arg2: memref<256x256xf32, #tpu.memory_space<vmem>>, %arg3: memref<1x1x1000xf32, #tpu.memory_space<vmem>>, %arg4: memref<2x1000x128xf32, #tpu.memory_space<vmem>>) attributes {dimension_semantics = [#tpu.dimension_semantics<arbitrary>], iteration_bounds = array<i64: 10>, scalar_prefetch = 0 : i64, scratch_operands = 0 : i64, tpu.core_type = #tpu.core_type<tc>, window_params = [{transform_indices = @transform_0, window_bounds = array<i64: 1000, 256>}, {pipeline_mode = #tpu.pipeline_mode<synchronous>, transform_indices = @transform_1, window_bounds = array<i64: 256, 256>}, {transform_indices = @transform_2, window_bounds = array<i64: 1, 1, 1000>}, {transform_indices = @transform_3, window_bounds = array<i64: 2, 1000, 128>}]} {
    %get3A = arith.constant 0 : index
    %get3A_0 = arith.constant 0 : index
    %get3A_1 = arith.constant 0 : index
    %get3A_2 = vector.load %arg3[%get3A, %get3A_0, %get3A_1] : memref<1x1x1000xf32, #tpu.memory_space<vmem>>, vector<1x1x1000xf32>
    %get3A_3 = vector.shape_cast %get3A_2 : vector<1x1x1000xf32> to vector<1x1000xf32>
    %add3A = arith.constant 1.000000e+00 : f32
    %add3A_4 = vector.broadcast %add3A : f32 to vector<1x1000xf32>
    %add3A_5 = arith.addf %get3A_3, %add3A_4 : vector<1x1000xf32>
    %sqrt3A = math.sqrt %add3A_5 : vector<1x1000xf32>
    %div3A = arith.constant 1.000000e+00 : f32
    %div3A_6 = vector.broadcast %div3A : f32 to vector<1x1000xf32>
    %div3A_7 = arith.divf %div3A_6, %sqrt3A : vector<1x1000xf32>
    %transpose3A = tpu.transpose %div3A_7, [1, 0] : vector<1x1000xf32> -> vector<1000x1xf32>
    %get3A_8 = arith.constant 0 : index
    %get3A_9 = arith.constant 0 : index
    %get3A_10 = vector.load %arg1[%get3A_8, %get3A_9] : memref<1000x256xf32, #tpu.memory_space<vmem>>, vector<1000x256xf32>
    %get3A_11 = arith.constant 0 : index
    %get3A_12 = arith.constant 0 : index
    %get3A_13 = vector.load %arg2[%get3A_11, %get3A_12] : memref<256x256xf32, #tpu.memory_space<vmem>>, vector<256x256xf32>
    %dot_general3A = arith.constant dense<0.000000e+00> : vector<1000x256xf32>
    %dot_general3A_14 = tpu.matmul %get3A_10, %get3A_13, %dot_general3A {dimension_numbers = #tpu.dot_dimension_numbers<[1], [0], [0], [1], [0, 0, 1, 1], [], []>, transpose_lhs_hint = false} : vector<1000x256xf32>, vector<256x256xf32>, vector<1000x256xf32> -> vector<1000x256xf32>
    %slice3A = vector.extract_strided_slice %dot_general3A_14 {offsets = [0, 0], sizes = [1000, 128], strides = [1, 1]} : vector<1000x256xf32> to vector<1000x128xf32>
    %mul3A = vector.broadcast %transpose3A : vector<1000x1xf32> to vector<1000x128xf32>
    %mul3A_15 = arith.mulf %slice3A, %mul3A : vector<1000x128xf32>
    %swap3A = arith.constant 0 : index
    %swap3A_16 = arith.constant 0 : index
    %swap3A_17 = arith.constant 0 : index
    %swap3A_18 = vector.load %arg4[%swap3A, %swap3A_16, %swap3A_17] : memref<2x1000x128xf32, #tpu.memory_space<vmem>>, vector<1x1000x128xf32>
    %swap3A_19 = vector.shape_cast %swap3A_18 : vector<1x1000x128xf32> to vector<1000x128xf32>
    %swap3A_20 = vector.shape_cast %mul3A_15 : vector<1000x128xf32> to vector<1x1000x128xf32>
    tpu.vector_store %arg4[%swap3A, %swap3A_16, %swap3A_17], %swap3A_20 {strides = array<i32>} : memref<2x1000x128xf32, #tpu.memory_space<vmem>>, vector<1x1000x128xf32>,
    %slice3A_21 = vector.extract_strided_slice %dot_general3A_14 {offsets = [0, 128], sizes = [1000, 128], strides = [1, 1]} : vector<1000x256xf32> to vector<1000x128xf32>
    %mul3A_22 = vector.broadcast %transpose3A : vector<1000x1xf32> to vector<1000x128xf32>
    %mul3A_23 = arith.mulf %slice3A_21, %mul3A_22 : vector<1000x128xf32>
    %swap3A_24 = arith.constant 1 : index
    %swap3A_25 = arith.constant 0 : index
    %swap3A_26 = arith.constant 0 : index
    %swap3A_27 = vector.load %arg4[%swap3A_24, %swap3A_25, %swap3A_26] : memref<2x1000x128xf32, #tpu.memory_space<vmem>>, vector<1x1000x128xf32>
    %swap3A_28 = vector.shape_cast %swap3A_27 : vector<1x1000x128xf32> to vector<1000x128xf32>
    %swap3A_29 = vector.shape_cast %mul3A_23 : vector<1000x128xf32> to vector<1x1000x128xf32>
    tpu.vector_store %arg4[%swap3A_24, %swap3A_25, %swap3A_26], %swap3A_29 {strides = array<i32>} : memref<2x1000x128xf32, #tpu.memory_space<vmem>>, vector<1x1000x128xf32>,
    return
  }
  func.func @transform_0(%arg0: i32) -> (i32, i32) {
    %c0_i32 = arith.constant 0 : i32
    %c0_i32_0 = arith.constant 0 : i32
    return %arg0, %c0_i32 : i32, i32
  }
  func.func @transform_1(%arg0: i32) -> (i32, i32) {
    %c0_i32 = arith.constant 0 : i32
    %c0_i32_0 = arith.constant 0 : i32
    %c0_i32_1 = arith.constant 0 : i32
    return %c0_i32, %c0_i32_0 : i32, i32
  }
  func.func @transform_2(%arg0: i32) -> (i32, i32, i32) {
    %c0_i32 = arith.constant 0 : i32
    %c0_i32_0 = arith.constant 0 : i32
    %c0_i32_1 = arith.constant 0 : i32
    return %arg0, %c0_i32, %c0_i32_0 : i32, i32, i32
  }
  func.func @transform_3(%arg0: i32) -> (i32, i32, i32) {
    %c0_i32 = arith.constant 0 : i32
    %c0_i32_0 = arith.constant 0 : i32
    %c0_i32_1 = arith.constant 0 : i32
    return %c0_i32, %arg0, %c0_i32_0 : i32, i32, i32
  }
}

module attributes {stable_mosaic.version = 14 : i64} {
  func.func @_tc2_body(%arg0: i32, %arg1: memref<2x1000x128xf32, #tpu.memory_space<vmem>>, %arg2: memref<2x1000x128xf32, #tpu.memory_space<vmem>>, %arg3: memref<1x1x1000xf32, #tpu.memory_space<vmem>>, %arg4: memref<2x1x128xf32, #tpu.memory_space<vmem>>, %arg5: memref<256x256xf32, #tpu.memory_space<vmem>>, %arg6: memref<2x1000x128xf32, #tpu.memory_space<vmem>>) attributes {dimension_semantics = [#tpu.dimension_semantics<arbitrary>], iteration_bounds = array<i64: 10>, scalar_prefetch = 0 : i64, scratch_operands = 0 : i64, tpu.core_type = #tpu.core_type<tc>, window_params = [{transform_indices = @transform_0, window_bounds = array<i64: 2, 1000, 128>}, {transform_indices = @transform_1, window_bounds = array<i64: 2, 1000, 128>}, {transform_indices = @transform_2, window_bounds = array<i64: 1, 1, 1000>}, {pipeline_mode = #tpu.pipeline_mode<synchronous>, transform_indices = @transform_3, window_bounds = array<i64: 2, 1, 128>}, {pipeline_mode = #tpu.pipeline_mode<synchronous>, transform_indices = @transform_4, window_bounds = array<i64: 256, 256>}, {transform_indices = @transform_5, window_bounds = array<i64: 2, 1000, 128>}]} {
    %get3A = arith.constant 0 : index
    %get3A_0 = arith.constant 0 : index
    %get3A_1 = arith.constant 0 : index
    %get3A_2 = vector.load %arg3[%get3A, %get3A_0, %get3A_1] : memref<1x1x1000xf32, #tpu.memory_space<vmem>>, vector<1x1x1000xf32>
    %get3A_3 = vector.shape_cast %get3A_2 : vector<1x1x1000xf32> to vector<1x1000xf32>
    %add3A = arith.constant 1.000000e+00 : f32
    %add3A_4 = vector.broadcast %add3A : f32 to vector<1x1000xf32>
    %add3A_5 = arith.addf %get3A_3, %add3A_4 : vector<1x1000xf32>
    %sqrt3A = math.sqrt %add3A_5 : vector<1x1000xf32>
    %div3A = arith.constant 1.000000e+00 : f32
    %div3A_6 = vector.broadcast %div3A : f32 to vector<1x1000xf32>
    %div3A_7 = arith.divf %div3A_6, %sqrt3A : vector<1x1000xf32>
    %transpose3A = tpu.transpose %div3A_7, [1, 0] : vector<1x1000xf32> -> vector<1000x1xf32>
    %get3A_8 = arith.constant 0 : index
    %get3A_9 = arith.constant 0 : index
    %get3A_10 = arith.constant 0 : index
    %get3A_11 = vector.load %arg1[%get3A_8, %get3A_9, %get3A_10] : memref<2x1000x128xf32, #tpu.memory_space<vmem>>, vector<1x1000x128xf32>
    %get3A_12 = vector.shape_cast %get3A_11 : vector<1x1000x128xf32> to vector<1000x128xf32>
    %get3A_13 = arith.constant 0 : index
    %get3A_14 = arith.constant 0 : index
    %get3A_15 = arith.constant 0 : index
    %get3A_16 = vector.load %arg2[%get3A_13, %get3A_14, %get3A_15] : memref<2x1000x128xf32, #tpu.memory_space<vmem>>, vector<1x1000x128xf32>
    %get3A_17 = vector.shape_cast %get3A_16 : vector<1x1000x128xf32> to vector<1000x128xf32>
    %add3A_18 = arith.addf %get3A_12, %get3A_17 : vector<1000x128xf32>
    %mul3A = vector.broadcast %transpose3A : vector<1000x1xf32> to vector<1000x128xf32>
    %mul3A_19 = arith.mulf %add3A_18, %mul3A : vector<1000x128xf32>
    %get3A_20 = arith.constant 0 : index
    %get3A_21 = arith.constant 0 : index
    %get3A_22 = arith.constant 0 : index
    %get3A_23 = vector.load %arg4[%get3A_20, %get3A_21, %get3A_22] : memref<2x1x128xf32, #tpu.memory_space<vmem>>, vector<1x1x128xf32>
    %get3A_24 = vector.shape_cast %get3A_23 : vector<1x1x128xf32> to vector<1x128xf32>
    %add3A_25 = vector.broadcast %get3A_24 : vector<1x128xf32> to vector<1000x128xf32>
    %add3A_26 = arith.addf %mul3A_19, %add3A_25 : vector<1000x128xf32>
    %max3A = arith.constant 0.000000e+00 : f32
    %max3A_27 = vector.broadcast %max3A : f32 to vector<1000x128xf32>
    %max3A_28 = arith.maximumf %add3A_26, %max3A_27 : vector<1000x128xf32>
    %get3A_29 = arith.constant 1 : index
    %get3A_30 = arith.constant 0 : index
    %get3A_31 = arith.constant 0 : index
    %get3A_32 = vector.load %arg1[%get3A_29, %get3A_30, %get3A_31] : memref<2x1000x128xf32, #tpu.memory_space<vmem>>, vector<1x1000x128xf32>
    %get3A_33 = vector.shape_cast %get3A_32 : vector<1x1000x128xf32> to vector<1000x128xf32>
    %get3A_34 = arith.constant 1 : index
    %get3A_35 = arith.constant 0 : index
    %get3A_36 = arith.constant 0 : index
    %get3A_37 = vector.load %arg2[%get3A_34, %get3A_35, %get3A_36] : memref<2x1000x128xf32, #tpu.memory_space<vmem>>, vector<1x1000x128xf32>
    %get3A_38 = vector.shape_cast %get3A_37 : vector<1x1000x128xf32> to vector<1000x128xf32>
    %add3A_39 = arith.addf %get3A_33, %get3A_38 : vector<1000x128xf32>
    %mul3A_40 = vector.broadcast %transpose3A : vector<1000x1xf32> to vector<1000x128xf32>
    %mul3A_41 = arith.mulf %add3A_39, %mul3A_40 : vector<1000x128xf32>
    %get3A_42 = arith.constant 1 : index
    %get3A_43 = arith.constant 0 : index
    %get3A_44 = arith.constant 0 : index
    %get3A_45 = vector.load %arg4[%get3A_42, %get3A_43, %get3A_44] : memref<2x1x128xf32, #tpu.memory_space<vmem>>, vector<1x1x128xf32>
    %get3A_46 = vector.shape_cast %get3A_45 : vector<1x1x128xf32> to vector<1x128xf32>
    %add3A_47 = vector.broadcast %get3A_46 : vector<1x128xf32> to vector<1000x128xf32>
    %add3A_48 = arith.addf %mul3A_41, %add3A_47 : vector<1000x128xf32>
    %max3A_49 = arith.constant 0.000000e+00 : f32
    %max3A_50 = vector.broadcast %max3A_49 : f32 to vector<1000x128xf32>
    %max3A_51 = arith.maximumf %add3A_48, %max3A_50 : vector<1000x128xf32>
    %get3A_52 = arith.constant 0 : index
    %get3A_53 = arith.constant 0 : index
    %get3A_54 = vector.load %arg5[%get3A_52, %get3A_53] : memref<256x256xf32, #tpu.memory_space<vmem>>, vector<128x256xf32>
    %dot_general3A = arith.constant dense<0.000000e+00> : vector<1000x256xf32>
    %dot_general3A_55 = tpu.matmul %max3A_28, %get3A_54, %dot_general3A {dimension_numbers = #tpu.dot_dimension_numbers<[1], [0], [0], [1], [0, 0, 1, 1], [], []>, transpose_lhs_hint = false} : vector<1000x128xf32>, vector<128x256xf32>, vector<1000x256xf32> -> vector<1000x256xf32>
    %get3A_56 = arith.constant 128 : index
    %get3A_57 = arith.constant 0 : index
    %get3A_58 = vector.load %arg5[%get3A_56, %get3A_57] : memref<256x256xf32, #tpu.memory_space<vmem>>, vector<128x256xf32>
    %dot_general3A_59 = arith.constant dense<0.000000e+00> : vector<1000x256xf32>
    %dot_general3A_60 = tpu.matmul %max3A_51, %get3A_58, %dot_general3A_59 {dimension_numbers = #tpu.dot_dimension_numbers<[1], [0], [0], [1], [0, 0, 1, 1], [], []>, transpose_lhs_hint = false} : vector<1000x128xf32>, vector<128x256xf32>, vector<1000x256xf32> -> vector<1000x256xf32>
    %add3A_61 = arith.addf %dot_general3A_55, %dot_general3A_60 : vector<1000x256xf32>
    %slice3A = vector.extract_strided_slice %add3A_61 {offsets = [0, 0], sizes = [1000, 128], strides = [1, 1]} : vector<1000x256xf32> to vector<1000x128xf32>
    %mul3A_62 = vector.broadcast %transpose3A : vector<1000x1xf32> to vector<1000x128xf32>
    %mul3A_63 = arith.mulf %slice3A, %mul3A_62 : vector<1000x128xf32>
    %swap3A = arith.constant 0 : index
    %swap3A_64 = arith.constant 0 : index
    %swap3A_65 = arith.constant 0 : index
    %swap3A_66 = vector.load %arg6[%swap3A, %swap3A_64, %swap3A_65] : memref<2x1000x128xf32, #tpu.memory_space<vmem>>, vector<1x1000x128xf32>
    %swap3A_67 = vector.shape_cast %swap3A_66 : vector<1x1000x128xf32> to vector<1000x128xf32>
    %swap3A_68 = vector.shape_cast %mul3A_63 : vector<1000x128xf32> to vector<1x1000x128xf32>
    tpu.vector_store %arg6[%swap3A, %swap3A_64, %swap3A_65], %swap3A_68 {strides = array<i32>} : memref<2x1000x128xf32, #tpu.memory_space<vmem>>, vector<1x1000x128xf32>,
    %slice3A_69 = vector.extract_strided_slice %add3A_61 {offsets = [0, 128], sizes = [1000, 128], strides = [1, 1]} : vector<1000x256xf32> to vector<1000x128xf32>
    %mul3A_70 = vector.broadcast %transpose3A : vector<1000x1xf32> to vector<1000x128xf32>
    %mul3A_71 = arith.mulf %slice3A_69, %mul3A_70 : vector<1000x128xf32>
    %swap3A_72 = arith.constant 1 : index
    %swap3A_73 = arith.constant 0 : index
    %swap3A_74 = arith.constant 0 : index
    %swap3A_75 = vector.load %arg6[%swap3A_72, %swap3A_73, %swap3A_74] : memref<2x1000x128xf32, #tpu.memory_space<vmem>>, vector<1x1000x128xf32>
    %swap3A_76 = vector.shape_cast %swap3A_75 : vector<1x1000x128xf32> to vector<1000x128xf32>
    %swap3A_77 = vector.shape_cast %mul3A_71 : vector<1000x128xf32> to vector<1x1000x128xf32>
    tpu.vector_store %arg6[%swap3A_72, %swap3A_73, %swap3A_74], %swap3A_77 {strides = array<i32>} : memref<2x1000x128xf32, #tpu.memory_space<vmem>>, vector<1x1000x128xf32>,
    return
  }
  func.func @transform_0(%arg0: i32) -> (i32, i32, i32) {
    %c0_i32 = arith.constant 0 : i32
    %c0_i32_0 = arith.constant 0 : i32
    %c0_i32_1 = arith.constant 0 : i32
    return %c0_i32, %arg0, %c0_i32_0 : i32, i32, i32
  }
  func.func @transform_1(%arg0: i32) -> (i32, i32, i32) {
    %c0_i32 = arith.constant 0 : i32
    %c0_i32_0 = arith.constant 0 : i32
    %c0_i32_1 = arith.constant 0 : i32
    return %c0_i32, %arg0, %c0_i32_0 : i32, i32, i32
  }
  func.func @transform_2(%arg0: i32) -> (i32, i32, i32) {
    %c0_i32 = arith.constant 0 : i32
    %c0_i32_0 = arith.constant 0 : i32
    %c0_i32_1 = arith.constant 0 : i32
    return %arg0, %c0_i32, %c0_i32_0 : i32, i32, i32
  }
  func.func @transform_3(%arg0: i32) -> (i32, i32, i32) {
    %c0_i32 = arith.constant 0 : i32
    %c0_i32_0 = arith.constant 0 : i32
    %c0_i32_1 = arith.constant 0 : i32
    %c0_i32_2 = arith.constant 0 : i32
    return %c0_i32, %c0_i32_0, %c0_i32_1 : i32, i32, i32
  }
  func.func @transform_4(%arg0: i32) -> (i32, i32) {
    %c0_i32 = arith.constant 0 : i32
    %c0_i32_0 = arith.constant 0 : i32
    %c0_i32_1 = arith.constant 0 : i32
    return %c0_i32, %c0_i32_0 : i32, i32
  }
  func.func @transform_5(%arg0: i32) -> (i32, i32, i32) {
    %c0_i32 = arith.constant 0 : i32
    %c0_i32_0 = arith.constant 0 : i32
    %c0_i32_1 = arith.constant 0 : i32
    return %c0_i32, %arg0, %c0_i32_0 : i32, i32, i32
  }
}

module attributes {stable_mosaic.version = 14 : i64} {
  func.func @_tc3_body(%arg0: i32, %arg1: memref<2x1000x128xf32, #tpu.memory_space<vmem>>, %arg2: memref<2x1000x128xf32, #tpu.memory_space<vmem>>, %arg3: memref<1x1x1000xf32, #tpu.memory_space<vmem>>, %arg4: memref<2x1x128xf32, #tpu.memory_space<vmem>>, %arg5: memref<256x128xf32, #tpu.memory_space<vmem>>, %arg6: memref<1x128xf32, #tpu.memory_space<vmem>>, %arg7: memref<1x128xf32, #tpu.memory_space<vmem>>, %arg8: memref<8x256xf32, #tpu.memory_space<vmem>>) attributes {dimension_semantics = [#tpu.dimension_semantics<arbitrary>], iteration_bounds = array<i64: 10>, scalar_prefetch = 0 : i64, scratch_operands = 1 : i64, tpu.core_type = #tpu.core_type<tc>, window_params = [{transform_indices = @transform_0, window_bounds = array<i64: 2, 1000, 128>}, {transform_indices = @transform_1, window_bounds = array<i64: 2, 1000, 128>}, {transform_indices = @transform_2, window_bounds = array<i64: 1, 1, 1000>}, {pipeline_mode = #tpu.pipeline_mode<synchronous>, transform_indices = @transform_3, window_bounds = array<i64: 2, 1, 128>}, {pipeline_mode = #tpu.pipeline_mode<synchronous>, transform_indices = @transform_4, window_bounds = array<i64: 256, 128>}, {pipeline_mode = #tpu.pipeline_mode<synchronous>, transform_indices = @transform_5, window_bounds = array<i64: 1, 128>}, {pipeline_mode = #tpu.pipeline_mode<synchronous>, transform_indices = @transform_6, window_bounds = array<i64: 1, 128>}]} {
    %get3A = arith.constant 0 : index
    %get3A_0 = arith.constant 0 : index
    %get3A_1 = arith.constant 0 : index
    %get3A_2 = vector.load %arg3[%get3A, %get3A_0, %get3A_1] : memref<1x1x1000xf32, #tpu.memory_space<vmem>>, vector<1x1x1000xf32>
    %get3A_3 = vector.shape_cast %get3A_2 : vector<1x1x1000xf32> to vector<1x1000xf32>
    %add3A = arith.constant 1.000000e+00 : f32
    %add3A_4 = vector.broadcast %add3A : f32 to vector<1x1000xf32>
    %add3A_5 = arith.addf %get3A_3, %add3A_4 : vector<1x1000xf32>
    %sqrt3A = math.sqrt %add3A_5 : vector<1x1000xf32>
    %div3A = arith.constant 1.000000e+00 : f32
    %div3A_6 = vector.broadcast %div3A : f32 to vector<1x1000xf32>
    %div3A_7 = arith.divf %div3A_6, %sqrt3A : vector<1x1000xf32>
    %transpose3A = tpu.transpose %div3A_7, [1, 0] : vector<1x1000xf32> -> vector<1000x1xf32>
    %get3A_8 = arith.constant 0 : index
    %get3A_9 = arith.constant 0 : index
    %get3A_10 = arith.constant 0 : index
    %get3A_11 = vector.load %arg1[%get3A_8, %get3A_9, %get3A_10] : memref<2x1000x128xf32, #tpu.memory_space<vmem>>, vector<1x1000x128xf32>
    %get3A_12 = vector.shape_cast %get3A_11 : vector<1x1000x128xf32> to vector<1000x128xf32>
    %get3A_13 = arith.constant 0 : index
    %get3A_14 = arith.constant 0 : index
    %get3A_15 = arith.constant 0 : index
    %get3A_16 = vector.load %arg2[%get3A_13, %get3A_14, %get3A_15] : memref<2x1000x128xf32, #tpu.memory_space<vmem>>, vector<1x1000x128xf32>
    %get3A_17 = vector.shape_cast %get3A_16 : vector<1x1000x128xf32> to vector<1000x128xf32>
    %add3A_18 = arith.addf %get3A_12, %get3A_17 : vector<1000x128xf32>
    %mul3A = vector.broadcast %transpose3A : vector<1000x1xf32> to vector<1000x128xf32>
    %mul3A_19 = arith.mulf %add3A_18, %mul3A : vector<1000x128xf32>
    %get3A_20 = arith.constant 0 : index
    %get3A_21 = arith.constant 0 : index
    %get3A_22 = arith.constant 0 : index
    %get3A_23 = vector.load %arg4[%get3A_20, %get3A_21, %get3A_22] : memref<2x1x128xf32, #tpu.memory_space<vmem>>, vector<1x1x128xf32>
    %get3A_24 = vector.shape_cast %get3A_23 : vector<1x1x128xf32> to vector<1x128xf32>
    %add3A_25 = vector.broadcast %get3A_24 : vector<1x128xf32> to vector<1000x128xf32>
    %add3A_26 = arith.addf %mul3A_19, %add3A_25 : vector<1000x128xf32>
    %max3A = arith.constant 0.000000e+00 : f32
    %max3A_27 = vector.broadcast %max3A : f32 to vector<1000x128xf32>
    %max3A_28 = arith.maximumf %add3A_26, %max3A_27 : vector<1000x128xf32>
    %get3A_29 = arith.constant 1 : index
    %get3A_30 = arith.constant 0 : index
    %get3A_31 = arith.constant 0 : index
    %get3A_32 = vector.load %arg1[%get3A_29, %get3A_30, %get3A_31] : memref<2x1000x128xf32, #tpu.memory_space<vmem>>, vector<1x1000x128xf32>
    %get3A_33 = vector.shape_cast %get3A_32 : vector<1x1000x128xf32> to vector<1000x128xf32>
    %get3A_34 = arith.constant 1 : index
    %get3A_35 = arith.constant 0 : index
    %get3A_36 = arith.constant 0 : index
    %get3A_37 = vector.load %arg2[%get3A_34, %get3A_35, %get3A_36] : memref<2x1000x128xf32, #tpu.memory_space<vmem>>, vector<1x1000x128xf32>
    %get3A_38 = vector.shape_cast %get3A_37 : vector<1x1000x128xf32> to vector<1000x128xf32>
    %add3A_39 = arith.addf %get3A_33, %get3A_38 : vector<1000x128xf32>
    %mul3A_40 = vector.broadcast %transpose3A : vector<1000x1xf32> to vector<1000x128xf32>
    %mul3A_41 = arith.mulf %add3A_39, %mul3A_40 : vector<1000x128xf32>
    %get3A_42 = arith.constant 1 : index
    %get3A_43 = arith.constant 0 : index
    %get3A_44 = arith.constant 0 : index
    %get3A_45 = vector.load %arg4[%get3A_42, %get3A_43, %get3A_44] : memref<2x1x128xf32, #tpu.memory_space<vmem>>, vector<1x1x128xf32>
    %get3A_46 = vector.shape_cast %get3A_45 : vector<1x1x128xf32> to vector<1x128xf32>
    %add3A_47 = vector.broadcast %get3A_46 : vector<1x128xf32> to vector<1000x128xf32>
    %add3A_48 = arith.addf %mul3A_41, %add3A_47 : vector<1000x128xf32>
    %max3A_49 = arith.constant 0.000000e+00 : f32
    %max3A_50 = vector.broadcast %max3A_49 : f32 to vector<1000x128xf32>
    %max3A_51 = arith.maximumf %add3A_48, %max3A_50 : vector<1000x128xf32>
    %concatenate3A = tpu.concatenate %max3A_28, %max3A_51 in 1 : vector<1000x128xf32>, vector<1000x128xf32> -> vector<1000x256xf32>
    %reduce_max3A = arith.constant dense<0xFF800000> : vector<256xf32>
    %reduce_max3A_52 = vector.multi_reduction <maximumf>, %concatenate3A, %reduce_max3A [0] : vector<1000x256xf32> to vector<256xf32>
    %broadcast_in_dim3A = vector.shape_cast %reduce_max3A_52 : vector<256xf32> to vector<1x256xf32>
    %eq3A = arith.constant 0 : i32
    %eq3A_53 = arith.cmpi eq, %arg0, %eq3A : i32
    %convert_element_type3A = arith.extui %eq3A_53 : i1 to i32
    %cond3A = arith.constant 0 : i32
    %cond3A_54 = arith.cmpi ne, %convert_element_type3A, %cond3A : i32
    scf.if %cond3A_54 {
      %broadcast_in_dim3A_64 = vector.shape_cast %broadcast_in_dim3A : vector<1x256xf32> to vector<1x256xf32>
      %broadcast_in_dim3A_65 = vector.broadcast %broadcast_in_dim3A_64 : vector<1x256xf32> to vector<8x256xf32>
      %swap3A = arith.constant 0 : index
      %swap3A_66 = arith.constant 0 : index
      %swap3A_67 = vector.load %arg8[%swap3A, %swap3A_66] : memref<8x256xf32, #tpu.memory_space<vmem>>, vector<8x256xf32>
      tpu.vector_store %arg8[%swap3A, %swap3A_66], %broadcast_in_dim3A_65 {strides = array<i32>} : memref<8x256xf32, #tpu.memory_space<vmem>>, vector<8x256xf32>,
    } else {
    }
    %gt3A = arith.constant 0 : i32
    %gt3A_55 = arith.cmpi sgt, %arg0, %gt3A : i32
    %convert_element_type3A_56 = arith.extui %gt3A_55 : i1 to i32
    %cond3A_57 = arith.constant 0 : i32
    %cond3A_58 = arith.cmpi ne, %convert_element_type3A_56, %cond3A_57 : i32
    scf.if %cond3A_58 {
      %get3A_64 = arith.constant 0 : index
      %get3A_65 = arith.constant 0 : index
      %get3A_66 = vector.load %arg8[%get3A_64, %get3A_65] : memref<8x256xf32, #tpu.memory_space<vmem>>, vector<8x256xf32>
      %max3A_67 = vector.broadcast %broadcast_in_dim3A : vector<1x256xf32> to vector<8x256xf32>
      %max3A_68 = arith.maximumf %get3A_66, %max3A_67 : vector<8x256xf32>
      %swap3A = arith.constant 0 : index
      %swap3A_69 = arith.constant 0 : index
      %swap3A_70 = vector.load %arg8[%swap3A, %swap3A_69] : memref<8x256xf32, #tpu.memory_space<vmem>>, vector<8x256xf32>
      tpu.vector_store %arg8[%swap3A, %swap3A_69], %max3A_68 {strides = array<i32>} : memref<8x256xf32, #tpu.memory_space<vmem>>, vector<8x256xf32>,
    } else {
    }
    %eq3A_59 = arith.constant 9 : i32
    %eq3A_60 = arith.cmpi eq, %arg0, %eq3A_59 : i32
    %convert_element_type3A_61 = arith.extui %eq3A_60 : i1 to i32
    %cond3A_62 = arith.constant 0 : i32
    %cond3A_63 = arith.cmpi ne, %convert_element_type3A_61, %cond3A_62 : i32
    scf.if %cond3A_63 {
      %get3A_64 = arith.constant 0 : index
      %get3A_65 = arith.constant 0 : index
      %get3A_66 = vector.load %arg8[%get3A_64, %get3A_65] : memref<8x256xf32, #tpu.memory_space<vmem>>, vector<8x256xf32>
      %reduce_max3A_67 = arith.constant dense<0xFF800000> : vector<256xf32>
      %reduce_max3A_68 = vector.multi_reduction <maximumf>, %get3A_66, %reduce_max3A_67 [0] : vector<8x256xf32> to vector<256xf32>
      %broadcast_in_dim3A_69 = vector.shape_cast %reduce_max3A_68 : vector<256xf32> to vector<1x256xf32>
      %get3A_70 = arith.constant 0 : index
      %get3A_71 = arith.constant 0 : index
      %get3A_72 = vector.load %arg5[%get3A_70, %get3A_71] : memref<256x128xf32, #tpu.memory_space<vmem>>, vector<256x128xf32>
      %dot_general3A = arith.constant dense<0.000000e+00> : vector<1x128xf32>
      %dot_general3A_73 = tpu.matmul %broadcast_in_dim3A_69, %get3A_72, %dot_general3A {dimension_numbers = #tpu.dot_dimension_numbers<[1], [0], [0], [1], [0, 0, 1, 1], [], []>, transpose_lhs_hint = false} : vector<1x256xf32>, vector<256x128xf32>, vector<1x128xf32> -> vector<1x128xf32>
      %get3A_74 = arith.constant 0 : index
      %get3A_75 = arith.constant 0 : index
      %get3A_76 = vector.load %arg6[%get3A_74, %get3A_75] : memref<1x128xf32, #tpu.memory_space<vmem>>, vector<1x128xf32>
      %add3A_77 = arith.addf %dot_general3A_73, %get3A_76 : vector<1x128xf32>
      %swap3A = arith.constant 0 : index
      %swap3A_78 = arith.constant 0 : index
      %swap3A_79 = vector.load %arg7[%swap3A, %swap3A_78] : memref<1x128xf32, #tpu.memory_space<vmem>>, vector<1x128xf32>
      tpu.vector_store %arg7[%swap3A, %swap3A_78], %add3A_77 {strides = array<i32>} : memref<1x128xf32, #tpu.memory_space<vmem>>, vector<1x128xf32>,
    } else {
    }
    return
  }
  func.func @transform_0(%arg0: i32) -> (i32, i32, i32) {
    %c0_i32 = arith.constant 0 : i32
    %c0_i32_0 = arith.constant 0 : i32
    %c0_i32_1 = arith.constant 0 : i32
    return %c0_i32, %arg0, %c0_i32_0 : i32, i32, i32
  }
  func.func @transform_1(%arg0: i32) -> (i32, i32, i32) {
    %c0_i32 = arith.constant 0 : i32
    %c0_i32_0 = arith.constant 0 : i32
    %c0_i32_1 = arith.constant 0 : i32
    return %c0_i32, %arg0, %c0_i32_0 : i32, i32, i32
  }
  func.func @transform_2(%arg0: i32) -> (i32, i32, i32) {
    %c0_i32 = arith.constant 0 : i32
    %c0_i32_0 = arith.constant 0 : i32
    %c0_i32_1 = arith.constant 0 : i32
    return %arg0, %c0_i32, %c0_i32_0 : i32, i32, i32
  }
  func.func @transform_3(%arg0: i32) -> (i32, i32, i32) {
    %c0_i32 = arith.constant 0 : i32
    %c0_i32_0 = arith.constant 0 : i32
    %c0_i32_1 = arith.constant 0 : i32
    %c0_i32_2 = arith.constant 0 : i32
    return %c0_i32, %c0_i32_0, %c0_i32_1 : i32, i32, i32
  }
  func.func @transform_4(%arg0: i32) -> (i32, i32) {
    %c0_i32 = arith.constant 0 : i32
    %c0_i32_0 = arith.constant 0 : i32
    %c0_i32_1 = arith.constant 0 : i32
    return %c0_i32, %c0_i32_0 : i32, i32
  }
  func.func @transform_5(%arg0: i32) -> (i32, i32) {
    %c0_i32 = arith.constant 0 : i32
    %c0_i32_0 = arith.constant 0 : i32
    %c0_i32_1 = arith.constant 0 : i32
    return %c0_i32, %c0_i32_0 : i32, i32
  }
  func.func @transform_6(%arg0: i32) -> (i32, i32) {
    %c0_i32 = arith.constant 0 : i32
    %c0_i32_0 = arith.constant 0 : i32
    %c0_i32_1 = arith.constant 0 : i32
    return %c0_i32, %c0_i32_0 : i32, i32
  }
}

</mosaic_0001>

<sc_bundles>
// kernel: kernel.11.cloned.1.call-start
scs
__scs_entry_jumppad:
0x0: {  	(pc) =	sbr.rel $0x88, $3  }
0x1: {  	(tag) =	ssettag $0x0;
	lr =	simm.s32 $0x1  }
0x2: {  	[smem:$0x3F99] =	sst lr;
	_ =	strace $0xD0000000  }
0x3: {  	_ = 	snop  }
0x4: {  	_ = 	snop  }
0x5: {  	_ = 	snop  }
0x6: {  	_ = 	snop  }
0x7: {  	_ = 	snop  }
__scs_overlays_trampoline_lowered:
0x8: {  	[smem:$0x3FA8] =	sst s0  }
0x9: {  	[smem:$0x3FA9] =	sst s1  }
0xa: {  	[smem:$0x3FAA] =	sst s2  }
0xb: {  	[smem:$0x3FAB] =	sst s3  }
0xc: {  	[smem:$0x3FAC] =	sst s4  }
0xd: {  	[smem:$0x3FAD] =	sst s5  }
0xe: {  	[smem:$0x3FAE] =	sst s6  }
0xf: {  	[smem:$0x3FAF] =	sst s7  }
0x10: {  	[smem:$0x3FB0] =	sst s8  }
0x11: {  	[smem:$0x3FB1] =	sst s9;
	s0 =	simm.s32 @!p0 $0x0  }
0x12: {  	s1 =	sld [smem:$0x3F97];
	s0 =	simm.s32 @p0 $0x1  }
0x13: {  	[smem:$0x3FB2] =	sst s0;
	s0 =	simm.s32 @!p1 $0x0  }
0x14: {  	s2 =	sld [smem:$0x3F96];
	s0 =	simm.s32 @p1 $0x1  }
0x15: {  	[smem:$0x3FB3] =	sst s0;
	s0 =	simm.s32 @!p2 $0x0  }
0x16: {  	s3 =	sld [smem:$0x3FDB];
	s0 =	simm.s32 @p2 $0x1  }
0x17: {  	s4 =	simm.s32 $0x1BF5;
	[smem:$0x3FB5] =	sst s0  }
0x18: {  	s0 =	sld [smem:$0x3F98];
	_ =	swait.ge [sflag:s4], $0x0  }
0x19: {  	s7 =	sld [smem:$0x3F99]  }
0x1a: {  	s8 =	sadd.s32 $0xFFFFE003, lr  }
0x1b: {  	s9 =	sadd.s32 $0xFFFFFEF7, lr;
	s5 =	simm.s32 $0xFFFFFFFF;
	p2 =	slt.u32 s8, $0xFFFFF086  }
0x1c: {  	p1 =	slt.u32 s9, $0xF7A;
	s5 =	simm.s32 @!p2 $0x0  }
0x1d: {  	s5 =	simm.s32 @p1 $0x1;
	p0 =	seq.s32 s7, s2  }
0x1e: {  	s7 =	smul.u32 @!p0 $0xF7A, s2;
	p2 =	seq.s32 @!p0 s5, $0x0  }
0x1f: {  	s9 =	smul.u32 $0xF7A, s1;
	s8 =	simm.s32 @!p0 $0x1BF5;
	p2 =	por !p2, p0  }
0x20: {  	[sflag:s8] =	ssyncset.s32 @!p0 $0xFFFFF086;
	s6 =	sadd.s32 @!p0 s3, s7;
	s7 =	simm.s32 @!p0 $0x108  }
0x21: {  	s3 =	sadd.s32 s3, s9;
	s6 =	sadd.s32 @!p0 $0x88, s6;
	s7 =	simm.s32 @p2 $0x1082  }
0x22: {  	[simem:s7], [sflag:s8] =	dma.local @!p0 [hbm:s6], $0xF7A  }
0x23: {  	s9 =	sor.u32 $0xD0000000, s2;
	s6 =	simm.s32 $0x108;
	_ =	swait.ge @!p0 [sflag:s8], $0x0  }
0x24: {  	s3 =	sadd.s32 $0x88, s3;
	s6 =	simm.s32 @!p1 $0x1082;
	[sflag:s4] =	ssyncset.s32 $0xFFFFF086  }
0x25: {  	[simem:s6], [sflag:s4] =	dma.local [hbm:s3], $0xF7A  }
0x26: {  	[smem:$0x3F99] =	sst s1;
	(tag) =	ssettag s2;
	_ =	strace s9  }
0x27: {  	s1 =	sld [smem:$0x3FA9]  }
0x28: {  	s2 =	sld [smem:$0x3FAA]  }
0x29: {  	s4 =	sld [smem:$0x3FAC]  }
0x2a: {  	p0 =	seq.s32 s5, $0x0;
	s5 =	sld [smem:$0x3FAD]  }
0x2b: {  	s6 =	sld [smem:$0x3FAE]  }
0x2c: {  	s7 =	sld [smem:$0x3FAF]  }
0x2d: {  	s3 =	simm.s32 $0x108;
	s8 =	sld [smem:$0x3FB0]  }
0x2e: {  	s3 =	simm.s32 @!p0 $0x1082;
	s9 =	sld [smem:$0x3FB1]  }
0x2f: {  	lr =	sadd.s32 s0, s3;
	s0 =	sld [smem:$0x3FA8]  }
0x30: {  	s3 =	sld [smem:$0x3FAB]  }
0x31: {  	[smem:$0x3FB4] =	sst s10  }
0x32: {  	s10 =	sld [smem:$0x3FB2];
	_ =	sdelay $0x3  }
0x33: {  	p0 =	seq.s32 s10, $0x1;
	s10 =	sld [smem:$0x3FB4];
	_ =	sdelay $0x3  }
0x34: {  	[smem:$0x3FB4] =	sst s10  }
0x35: {  	s10 =	sld [smem:$0x3FB3];
	_ =	sdelay $0x3  }
0x36: {  	p1 =	seq.s32 s10, $0x1;
	s10 =	sld [smem:$0x3FB4];
	_ =	sdelay $0x3  }
0x37: {  	[smem:$0x3FB4] =	sst s10  }
0x38: {  	s10 =	sld [smem:$0x3FB5]  }
0x39: {  	_ = 	snop;
	(pc) =	sbr.ind lr, $3  }
0x3a: {  	_ = 	snop  }
0x3b: {  	_ = 	snop  }
0x3c: {  	p2 =	seq.s32 s10, $0x1;
	s10 =	sld [smem:$0x3FB4]  }
0x3d: {  	_ =	shalt  }
0x3e: {  	_ =	shalt  }
0x3f: {  	_ =	shalt  }
0x40: {  	_ =	shalt  }
0x41: {  	_ =	shalt  }
0x42: {  	_ =	shalt  }
0x43: {  	_ =	shalt  }
0x44: {  	_ =	shalt  }
0x45: {  	_ =	shalt  }
0x46: {  	_ =	shalt  }
0x47: {  	_ =	shalt  }
0x48: {  	_ =	shalt  }
0x49: {  	_ =	shalt  }
0x4a: {  	_ =	shalt  }
0x4b: {  	_ =	shalt  }
0x4c: {  	_ =	shalt  }
0x4d: {  	_ =	shalt  }
0x4e: {  	_ =	shalt  }
0x4f: {  	_ =	shalt  }
0x50: {  	_ =	shalt  }
0x51: {  	_ =	shalt  }
0x52: {  	_ =	shalt  }
0x53: {  	_ =	shalt  }
0x54: {  	_ =	shalt  }
0x55: {  	_ =	shalt  }
0x56: {  	_ =	shalt  }
0x57: {  	_ =	shalt  }
0x58: {  	_ =	shalt  }
0x59: {  	_ =	shalt  }
0x5a: {  	_ =	shalt  }
0x5b: {  	_ =	shalt  }
0x5c: {  	_ =	shalt  }
0x5d: {  	_ =	shalt  }
0x5e: {  	_ =	shalt  }
0x5f: {  	_ =	shalt  }
0x60: {  	_ =	shalt  }
0x61: {  	_ =	shalt  }
0x62: {  	_ =	shalt  }
0x63: {  	_ =	shalt  }
0x64: {  	_ =	shalt  }
0x65: {  	_ =	shalt  }
0x66: {  	_ =	shalt  }
0x67: {  	_ =	shalt  }
0x68: {  	_ =	shalt  }
0x69: {  	_ =	shalt  }
0x6a: {  	_ =	shalt  }
0x6b: {  	_ =	shalt  }
0x6c: {  	_ =	shalt  }
0x6d: {  	_ =	shalt  }
0x6e: {  	_ =	shalt  }
0x6f: {  	_ =	shalt  }
0x70: {  	_ =	shalt  }
0x71: {  	_ =	shalt  }
0x72: {  	_ =	shalt  }
0x73: {  	_ =	shalt  }
0x74: {  	_ =	shalt  }
0x75: {  	_ =	shalt  }
0x76: {  	_ =	shalt  }
0x77: {  	_ =	shalt  }
0x78: {  	_ =	shalt  }
0x79: {  	_ =	shalt  }
0x7a: {  	_ =	shalt  }
0x7b: {  	_ =	shalt  }
0x7c: {  	_ =	shalt  }
0x7d: {  	_ =	shalt  }
0x7e: {  	_ =	shalt  }
0x7f: {  	_ =	shalt  }
0x80: {  	_ =	shalt  }
0x81: {  	_ =	shalt  }
0x82: {  	_ =	shalt  }
0x83: {  	_ =	shalt  }
0x84: {  	_ =	shalt  }
0x85: {  	_ =	shalt  }
0x86: {  	_ =	shalt  }
0x87: {  	_ =	shalt  }
.Lfunc_end0:
.L_simem_size_0:
called_computation.1_lowered:
.L_overlay_start_0:
0x88: {  	s2 =	sld [smem:$0x3FD9]  }
0x89: {  	s3 =	sld [smem:$0x3FFE];
	_ =	sdelay $0x1  }
0x8a: {  	s1 =	srdreg.scid  }
0x8b: {  	s0 =	sand.u32 $0x1, s1  }
0x8c: {  	s16 =	sshll.u32 s0, $0xA;
	s2 =	sadd.s32 s3, s2  }
0x8d: {  	s2 =	sadd.s32 s2, s16  }
0x8e: {  	[smem:$0x3FC0] =	sst s2  }
0x8f: {  	_ = 	snop  }
0x90: {  	(tm) =	ssettm $0x1  }
0x91: {  	s17 =	sld [smem:$0x3FFB];
	_ =	sdelay $0x3  }
0x92: {  	_ =	strace s17  }
0x93: {  	s2 =	sld [smem:$0x3FFC];
	_ =	sdelay $0x3  }
0x94: {  	_ =	strace s2  }
0x95: {  	s2 =	sld [smem:$0x3FFD];
	_ =	sdelay $0x3  }
0x96: {  	_ =	strace s2  }
0x97: {  	_ =	strace $0x8FFFFFFF  }
0x98: {  	s18 =	sld [smem:$0x3FDB];
	_ =	sdelay $0x1  }
0x99: {  	s19 =	simm.s32 $_scs_section_size  }
0x9a: {  	s4 =	simm.s32 $_size__tile_overlayer_lowered;
	s5 =	simm.s32 $_tile_overlayer_lowered  }
0x9b: {  	s22 =	simm.s32 $0x1BFF;
	s21 =	sshll.u32 s5, $0x1;
	s2 =	sadd.s32 s19, s18  }
0x9c: {  	s6 =	simm.s32 $0x0;
	s20 =	sshll.u32 s4, $0x1;
	s4 =	sadd.s32 s21, s2  }
0x9d: {  	[timem:s6], [sflag:s22] =	dma.local [hbm:s4], s20  }
0x9e: {  	_ =	swait.ge [sflag:s22], s20  }
0x9f: {  	s3 =	ssub.s32 $0x0, s20;
	[sflag:s22] =	ssyncset.done $0x0  }
0xa0: {  	[sflag:s22] =	ssyncadd.s32 s3;
	_ =	sdelay $0x1  }
0xa1: {  	s23 =	simm.s32 $0x1B8B  }
0xa2: {  	_ =	swait.ge [sflag:s23], $0x1  }
0xa3: {  	[sflag:s23] =	ssyncset.done $0x0  }
0xa4: {  	s25 =	simm.s32 $0x1B8E;
	s24 =	sld [smem:$0x3FFE];
	[sflag:s23] =	ssyncadd.s32 $0xFFFFFFFF  }
0xa5: {  	s26 =	simm.s32 $execute0_lowered;
	[smem:$0x3FD2] =	sst s25  }
0xa6: {  	s4 =	sshll.u32 s26, $0x1;
	_ =	strace $0x80000049;
	[dreg:$0x1] =	wrdreg $0xFFFFFFFF  }
0xa7: {  	s28 =	simm.s32 $_size_execute0_lowered;
	s2 =	sadd.s32 s2, s4;
	[dreg:$0x0] =	wrdreg $0x0  }
0xa8: {  	s4 =	sshll.u32 s28, $0x1;
	[dreg:$0x2] =	wrdreg s2  }
0xa9: {  	[dreg:$0x3] =	wrdreg s4  }
0xaa: {  	[dreg:$0x4] =	wrdreg $0xC0  }
0xab: {  	_ =	task [dreg:s6], $0x5FFFF  }
0xac: {  	[dreg:$0x1] =	wrdreg $0xFFFFFFFF  }
0xad: {  	[dreg:$0x0] =	wrdreg $0x60  }
0xae: {  	[dreg:$0x2] =	wrdreg s24  }
0xaf: {  	[dreg:$0x3] =	wrdreg $0xF0000  }
0xb0: {  	[dreg:$0x4] =	wrdreg $0x9  }
0xb1: {  	_ =	task.clear_ibuf [dreg:s6], $0x5FFFF;
	_ =	strace $0x90000049  }
0xb2: {  	s29 =	simm.s32 $0x9;
	_ =	strace $0x8000004B  }
0xb3: {  	_ =	swait.ge [sflag:s29], $0x1  }
0xb4: {  	[sflag:s29] =	ssyncadd.s32 $0xFFFFFFFF  }
0xb5: {  	_ =	strace $0x9000004B  }
0xb6: {  	_ =	sfence  }
0xb7: {  	s30 =	sld [smem:$0x0];
	_ =	sdelay $0x2  }
0xb8: {  	s31 =	sshll.u32 s1, $0xD;
	s1 =	sshrl.u32 s1, $0x2  }
0xb9: {  	s3 =	sand.u32 $0x4000, s31;
	s1 =	sadd.s32 s1, s30  }
0xba: {  	s0 =	sor.u32 s3, s0;
	s1 =	sshll.u32 s1, $0x11  }
0xbb: {  	s0 =	sor.u32 s1, s0  }
0xbc: {  	s0 =	sadd.s32 $0x8F2B, s0  }
0xbd: {  	[sflag:s0] =	ssyncadd.remote.s32 $0x1  }
0xbe: {  	_ =	sfence.sel $0xFFFF  }
0xbf: {  	[dreg:$0x0] =	wrdreg $0xFFFFFFFF;
	(pc) =	sbr.abs _section_cstart, $3  }
0xc0: {  	[dreg:$0x1] =	wrdreg $0xFFFFFFFF  }
0xc1: {  	_ =	task.clear_ibuf [dreg:s6], $0x2FFFF;
	_ =	strace $0x9FFFFFFF  }
0xc2: {  	(tm) =	ssettm $0x7FFFFFFF  }
0xc3: {  	_ =	shalt  }
tec
execute0_lowered:
.L_overlay_start_1:
0x0: {  	(tag) =	ssettag $0x1  }
0x1: {  	s0 =	srdreg.scid;
	s1 =	rddreg [dreg:$0x0]  }
0x2: {  	s8 =	stileid.u32;
	s2 =	rddreg [dreg:$0x1]  }
0x3: {  	s3 =	simm.s32 $0x0;
	s18 =	simm.s32 $0x3;
	s19 =	simm.s32 $0xD000  }
0x4: {  	s20 =	simm.s32 $0x100;
	s21 =	simm.s32 $0x5000;
	s22 =	simm.s32 $0x9000  }
0x5: {  	s28 =	simm.s32 $0x4F00;
	s29 =	simm.s32 $0x10;
	s5 =	smul.u32 $0x2800, s8  }
0x6: {  	s30 =	simm.s32 $0x8;
	s31 =	simm.s32 $0x0;
	s23 =	smul.u32 $0x13C00, s8  }
0x7: {  	s0 =	sand.u32 $0x1, s0;
	[smem:$0x7FF] =	sst s3;
	s8 =	smul.u32 $0x27800, s8  }
0x8: {  	s9 =	sadd.s32 $0x3E00, s1;
	s4 =	smul.u32 $0x50000, s0;
	_ =	strace $0x8000004A  }
0x9: {  	s7 =	sshll.u32 s0, $0x6;
	[dreg:$0x3] =	wrdreg s9;
	s0 =	ssub.s32 $0x2, s0  }
0xa: {  	s24 =	sshrl.u32 s0, $0x1;
	s8 =	sshrl.u32 s8, $0x2;
	s6 =	sadd.s32 s5, s4  }
0xb: {  	s4 =	sadd.s32 $0x22A00, s1;
	s5 =	sshrl.u32 s5, $0x3;
	s0 =	ssub.s32 s0, s24  }
0xc: {  	s24 =	simm.s32 $0x2;
	s6 =	sshrl.u32 s6, $0x3;
	s5 =	sadd.s32 s5, s1  }
0xd: {  	s16 =	smax.u32 s0, $0x1;
	s14 =	sadd.s32 s6, s1;
	s6 =	sor.u32 s7, s23  }
0xe: {  	s5 =	sadd.s32 $0x9A00, s5;
	s23 =	simm.s32 $0x1;
	s6 =	sshrl.u32 s6, $0x3  }
0xf: {  	[dreg:$0x4] =	wrdreg s5;
	s25 =	sadd.s32 $0xEA00, s14;
	s14 =	sadd.s32 $0x13A00, s14  }
0x10: {  	s1 =	sadd.s32 s6, s1;
	s6 =	sadd.s32 s8, s2;
	[dreg:$0x5] =	wrdreg s25  }
0x11: {  	s25 =	simm.s32 $0x2700;
	s9 =	sadd.s32 $0x2000, s6;
	s10 =	sadd.s32 $0x4000, s6  }
0x12: {  	s11 =	sadd.s32 $0x6000, s6;
	s12 =	sadd.s32 $0x8000, s6;
	s26 =	sadd.s32 $0x70C00, s1  }
0x13: {  	s15 =	sadd.s32 $0x98400, s1;
	[dreg:$0x6] =	wrdreg s26;
	s26 =	simm.s32 $0x4E00  }
.LBB2_1:
0x14: {  	s0 =	rddreg [dreg:$0x4];
	s1 =	simm.s32 $0x2800  }
0x15: {  	[tilespmem:s1], [sflag:$0x3] =	stream.linear.gather [hbm4b:s0+s3], $0x2800, $0x38;
	[tilespmem:$0x18E00] =	vst v63  }
0x16: {  	_ =	swait.ge [sflag:s18], $0x2800  }
0x17: {  	[sflag:s18] =	ssyncset.done $0x0  }
0x18: {  	s1 =	rddreg [dreg:$0x3];
	[sflag:s18] =	ssyncadd.s32 $0xFFFFD800  }
0x19: {  	[tilespmem:s19], [sflag:$0x3] =	stream.linear.gather [hbm4b:s1+s3], $0x2000, $0x38;
	[tilespmem:$0x18E00] =	vst v63  }
0x1a: {  	_ =	swait.ge [sflag:s18], $0x2000  }
0x1b: {  	[sflag:s18] =	ssyncset.done $0x0  }
0x1c: {  	s5 =	rddreg [dreg:$0x5];
	[sflag:s18] =	ssyncadd.s32 $0xFFFFE000  }
0x1d: {  	[tilespmem:s3], [sflag:$0x3] =	stream.linear.gather [hbm4b:s5+s3], $0x2800, $0x38;
	[tilespmem:$0x18E00] =	vst v63  }
0x1e: {  	_ =	swait.ge [sflag:s18], $0x2800  }
0x1f: {  	[sflag:s18] =	ssyncset.done $0x0  }
0x20: {  	[sflag:s18] =	ssyncadd.s32 $0xFFFFD800  }
0x21: {  	[spmem:s6] =	stream.linear.scatter [tilespmem:s19], [sflag:$0x3], $0x2000, $0x38;
	[tilespmem:$0x18E00] =	vst v63  }
0x22: {  	_ =	swait.ge [sflag:s18], $0x2000  }
0x23: {  	[sflag:s18] =	ssyncset.done $0x0  }
0x24: {  	[sflag:s18] =	ssyncadd.s32 $0xFFFFE000  }
0x25: {  	[spmem:s9] =	stream.linear.scatter [tilespmem:s19], [sflag:$0x3], $0x2000, $0x38;
	[tilespmem:$0x18E00] =	vst v63  }
0x26: {  	_ =	swait.ge [sflag:s18], $0x2000  }
0x27: {  	[sflag:s18] =	ssyncset.done $0x0  }
0x28: {  	[sflag:s18] =	ssyncadd.s32 $0xFFFFE000  }
0x29: {  	[spmem:s10] =	stream.linear.scatter [tilespmem:s19], [sflag:$0x3], $0x2000, $0x38;
	[tilespmem:$0x18E00] =	vst v63  }
0x2a: {  	_ =	swait.ge [sflag:s18], $0x2000  }
0x2b: {  	[sflag:s18] =	ssyncset.done $0x0  }
0x2c: {  	[sflag:s18] =	ssyncadd.s32 $0xFFFFE000  }
0x2d: {  	[spmem:s11] =	stream.linear.scatter [tilespmem:s19], [sflag:$0x3], $0x2000, $0x38;
	[tilespmem:$0x18E00] =	vst v63  }
0x2e: {  	_ =	swait.ge [sflag:s18], $0x2000  }
0x2f: {  	[sflag:s18] =	ssyncset.done $0x0  }
0x30: {  	[sflag:s18] =	ssyncadd.s32 $0xFFFFE000  }
0x31: {  	[spmem:s12] =	stream.linear.scatter [tilespmem:s19], [sflag:$0x3], $0x1E00, $0x38;
	[tilespmem:$0x18E00] =	vst v63  }
0x32: {  	_ =	swait.ge [sflag:s18], $0x1E00  }
0x33: {  	[sflag:s18] =	ssyncset.done $0x0  }
0x34: {  	[sflag:s18] =	ssyncadd.s32 $0xFFFFE200  }
0x35: {  	[bflag:$0x0] =	sbarrier.arrive $0xFFFF  }
0x36: {  	[tilespmem:s21], [sflag:$0x1] =	stream.indirect.gather [hbm4b:s4+s20], $0x40, s3, s20, $0xb8;
	[tilespmem:$0x18E00] =	vst v63  }
0x37: {  	s7 =	simm.s32 $0x100  }
0x38: {  	[tilespmem:s22], [sflag:$0x2] =	stream.indirect.gather [hbm4b:s4+s20], $0x40, s7, s20, $0xb8;
	[tilespmem:$0x18E00] =	vst v63  }
0x39: {  	_ =	swait.ge [sflag:s23], $0x4000  }
0x3a: {  	[sflag:s23] =	ssyncset.done $0x0  }
0x3b: {  	s8 =	simm.s32 $0x2800;
	[sflag:s23] =	ssyncadd.s32 $0xFFFFC000  }
0x3c: {  	[spmem:s2] =	stream.indirect.scatter.add.f32 [tilespmem:s21], [sflag:$0x3], $0x40, s8, s20, $0xb8;
	[tilespmem:$0x18E00] =	vst v63  }
0x3d: {  	_ =	swait.ge [sflag:s18], $0x4000  }
0x3e: {  	[sflag:s18] =	ssyncset.done $0x0  }
0x3f: {  	s13 =	simm.s32 $0x200;
	[sflag:s18] =	ssyncadd.s32 $0xFFFFC000  }
0x40: {  	[tilespmem:s21], [sflag:$0x1] =	stream.indirect.gather [hbm4b:s4+s20], $0x40, s13, s20, $0xb8;
	[tilespmem:$0x18E00] =	vst v63  }
0x41: {  	_ =	swait.ge [sflag:s24], $0x4000  }
0x42: {  	[sflag:s24] =	ssyncset.done $0x0  }
0x43: {  	s17 =	simm.s32 $0x2900;
	[sflag:s24] =	ssyncadd.s32 $0xFFFFC000  }
0x44: {  	[spmem:s2] =	stream.indirect.scatter.add.f32 [tilespmem:s22], [sflag:$0x3], $0x40, s17, s20, $0xb8;
	[tilespmem:$0x18E00] =	vst v63  }
0x45: {  	_ =	swait.ge [sflag:s18], $0x4000  }
0x46: {  	s0 =	simm.s32 $0x200;
	s1 =	simm.s32 $0x1000;
	[sflag:s18] =	ssyncset.done $0x0  }
.LBB2_2:
0x47: {  	s5 =	sadd.s32 $0x100, s0  }
0x48: {  	[sflag:s18] =	ssyncadd.s32 $0xFFFFC000;
	s17 =	smov.u32 s1;
	s7 =	sadd.s32 $0x800, s1  }
0x49: {  	[tilespmem:s22], [sflag:$0x2] =	stream.indirect.gather [hbm4b:s4+s20], $0x40, s5, s20, $0xb8;
	[tilespmem:$0x18E00] =	vst v63  }
0x4a: {  	p0 =	sne.s32 s1, $0x9000;
	_ =	swait.ge [sflag:s23], $0x4000  }
0x4b: {  	[sflag:s23] =	ssyncset.done $0x0  }
0x4c: {  	s1 =	sadd.s32 $0x2800, s0;
	[sflag:s23] =	ssyncadd.s32 $0xFFFFC000  }
0x4d: {  	[spmem:s2] =	stream.indirect.scatter.add.f32 [tilespmem:s21], [sflag:$0x3], $0x40, s1, s20, $0xb8;
	[tilespmem:$0x18E00] =	vst v63  }
0x4e: {  	_ =	swait.ge [sflag:s18], $0x4000  }
0x4f: {  	[sflag:s18] =	ssyncset.done $0x0  }
0x50: {  	s1 =	sadd.s32 $0x200, s0;
	[sflag:s18] =	ssyncadd.s32 $0xFFFFC000  }
0x51: {  	[tilespmem:s21], [sflag:$0x1] =	stream.indirect.gather [hbm4b:s4+s20], $0x40, s1, s20, $0xb8;
	[tilespmem:$0x18E00] =	vst v63  }
0x52: {  	_ =	swait.ge [sflag:s24], $0x4000  }
.Ltmp0:
0x53: {  	[sflag:s24] =	ssyncset.done $0x0;
	(pc) =	sbr.rel @p0 .LBB2_2-.Ltmp0, $4  }
0x54: {  	s0 =	sadd.s32 $0x2900, s0;
	[sflag:s24] =	ssyncadd.s32 $0xFFFFC000  }
0x55: {  	[spmem:s2] =	stream.indirect.scatter.add.f32 [tilespmem:s22], [sflag:$0x3], $0x40, s0, s20, $0xb8;
	[tilespmem:$0x18E00] =	vst v63  }
0x56: {  	_ =	swait.ge [sflag:s18], $0x4000  }
0x57: {  	s1 =	smov.u32 s7;
	s0 =	sshra.s32 s17, $0x2;
	[sflag:s18] =	ssyncset.done $0x0  }
0x58: {  	s1 =	sadd.s32 $0x100, s0;
	[sflag:s18] =	ssyncadd.s32 $0xFFFFC000  }
0x59: {  	[tilespmem:s22], [sflag:$0x2] =	stream.indirect.gather [hbm4b:s4+s20], $0x40, s1, s20, $0xb8;
	[tilespmem:$0x18E00] =	vst v63  }
0x5a: {  	_ =	swait.ge [sflag:s23], $0x4000  }
0x5b: {  	[sflag:s23] =	ssyncset.done $0x0  }
0x5c: {  	s5 =	sadd.s32 $0x2800, s0;
	[sflag:s23] =	ssyncadd.s32 $0xFFFFC000  }
0x5d: {  	[spmem:s2] =	stream.indirect.scatter.add.f32 [tilespmem:s21], [sflag:$0x3], $0x40, s5, s20, $0xb8;
	[tilespmem:$0x18E00] =	vst v63  }
0x5e: {  	_ =	swait.ge [sflag:s18], $0x4000  }
0x5f: {  	[sflag:s18] =	ssyncset.done $0x0  }
0x60: {  	s7 =	sadd.s32 $0x200, s0;
	[sflag:s18] =	ssyncadd.s32 $0xFFFFC000  }
0x61: {  	[tilespmem:s21], [sflag:$0x1] =	stream.indirect.gather [hbm4b:s4+s20], $0x40, s7, s20, $0xb8;
	[tilespmem:$0x18E00] =	vst v63  }
0x62: {  	_ =	swait.ge [sflag:s24], $0x4000  }
0x63: {  	[sflag:s24] =	ssyncset.done $0x0  }
0x64: {  	s8 =	sadd.s32 $0x2900, s0;
	[sflag:s24] =	ssyncadd.s32 $0xFFFFC000  }
0x65: {  	[spmem:s2] =	stream.indirect.scatter.add.f32 [tilespmem:s22], [sflag:$0x3], $0x40, s8, s20, $0xb8;
	[tilespmem:$0x18E00] =	vst v63  }
0x66: {  	_ =	swait.ge [sflag:s18], $0x4000  }
0x67: {  	[sflag:s18] =	ssyncset.done $0x0  }
0x68: {  	[sflag:s18] =	ssyncadd.s32 $0xFFFFC000  }
0x69: {  	[tilespmem:s22], [sflag:$0x2] =	stream.indirect.gather [hbm4b:s4+s20], $0x40, s25, s20, $0xb8;
	[tilespmem:$0x18E00] =	vst v63  }
0x6a: {  	_ =	swait.ge [sflag:s23], $0x4000  }
0x6b: {  	[sflag:s23] =	ssyncset.done $0x0  }
0x6c: {  	[sflag:s23] =	ssyncadd.s32 $0xFFFFC000  }
0x6d: {  	[spmem:s2] =	stream.indirect.scatter.add.f32 [tilespmem:s21], [sflag:$0x3], $0x40, s26, s20, $0xb8;
	[tilespmem:$0x18E00] =	vst v63  }
0x6e: {  	_ =	swait.ge [sflag:s18], $0x4000  }
0x6f: {  	[sflag:s18] =	ssyncset.done $0x0  }
0x70: {  	[sflag:s18] =	ssyncadd.s32 $0xFFFFC000  }
0x71: {  	_ =	swait.ge [sflag:s24], $0x4000  }
0x72: {  	[sflag:s24] =	ssyncset.done $0x0  }
0x73: {  	[sflag:s24] =	ssyncadd.s32 $0xFFFFC000  }
0x74: {  	[spmem:s2] =	stream.indirect.scatter.add.f32 [tilespmem:s22], [sflag:$0x3], $0x40, s28, s20, $0xb8;
	[tilespmem:$0x18E00] =	vst v63  }
0x75: {  	_ =	swait.ge [sflag:s18], $0x4000  }
0x76: {  	[sflag:s18] =	ssyncset.done $0x0  }
0x77: {  	s13 =	stileid.u32;
	[sflag:s18] =	ssyncadd.s32 $0xFFFFC000  }
0x78: {  	s0 =	sshll.u32 s13, $0x6;
	[bflag:$0x0] =	sbarrier.arrive $0xFFFF  }
0x79: {  	s1 =	sor.u32 $0x1C03, s0;
	s0 =	sshrl.u32 s6, $0x3;
	s5 =	rddreg [dreg:$0x6]  }
0x7a: {  	[hbm:s5@s29], [sflag:s1] =	dma.strided [spmem:s0@s30], $0x13C0, s23, $0x8   }
0x7b: {  	_ =	swait.ge [sflag:s18], $0x13C0  }
0x7c: {  	[sflag:s18] =	ssyncset.done $0x0  }
0x7d: {  	s17 =	simm.s32 $0x0;
	[sflag:s18] =	ssyncadd.s32 $0xFFFFEC40  }
0x7e: {  	[tilespmem:s17], [sflag:$0x3] =	stream.linear.gather [hbm4b:s14+s17], $0x2800, $0x38;
	[tilespmem:$0x18E00] =	vst v63  }
0x7f: {  	_ =	swait.ge [sflag:s18], $0x2800  }
0x80: {  	[sflag:s18] =	ssyncset.done $0x0  }
0x81: {  	[sflag:s18] =	ssyncadd.s32 $0xFFFFD800  }
0x82: {  	[spmem:s6] =	stream.linear.scatter [tilespmem:s19], [sflag:$0x3], $0x2000, $0x38;
	[tilespmem:$0x18E00] =	vst v63  }
0x83: {  	_ =	swait.ge [sflag:s18], $0x2000  }
0x84: {  	[sflag:s18] =	ssyncset.done $0x0  }
0x85: {  	[sflag:s18] =	ssyncadd.s32 $0xFFFFE000  }
0x86: {  	[spmem:s9] =	stream.linear.scatter [tilespmem:s19], [sflag:$0x3], $0x2000, $0x38;
	[tilespmem:$0x18E00] =	vst v63  }
0x87: {  	_ =	swait.ge [sflag:s18], $0x2000  }
0x88: {  	[sflag:s18] =	ssyncset.done $0x0  }
0x89: {  	[sflag:s18] =	ssyncadd.s32 $0xFFFFE000  }
0x8a: {  	[spmem:s10] =	stream.linear.scatter [tilespmem:s19], [sflag:$0x3], $0x2000, $0x38;
	[tilespmem:$0x18E00] =	vst v63  }
0x8b: {  	_ =	swait.ge [sflag:s18], $0x2000  }
0x8c: {  	[sflag:s18] =	ssyncset.done $0x0  }
0x8d: {  	[sflag:s18] =	ssyncadd.s32 $0xFFFFE000  }
0x8e: {  	[spmem:s11] =	stream.linear.scatter [tilespmem:s19], [sflag:$0x3], $0x2000, $0x38;
	[tilespmem:$0x18E00] =	vst v63  }
0x8f: {  	_ =	swait.ge [sflag:s18], $0x2000  }
0x90: {  	[sflag:s18] =	ssyncset.done $0x0  }
0x91: {  	[sflag:s18] =	ssyncadd.s32 $0xFFFFE000  }
0x92: {  	[spmem:s12] =	stream.linear.scatter [tilespmem:s19], [sflag:$0x3], $0x1E00, $0x38;
	[tilespmem:$0x18E00] =	vst v63  }
0x93: {  	_ =	swait.ge [sflag:s18], $0x1E00  }
0x94: {  	[sflag:s18] =	ssyncset.done $0x0  }
0x95: {  	[sflag:s18] =	ssyncadd.s32 $0xFFFFE200  }
0x96: {  	[bflag:$0x0] =	sbarrier.arrive $0xFFFF  }
0x97: {  	[tilespmem:s21], [sflag:$0x1] =	stream.indirect.gather [hbm4b:s4+s20], $0x40, s17, s20, $0xb8;
	[tilespmem:$0x18E00] =	vst v63  }
0x98: {  	s7 =	simm.s32 $0x100  }
0x99: {  	[tilespmem:s22], [sflag:$0x2] =	stream.indirect.gather [hbm4b:s4+s20], $0x40, s7, s20, $0xb8;
	[tilespmem:$0x18E00] =	vst v63  }
0x9a: {  	_ =	swait.ge [sflag:s23], $0x4000  }
0x9b: {  	[sflag:s23] =	ssyncset.done $0x0  }
0x9c: {  	s8 =	simm.s32 $0x2800;
	[sflag:s23] =	ssyncadd.s32 $0xFFFFC000  }
0x9d: {  	[spmem:s2] =	stream.indirect.scatter.add.f32 [tilespmem:s21], [sflag:$0x3], $0x40, s8, s20, $0xb8;
	[tilespmem:$0x18E00] =	vst v63  }
0x9e: {  	_ =	swait.ge [sflag:s18], $0x4000  }
0x9f: {  	[sflag:s18] =	ssyncset.done $0x0  }
0xa0: {  	s13 =	simm.s32 $0x200;
	[sflag:s18] =	ssyncadd.s32 $0xFFFFC000  }
0xa1: {  	[tilespmem:s21], [sflag:$0x1] =	stream.indirect.gather [hbm4b:s4+s20], $0x40, s13, s20, $0xb8;
	[tilespmem:$0x18E00] =	vst v63  }
0xa2: {  	_ =	swait.ge [sflag:s24], $0x4000  }
0xa3: {  	[sflag:s24] =	ssyncset.done $0x0  }
0xa4: {  	s17 =	simm.s32 $0x2900;
	[sflag:s24] =	ssyncadd.s32 $0xFFFFC000  }
0xa5: {  	[spmem:s2] =	stream.indirect.scatter.add.f32 [tilespmem:s22], [sflag:$0x3], $0x40, s17, s20, $0xb8;
	[tilespmem:$0x18E00] =	vst v63  }
0xa6: {  	_ =	swait.ge [sflag:s18], $0x4000  }
0xa7: {  	s5 =	simm.s32 $0x1000;
	s17 =	simm.s32 $0x200;
	[sflag:s18] =	ssyncset.done $0x0  }
.LBB2_4:
0xa8: {  	s7 =	sadd.s32 $0x100, s17  }
0xa9: {  	[sflag:s18] =	ssyncadd.s32 $0xFFFFC000;
	s8 =	smov.u32 s5;
	s13 =	sadd.s32 $0x800, s5  }
0xaa: {  	[tilespmem:s22], [sflag:$0x2] =	stream.indirect.gather [hbm4b:s4+s20], $0x40, s7, s20, $0xb8;
	[tilespmem:$0x18E00] =	vst v63  }
0xab: {  	p0 =	sne.s32 s5, $0x9000;
	_ =	swait.ge [sflag:s23], $0x4000  }
0xac: {  	[sflag:s23] =	ssyncset.done $0x0  }
0xad: {  	s5 =	sadd.s32 $0x2800, s17;
	[sflag:s23] =	ssyncadd.s32 $0xFFFFC000  }
0xae: {  	[spmem:s2] =	stream.indirect.scatter.add.f32 [tilespmem:s21], [sflag:$0x3], $0x40, s5, s20, $0xb8;
	[tilespmem:$0x18E00] =	vst v63  }
0xaf: {  	_ =	swait.ge [sflag:s18], $0x4000  }
0xb0: {  	[sflag:s18] =	ssyncset.done $0x0  }
0xb1: {  	s5 =	sadd.s32 $0x200, s17;
	[sflag:s18] =	ssyncadd.s32 $0xFFFFC000  }
0xb2: {  	[tilespmem:s21], [sflag:$0x1] =	stream.indirect.gather [hbm4b:s4+s20], $0x40, s5, s20, $0xb8;
	[tilespmem:$0x18E00] =	vst v63  }
0xb3: {  	_ =	swait.ge [sflag:s24], $0x4000  }
.Ltmp1:
0xb4: {  	[sflag:s24] =	ssyncset.done $0x0;
	(pc) =	sbr.rel @p0 .LBB2_4-.Ltmp1, $4  }
0xb5: {  	s5 =	sadd.s32 $0x2900, s17;
	[sflag:s24] =	ssyncadd.s32 $0xFFFFC000  }
0xb6: {  	[spmem:s2] =	stream.indirect.scatter.add.f32 [tilespmem:s22], [sflag:$0x3], $0x40, s5, s20, $0xb8;
	[tilespmem:$0x18E00] =	vst v63  }
0xb7: {  	_ =	swait.ge [sflag:s18], $0x4000  }
0xb8: {  	s17 =	sshra.s32 s8, $0x2;
	s5 =	smov.u32 s13;
	[sflag:s18] =	ssyncset.done $0x0  }
0xb9: {  	s5 =	sadd.s32 $0x100, s17;
	[sflag:s18] =	ssyncadd.s32 $0xFFFFC000  }
0xba: {  	[tilespmem:s22], [sflag:$0x2] =	stream.indirect.gather [hbm4b:s4+s20], $0x40, s5, s20, $0xb8;
	[tilespmem:$0x18E00] =	vst v63  }
0xbb: {  	_ =	swait.ge [sflag:s23], $0x4000  }
0xbc: {  	[sflag:s23] =	ssyncset.done $0x0  }
0xbd: {  	s8 =	sadd.s32 $0x2800, s17;
	[sflag:s23] =	ssyncadd.s32 $0xFFFFC000  }
0xbe: {  	[spmem:s2] =	stream.indirect.scatter.add.f32 [tilespmem:s21], [sflag:$0x3], $0x40, s8, s20, $0xb8;
	[tilespmem:$0x18E00] =	vst v63  }
0xbf: {  	_ =	swait.ge [sflag:s18], $0x4000  }
0xc0: {  	[sflag:s18] =	ssyncset.done $0x0  }
0xc1: {  	s13 =	sadd.s32 $0x200, s17;
	[sflag:s18] =	ssyncadd.s32 $0xFFFFC000  }
0xc2: {  	[tilespmem:s21], [sflag:$0x1] =	stream.indirect.gather [hbm4b:s4+s20], $0x40, s13, s20, $0xb8;
	[tilespmem:$0x18E00] =	vst v63  }
0xc3: {  	_ =	swait.ge [sflag:s24], $0x4000  }
0xc4: {  	[sflag:s24] =	ssyncset.done $0x0  }
0xc5: {  	s17 =	sadd.s32 $0x2900, s17;
	[sflag:s24] =	ssyncadd.s32 $0xFFFFC000  }
0xc6: {  	[spmem:s2] =	stream.indirect.scatter.add.f32 [tilespmem:s22], [sflag:$0x3], $0x40, s17, s20, $0xb8;
	[tilespmem:$0x18E00] =	vst v63  }
0xc7: {  	_ =	swait.ge [sflag:s18], $0x4000  }
0xc8: {  	[sflag:s18] =	ssyncset.done $0x0  }
0xc9: {  	[sflag:s18] =	ssyncadd.s32 $0xFFFFC000  }
0xca: {  	[tilespmem:s22], [sflag:$0x2] =	stream.indirect.gather [hbm4b:s4+s20], $0x40, s25, s20, $0xb8;
	[tilespmem:$0x18E00] =	vst v63  }
0xcb: {  	_ =	swait.ge [sflag:s23], $0x4000  }
0xcc: {  	[sflag:s23] =	ssyncset.done $0x0  }
0xcd: {  	[sflag:s23] =	ssyncadd.s32 $0xFFFFC000  }
0xce: {  	[spmem:s2] =	stream.indirect.scatter.add.f32 [tilespmem:s21], [sflag:$0x3], $0x40, s26, s20, $0xb8;
	[tilespmem:$0x18E00] =	vst v63  }
0xcf: {  	_ =	swait.ge [sflag:s18], $0x4000  }
0xd0: {  	[sflag:s18] =	ssyncset.done $0x0  }
0xd1: {  	[sflag:s18] =	ssyncadd.s32 $0xFFFFC000  }
0xd2: {  	_ =	swait.ge [sflag:s24], $0x4000  }
0xd3: {  	[sflag:s24] =	ssyncset.done $0x0  }
0xd4: {  	[sflag:s24] =	ssyncadd.s32 $0xFFFFC000  }
0xd5: {  	[spmem:s2] =	stream.indirect.scatter.add.f32 [tilespmem:s22], [sflag:$0x3], $0x40, s28, s20, $0xb8;
	[tilespmem:$0x18E00] =	vst v63  }
0xd6: {  	_ =	swait.ge [sflag:s18], $0x4000  }
0xd7: {  	s31 =	sadd.s32 $0x1, s31;
	[sflag:s18] =	ssyncset.done $0x0  }
0xd8: {  	p0 =	sne.s32 s31, s16;
	[sflag:s18] =	ssyncadd.s32 $0xFFFFC000  }
.Ltmp2:
0xd9: {  	[bflag:$0x0] =	sbarrier.arrive $0xFFFF;
	(pc) =	sbr.rel @p0 .LBB2_1-.Ltmp2, $4  }
0xda: {  	[hbm:s15@s29], [sflag:s1] =	dma.strided [spmem:s0@s30], $0x13C0, s23, $0x8   }
0xdb: {  	_ =	swait.ge [sflag:s18], $0x13C0  }
0xdc: {  	[sflag:s18] =	ssyncset.done $0x0  }
0xdd: {  	[sflag:s18] =	ssyncadd.s32 $0xFFFFEC40  }
0xde: {  	_ =	sfence.sel $0x180000  }
0xdf: {  	[bflag:$0x0] =	sbarrier.arrive $0xFFFF  }
0xe0: {  	_ =	strace $0x9000004A  }
0xe1: {  	s0 =	stileid.u32;
	[bflag:$0x2] =	sbarrier.arrive $0xFFFF  }
0xe2: {  	p0 =	sne.s32 s0, $0x0;
	s0 =	rddreg [dreg:$0x2]  }
0xe3: {  	s0 =	sadd.s32 @!p0 $0x100000, s0  }
0xe4: {  	[sflag:s0] =	ssyncadd.tile.s32 @!p0 $0x1;
	_ =	shalt  }
.Lfunc_end2:
_tile_overlayer_lowered:
.L_overlay_start_2:
0xe5: {  	(tag) =	ssettag $0x2  }
0xe6: {  	s0 =	rddreg [dreg:$0x0];
	s2 =	stileid.u32  }
0xe7: {  	s1 =	rddreg [dreg:$0x1];
	p0 =	sne.s32 s2, $0x0  }
0xe8: {  	s3 =	rddreg [dreg:$0x2];
	[bflag:$0x3] =	sbarrier.arrive $0xFFFF;
	s2 =	simm.s32 @!p0 $0x1C03  }
0xe9: {  	[timem:s3], [sflag:s2] =	dma.local @!p0 [hbm:s0], s1  }
0xea: {  	s0 =	simm.s32 @!p0 $0x3  }
0xeb: {  	_ =	swait.ge @!p0 [sflag:s0], s1  }
0xec: {  	s1 =	ssub.s32 @!p0 $0x0, s1;
	[sflag:s0] =	ssyncset.done @!p0 $0x0  }
0xed: {  	[sflag:s0] =	ssyncadd.s32 @!p0 s1  }
0xee: {  	[bflag:$0x3] =	sbarrier.arrive $0xFFFF  }
0xef: {  	_ =	shalt  }

// kernel: kernel.14.cloned.1.call-start
scs
__scs_entry_jumppad:
0x0: {  	(pc) =	sbr.rel $0x88, $3  }
0x1: {  	(tag) =	ssettag $0x0;
	lr =	simm.s32 $0x1  }
0x2: {  	[smem:$0x3F99] =	sst lr;
	_ =	strace $0xD0000000  }
0x3: {  	_ = 	snop  }
0x4: {  	_ = 	snop  }
0x5: {  	_ = 	snop  }
0x6: {  	_ = 	snop  }
0x7: {  	_ = 	snop  }
__scs_overlays_trampoline_lowered:
0x8: {  	[smem:$0x3FA8] =	sst s0  }
0x9: {  	[smem:$0x3FA9] =	sst s1  }
0xa: {  	[smem:$0x3FAA] =	sst s2  }
0xb: {  	[smem:$0x3FAB] =	sst s3  }
0xc: {  	[smem:$0x3FAC] =	sst s4  }
0xd: {  	[smem:$0x3FAD] =	sst s5  }
0xe: {  	[smem:$0x3FAE] =	sst s6  }
0xf: {  	[smem:$0x3FAF] =	sst s7  }
0x10: {  	[smem:$0x3FB0] =	sst s8  }
0x11: {  	[smem:$0x3FB1] =	sst s9;
	s0 =	simm.s32 @!p0 $0x0  }
0x12: {  	s1 =	sld [smem:$0x3F97];
	s0 =	simm.s32 @p0 $0x1  }
0x13: {  	[smem:$0x3FB2] =	sst s0;
	s0 =	simm.s32 @!p1 $0x0  }
0x14: {  	s2 =	sld [smem:$0x3F96];
	s0 =	simm.s32 @p1 $0x1  }
0x15: {  	[smem:$0x3FB3] =	sst s0;
	s0 =	simm.s32 @!p2 $0x0  }
0x16: {  	s3 =	sld [smem:$0x3FDB];
	s0 =	simm.s32 @p2 $0x1  }
0x17: {  	s4 =	simm.s32 $0x1BF5;
	[smem:$0x3FB5] =	sst s0  }
0x18: {  	s0 =	sld [smem:$0x3F98];
	_ =	swait.ge [sflag:s4], $0x0  }
0x19: {  	s7 =	sld [smem:$0x3F99]  }
0x1a: {  	s8 =	sadd.s32 $0xFFFFE003, lr  }
0x1b: {  	s9 =	sadd.s32 $0xFFFFFEF7, lr;
	s5 =	simm.s32 $0xFFFFFFFF;
	p2 =	slt.u32 s8, $0xFFFFF086  }
0x1c: {  	p1 =	slt.u32 s9, $0xF7A;
	s5 =	simm.s32 @!p2 $0x0  }
0x1d: {  	s5 =	simm.s32 @p1 $0x1;
	p0 =	seq.s32 s7, s2  }
0x1e: {  	s7 =	smul.u32 @!p0 $0xF7A, s2;
	p2 =	seq.s32 @!p0 s5, $0x0  }
0x1f: {  	s9 =	smul.u32 $0xF7A, s1;
	s8 =	simm.s32 @!p0 $0x1BF5;
	p2 =	por !p2, p0  }
0x20: {  	[sflag:s8] =	ssyncset.s32 @!p0 $0xFFFFF086;
	s6 =	sadd.s32 @!p0 s3, s7;
	s7 =	simm.s32 @!p0 $0x108  }
0x21: {  	s3 =	sadd.s32 s3, s9;
	s6 =	sadd.s32 @!p0 $0x88, s6;
	s7 =	simm.s32 @p2 $0x1082  }
0x22: {  	[simem:s7], [sflag:s8] =	dma.local @!p0 [hbm:s6], $0xF7A  }
0x23: {  	s9 =	sor.u32 $0xD0000000, s2;
	s6 =	simm.s32 $0x108;
	_ =	swait.ge @!p0 [sflag:s8], $0x0  }
0x24: {  	s3 =	sadd.s32 $0x88, s3;
	s6 =	simm.s32 @!p1 $0x1082;
	[sflag:s4] =	ssyncset.s32 $0xFFFFF086  }
0x25: {  	[simem:s6], [sflag:s4] =	dma.local [hbm:s3], $0xF7A  }
0x26: {  	[smem:$0x3F99] =	sst s1;
	(tag) =	ssettag s2;
	_ =	strace s9  }
0x27: {  	s1 =	sld [smem:$0x3FA9]  }
0x28: {  	s2 =	sld [smem:$0x3FAA]  }
0x29: {  	s4 =	sld [smem:$0x3FAC]  }
0x2a: {  	p0 =	seq.s32 s5, $0x0;
	s5 =	sld [smem:$0x3FAD]  }
0x2b: {  	s6 =	sld [smem:$0x3FAE]  }
0x2c: {  	s7 =	sld [smem:$0x3FAF]  }
0x2d: {  	s3 =	simm.s32 $0x108;
	s8 =	sld [smem:$0x3FB0]  }
0x2e: {  	s3 =	simm.s32 @!p0 $0x1082;
	s9 =	sld [smem:$0x3FB1]  }
0x2f: {  	lr =	sadd.s32 s0, s3;
	s0 =	sld [smem:$0x3FA8]  }
0x30: {  	s3 =	sld [smem:$0x3FAB]  }
0x31: {  	[smem:$0x3FB4] =	sst s10  }
0x32: {  	s10 =	sld [smem:$0x3FB2];
	_ =	sdelay $0x3  }
0x33: {  	p0 =	seq.s32 s10, $0x1;
	s10 =	sld [smem:$0x3FB4];
	_ =	sdelay $0x3  }
0x34: {  	[smem:$0x3FB4] =	sst s10  }
0x35: {  	s10 =	sld [smem:$0x3FB3];
	_ =	sdelay $0x3  }
0x36: {  	p1 =	seq.s32 s10, $0x1;
	s10 =	sld [smem:$0x3FB4];
	_ =	sdelay $0x3  }
0x37: {  	[smem:$0x3FB4] =	sst s10  }
0x38: {  	s10 =	sld [smem:$0x3FB5]  }
0x39: {  	_ = 	snop;
	(pc) =	sbr.ind lr, $3  }
0x3a: {  	_ = 	snop  }
0x3b: {  	_ = 	snop  }
0x3c: {  	p2 =	seq.s32 s10, $0x1;
	s10 =	sld [smem:$0x3FB4]  }
0x3d: {  	_ =	shalt  }
0x3e: {  	_ =	shalt  }
0x3f: {  	_ =	shalt  }
0x40: {  	_ =	shalt  }
0x41: {  	_ =	shalt  }
0x42: {  	_ =	shalt  }
0x43: {  	_ =	shalt  }
0x44: {  	_ =	shalt  }
0x45: {  	_ =	shalt  }
0x46: {  	_ =	shalt  }
0x47: {  	_ =	shalt  }
0x48: {  	_ =	shalt  }
0x49: {  	_ =	shalt  }
0x4a: {  	_ =	shalt  }
0x4b: {  	_ =	shalt  }
0x4c: {  	_ =	shalt  }
0x4d: {  	_ =	shalt  }
0x4e: {  	_ =	shalt  }
0x4f: {  	_ =	shalt  }
0x50: {  	_ =	shalt  }
0x51: {  	_ =	shalt  }
0x52: {  	_ =	shalt  }
0x53: {  	_ =	shalt  }
0x54: {  	_ =	shalt  }
0x55: {  	_ =	shalt  }
0x56: {  	_ =	shalt  }
0x57: {  	_ =	shalt  }
0x58: {  	_ =	shalt  }
0x59: {  	_ =	shalt  }
0x5a: {  	_ =	shalt  }
0x5b: {  	_ =	shalt  }
0x5c: {  	_ =	shalt  }
0x5d: {  	_ =	shalt  }
0x5e: {  	_ =	shalt  }
0x5f: {  	_ =	shalt  }
0x60: {  	_ =	shalt  }
0x61: {  	_ =	shalt  }
0x62: {  	_ =	shalt  }
0x63: {  	_ =	shalt  }
0x64: {  	_ =	shalt  }
0x65: {  	_ =	shalt  }
0x66: {  	_ =	shalt  }
0x67: {  	_ =	shalt  }
0x68: {  	_ =	shalt  }
0x69: {  	_ =	shalt  }
0x6a: {  	_ =	shalt  }
0x6b: {  	_ =	shalt  }
0x6c: {  	_ =	shalt  }
0x6d: {  	_ =	shalt  }
0x6e: {  	_ =	shalt  }
0x6f: {  	_ =	shalt  }
0x70: {  	_ =	shalt  }
0x71: {  	_ =	shalt  }
0x72: {  	_ =	shalt  }
0x73: {  	_ =	shalt  }
0x74: {  	_ =	shalt  }
0x75: {  	_ =	shalt  }
0x76: {  	_ =	shalt  }
0x77: {  	_ =	shalt  }
0x78: {  	_ =	shalt  }
0x79: {  	_ =	shalt  }
0x7a: {  	_ =	shalt  }
0x7b: {  	_ =	shalt  }
0x7c: {  	_ =	shalt  }
0x7d: {  	_ =	shalt  }
0x7e: {  	_ =	shalt  }
0x7f: {  	_ =	shalt  }
0x80: {  	_ =	shalt  }
0x81: {  	_ =	shalt  }
0x82: {  	_ =	shalt  }
0x83: {  	_ =	shalt  }
0x84: {  	_ =	shalt  }
0x85: {  	_ =	shalt  }
0x86: {  	_ =	shalt  }
0x87: {  	_ =	shalt  }
.Lfunc_end0:
.L_simem_size_0:
called_computation.2_lowered:
.L_overlay_start_0:
0x88: {  	s2 =	sld [smem:$0x3FD9]  }
0x89: {  	s3 =	sld [smem:$0x3FFE];
	_ =	sdelay $0x1  }
0x8a: {  	s1 =	srdreg.scid  }
0x8b: {  	s0 =	sand.u32 $0x1, s1  }
0x8c: {  	s16 =	sshll.u32 s0, $0xA;
	s2 =	sadd.s32 s3, s2  }
0x8d: {  	s2 =	sadd.s32 s2, s16  }
0x8e: {  	[smem:$0x3FC0] =	sst s2  }
0x8f: {  	_ = 	snop  }
0x90: {  	(tm) =	ssettm $0x1  }
0x91: {  	s17 =	sld [smem:$0x3FFB];
	_ =	sdelay $0x3  }
0x92: {  	_ =	strace s17  }
0x93: {  	s2 =	sld [smem:$0x3FFC];
	_ =	sdelay $0x3  }
0x94: {  	_ =	strace s2  }
0x95: {  	s2 =	sld [smem:$0x3FFD];
	_ =	sdelay $0x3  }
0x96: {  	_ =	strace s2  }
0x97: {  	_ =	strace $0x8FFFFFFF  }
0x98: {  	s18 =	sld [smem:$0x3FDB];
	_ =	sdelay $0x1  }
0x99: {  	s19 =	simm.s32 $_scs_section_size  }
0x9a: {  	s4 =	simm.s32 $_size__tile_overlayer_lowered;
	s5 =	simm.s32 $_tile_overlayer_lowered  }
0x9b: {  	s22 =	simm.s32 $0x1BFF;
	s21 =	sshll.u32 s5, $0x1;
	s2 =	sadd.s32 s19, s18  }
0x9c: {  	s6 =	simm.s32 $0x0;
	s20 =	sshll.u32 s4, $0x1;
	s4 =	sadd.s32 s21, s2  }
0x9d: {  	[timem:s6], [sflag:s22] =	dma.local [hbm:s4], s20  }
0x9e: {  	_ =	swait.ge [sflag:s22], s20  }
0x9f: {  	s3 =	ssub.s32 $0x0, s20;
	[sflag:s22] =	ssyncset.done $0x0  }
0xa0: {  	[sflag:s22] =	ssyncadd.s32 s3;
	_ =	sdelay $0x1  }
0xa1: {  	s23 =	simm.s32 $0x1B8B  }
0xa2: {  	_ =	swait.ge [sflag:s23], $0x1  }
0xa3: {  	[sflag:s23] =	ssyncset.done $0x0  }
0xa4: {  	s25 =	simm.s32 $0x1B8E;
	s24 =	sld [smem:$0x3FFE];
	[sflag:s23] =	ssyncadd.s32 $0xFFFFFFFF  }
0xa5: {  	s26 =	simm.s32 $execute0_lowered;
	[smem:$0x3FD2] =	sst s25  }
0xa6: {  	s4 =	sshll.u32 s26, $0x1;
	_ =	strace $0x8000004C;
	[dreg:$0x1] =	wrdreg $0xFFFFFFFF  }
0xa7: {  	s28 =	simm.s32 $_size_execute0_lowered;
	s2 =	sadd.s32 s2, s4;
	[dreg:$0x0] =	wrdreg $0x0  }
0xa8: {  	s4 =	sshll.u32 s28, $0x1;
	[dreg:$0x2] =	wrdreg s2  }
0xa9: {  	[dreg:$0x3] =	wrdreg s4  }
0xaa: {  	[dreg:$0x4] =	wrdreg $0xC0  }
0xab: {  	_ =	task [dreg:s6], $0x5FFFF  }
0xac: {  	[dreg:$0x1] =	wrdreg $0xFFFFFFFF  }
0xad: {  	[dreg:$0x0] =	wrdreg $0x60  }
0xae: {  	[dreg:$0x2] =	wrdreg s24  }
0xaf: {  	[dreg:$0x3] =	wrdreg $0xF0000  }
0xb0: {  	[dreg:$0x4] =	wrdreg $0x9  }
0xb1: {  	_ =	task.clear_ibuf [dreg:s6], $0x5FFFF;
	_ =	strace $0x9000004C  }
0xb2: {  	s29 =	simm.s32 $0x9;
	_ =	strace $0x8000004E  }
0xb3: {  	_ =	swait.ge [sflag:s29], $0x1  }
0xb4: {  	[sflag:s29] =	ssyncadd.s32 $0xFFFFFFFF  }
0xb5: {  	_ =	strace $0x9000004E  }
0xb6: {  	_ =	sfence  }
0xb7: {  	s30 =	sld [smem:$0x0];
	_ =	sdelay $0x2  }
0xb8: {  	s31 =	sshll.u32 s1, $0xD;
	s1 =	sshrl.u32 s1, $0x2  }
0xb9: {  	s3 =	sand.u32 $0x4000, s31;
	s1 =	sadd.s32 s1, s30  }
0xba: {  	s0 =	sor.u32 s3, s0;
	s1 =	sshll.u32 s1, $0x11  }
0xbb: {  	s0 =	sor.u32 s1, s0  }
0xbc: {  	s0 =	sadd.s32 $0x8F2B, s0  }
0xbd: {  	[sflag:s0] =	ssyncadd.remote.s32 $0x1  }
0xbe: {  	_ =	sfence.sel $0xFFFF  }
0xbf: {  	[dreg:$0x0] =	wrdreg $0xFFFFFFFF;
	(pc) =	sbr.abs _section_cstart, $3  }
0xc0: {  	[dreg:$0x1] =	wrdreg $0xFFFFFFFF  }
0xc1: {  	_ =	task.clear_ibuf [dreg:s6], $0x2FFFF;
	_ =	strace $0x9FFFFFFF  }
0xc2: {  	(tm) =	ssettm $0x7FFFFFFF  }
0xc3: {  	_ =	shalt  }
tec
execute0_lowered:
.L_overlay_start_1:
0x0: {  	(tag) =	ssettag $0x1  }
0x1: {  	s0 =	srdreg.scid;
	s1 =	rddreg [dreg:$0x0]  }
0x2: {  	s8 =	stileid.u32;
	s2 =	rddreg [dreg:$0x1]  }
0x3: {  	s3 =	simm.s32 $0x0;
	s18 =	simm.s32 $0x3;
	s19 =	simm.s32 $0xD000  }
0x4: {  	s20 =	simm.s32 $0x100;
	s21 =	simm.s32 $0x5000;
	s22 =	simm.s32 $0x9000  }
0x5: {  	s28 =	simm.s32 $0x4F00;
	s29 =	simm.s32 $0x10;
	s5 =	smul.u32 $0x2800, s8  }
0x6: {  	s30 =	simm.s32 $0x8;
	s31 =	simm.s32 $0x0;
	s23 =	smul.u32 $0x13C00, s8  }
0x7: {  	s0 =	sand.u32 $0x1, s0;
	[smem:$0x7FF] =	sst s3;
	s8 =	smul.u32 $0x27800, s8  }
0x8: {  	s9 =	sadd.s32 $0x3E00, s1;
	s4 =	smul.u32 $0x50000, s0;
	_ =	strace $0x8000004D  }
0x9: {  	s7 =	sshll.u32 s0, $0x6;
	[dreg:$0x3] =	wrdreg s9;
	s0 =	ssub.s32 $0x2, s0  }
0xa: {  	s24 =	sshrl.u32 s0, $0x1;
	s8 =	sshrl.u32 s8, $0x2;
	s6 =	sadd.s32 s5, s4  }
0xb: {  	s4 =	sadd.s32 $0x22A00, s1;
	s5 =	sshrl.u32 s5, $0x3;
	s0 =	ssub.s32 s0, s24  }
0xc: {  	s24 =	simm.s32 $0x2;
	s6 =	sshrl.u32 s6, $0x3;
	s5 =	sadd.s32 s5, s1  }
0xd: {  	s16 =	smax.u32 s0, $0x1;
	s14 =	sadd.s32 s6, s1;
	s6 =	sor.u32 s7, s23  }
0xe: {  	s5 =	sadd.s32 $0x9A00, s5;
	s23 =	simm.s32 $0x1;
	s6 =	sshrl.u32 s6, $0x3  }
0xf: {  	[dreg:$0x4] =	wrdreg s5;
	s25 =	sadd.s32 $0xEA00, s14;
	s14 =	sadd.s32 $0x13A00, s14  }
0x10: {  	s1 =	sadd.s32 s6, s1;
	s6 =	sadd.s32 s8, s2;
	[dreg:$0x5] =	wrdreg s25  }
0x11: {  	s25 =	simm.s32 $0x2700;
	s9 =	sadd.s32 $0x2000, s6;
	s10 =	sadd.s32 $0x4000, s6  }
0x12: {  	s11 =	sadd.s32 $0x6000, s6;
	s12 =	sadd.s32 $0x8000, s6;
	s26 =	sadd.s32 $0x70C00, s1  }
0x13: {  	s15 =	sadd.s32 $0x98400, s1;
	[dreg:$0x6] =	wrdreg s26;
	s26 =	simm.s32 $0x4E00  }
.LBB2_1:
0x14: {  	s0 =	rddreg [dreg:$0x4];
	s1 =	simm.s32 $0x2800  }
0x15: {  	[tilespmem:s1], [sflag:$0x3] =	stream.linear.gather [hbm4b:s0+s3], $0x2800, $0x38;
	[tilespmem:$0x18E00] =	vst v63  }
0x16: {  	_ =	swait.ge [sflag:s18], $0x2800  }
0x17: {  	[sflag:s18] =	ssyncset.done $0x0  }
0x18: {  	s1 =	rddreg [dreg:$0x3];
	[sflag:s18] =	ssyncadd.s32 $0xFFFFD800  }
0x19: {  	[tilespmem:s19], [sflag:$0x3] =	stream.linear.gather [hbm4b:s1+s3], $0x2000, $0x38;
	[tilespmem:$0x18E00] =	vst v63  }
0x1a: {  	_ =	swait.ge [sflag:s18], $0x2000  }
0x1b: {  	[sflag:s18] =	ssyncset.done $0x0  }
0x1c: {  	s5 =	rddreg [dreg:$0x5];
	[sflag:s18] =	ssyncadd.s32 $0xFFFFE000  }
0x1d: {  	[tilespmem:s3], [sflag:$0x3] =	stream.linear.gather [hbm4b:s5+s3], $0x2800, $0x38;
	[tilespmem:$0x18E00] =	vst v63  }
0x1e: {  	_ =	swait.ge [sflag:s18], $0x2800  }
0x1f: {  	[sflag:s18] =	ssyncset.done $0x0  }
0x20: {  	[sflag:s18] =	ssyncadd.s32 $0xFFFFD800  }
0x21: {  	[spmem:s6] =	stream.linear.scatter [tilespmem:s19], [sflag:$0x3], $0x2000, $0x38;
	[tilespmem:$0x18E00] =	vst v63  }
0x22: {  	_ =	swait.ge [sflag:s18], $0x2000  }
0x23: {  	[sflag:s18] =	ssyncset.done $0x0  }
0x24: {  	[sflag:s18] =	ssyncadd.s32 $0xFFFFE000  }
0x25: {  	[spmem:s9] =	stream.linear.scatter [tilespmem:s19], [sflag:$0x3], $0x2000, $0x38;
	[tilespmem:$0x18E00] =	vst v63  }
0x26: {  	_ =	swait.ge [sflag:s18], $0x2000  }
0x27: {  	[sflag:s18] =	ssyncset.done $0x0  }
0x28: {  	[sflag:s18] =	ssyncadd.s32 $0xFFFFE000  }
0x29: {  	[spmem:s10] =	stream.linear.scatter [tilespmem:s19], [sflag:$0x3], $0x2000, $0x38;
	[tilespmem:$0x18E00] =	vst v63  }
0x2a: {  	_ =	swait.ge [sflag:s18], $0x2000  }
0x2b: {  	[sflag:s18] =	ssyncset.done $0x0  }
0x2c: {  	[sflag:s18] =	ssyncadd.s32 $0xFFFFE000  }
0x2d: {  	[spmem:s11] =	stream.linear.scatter [tilespmem:s19], [sflag:$0x3], $0x2000, $0x38;
	[tilespmem:$0x18E00] =	vst v63  }
0x2e: {  	_ =	swait.ge [sflag:s18], $0x2000  }
0x2f: {  	[sflag:s18] =	ssyncset.done $0x0  }
0x30: {  	[sflag:s18] =	ssyncadd.s32 $0xFFFFE000  }
0x31: {  	[spmem:s12] =	stream.linear.scatter [tilespmem:s19], [sflag:$0x3], $0x1E00, $0x38;
	[tilespmem:$0x18E00] =	vst v63  }
0x32: {  	_ =	swait.ge [sflag:s18], $0x1E00  }
0x33: {  	[sflag:s18] =	ssyncset.done $0x0  }
0x34: {  	[sflag:s18] =	ssyncadd.s32 $0xFFFFE200  }
0x35: {  	[bflag:$0x0] =	sbarrier.arrive $0xFFFF  }
0x36: {  	[tilespmem:s21], [sflag:$0x1] =	stream.indirect.gather [hbm4b:s4+s20], $0x40, s3, s20, $0xb8;
	[tilespmem:$0x18E00] =	vst v63  }
0x37: {  	s7 =	simm.s32 $0x100  }
0x38: {  	[tilespmem:s22], [sflag:$0x2] =	stream.indirect.gather [hbm4b:s4+s20], $0x40, s7, s20, $0xb8;
	[tilespmem:$0x18E00] =	vst v63  }
0x39: {  	_ =	swait.ge [sflag:s23], $0x4000  }
0x3a: {  	[sflag:s23] =	ssyncset.done $0x0  }
0x3b: {  	s8 =	simm.s32 $0x2800;
	[sflag:s23] =	ssyncadd.s32 $0xFFFFC000  }
0x3c: {  	[spmem:s2] =	stream.indirect.scatter.add.f32 [tilespmem:s21], [sflag:$0x3], $0x40, s8, s20, $0xb8;
	[tilespmem:$0x18E00] =	vst v63  }
0x3d: {  	_ =	swait.ge [sflag:s18], $0x4000  }
0x3e: {  	[sflag:s18] =	ssyncset.done $0x0  }
0x3f: {  	s13 =	simm.s32 $0x200;
	[sflag:s18] =	ssyncadd.s32 $0xFFFFC000  }
0x40: {  	[tilespmem:s21], [sflag:$0x1] =	stream.indirect.gather [hbm4b:s4+s20], $0x40, s13, s20, $0xb8;
	[tilespmem:$0x18E00] =	vst v63  }
0x41: {  	_ =	swait.ge [sflag:s24], $0x4000  }
0x42: {  	[sflag:s24] =	ssyncset.done $0x0  }
0x43: {  	s17 =	simm.s32 $0x2900;
	[sflag:s24] =	ssyncadd.s32 $0xFFFFC000  }
0x44: {  	[spmem:s2] =	stream.indirect.scatter.add.f32 [tilespmem:s22], [sflag:$0x3], $0x40, s17, s20, $0xb8;
	[tilespmem:$0x18E00] =	vst v63  }
0x45: {  	_ =	swait.ge [sflag:s18], $0x4000  }
0x46: {  	s0 =	simm.s32 $0x200;
	s1 =	simm.s32 $0x1000;
	[sflag:s18] =	ssyncset.done $0x0  }
.LBB2_2:
0x47: {  	s5 =	sadd.s32 $0x100, s0  }
0x48: {  	[sflag:s18] =	ssyncadd.s32 $0xFFFFC000;
	s17 =	smov.u32 s1;
	s7 =	sadd.s32 $0x800, s1  }
0x49: {  	[tilespmem:s22], [sflag:$0x2] =	stream.indirect.gather [hbm4b:s4+s20], $0x40, s5, s20, $0xb8;
	[tilespmem:$0x18E00] =	vst v63  }
0x4a: {  	p0 =	sne.s32 s1, $0x9000;
	_ =	swait.ge [sflag:s23], $0x4000  }
0x4b: {  	[sflag:s23] =	ssyncset.done $0x0  }
0x4c: {  	s1 =	sadd.s32 $0x2800, s0;
	[sflag:s23] =	ssyncadd.s32 $0xFFFFC000  }
0x4d: {  	[spmem:s2] =	stream.indirect.scatter.add.f32 [tilespmem:s21], [sflag:$0x3], $0x40, s1, s20, $0xb8;
	[tilespmem:$0x18E00] =	vst v63  }
0x4e: {  	_ =	swait.ge [sflag:s18], $0x4000  }
0x4f: {  	[sflag:s18] =	ssyncset.done $0x0  }
0x50: {  	s1 =	sadd.s32 $0x200, s0;
	[sflag:s18] =	ssyncadd.s32 $0xFFFFC000  }
0x51: {  	[tilespmem:s21], [sflag:$0x1] =	stream.indirect.gather [hbm4b:s4+s20], $0x40, s1, s20, $0xb8;
	[tilespmem:$0x18E00] =	vst v63  }
0x52: {  	_ =	swait.ge [sflag:s24], $0x4000  }
.Ltmp0:
0x53: {  	[sflag:s24] =	ssyncset.done $0x0;
	(pc) =	sbr.rel @p0 .LBB2_2-.Ltmp0, $4  }
0x54: {  	s0 =	sadd.s32 $0x2900, s0;
	[sflag:s24] =	ssyncadd.s32 $0xFFFFC000  }
0x55: {  	[spmem:s2] =	stream.indirect.scatter.add.f32 [tilespmem:s22], [sflag:$0x3], $0x40, s0, s20, $0xb8;
	[tilespmem:$0x18E00] =	vst v63  }
0x56: {  	_ =	swait.ge [sflag:s18], $0x4000  }
0x57: {  	s1 =	smov.u32 s7;
	s0 =	sshra.s32 s17, $0x2;
	[sflag:s18] =	ssyncset.done $0x0  }
0x58: {  	s1 =	sadd.s32 $0x100, s0;
	[sflag:s18] =	ssyncadd.s32 $0xFFFFC000  }
0x59: {  	[tilespmem:s22], [sflag:$0x2] =	stream.indirect.gather [hbm4b:s4+s20], $0x40, s1, s20, $0xb8;
	[tilespmem:$0x18E00] =	vst v63  }
0x5a: {  	_ =	swait.ge [sflag:s23], $0x4000  }
0x5b: {  	[sflag:s23] =	ssyncset.done $0x0  }
0x5c: {  	s5 =	sadd.s32 $0x2800, s0;
	[sflag:s23] =	ssyncadd.s32 $0xFFFFC000  }
0x5d: {  	[spmem:s2] =	stream.indirect.scatter.add.f32 [tilespmem:s21], [sflag:$0x3], $0x40, s5, s20, $0xb8;
	[tilespmem:$0x18E00] =	vst v63  }
0x5e: {  	_ =	swait.ge [sflag:s18], $0x4000  }
0x5f: {  	[sflag:s18] =	ssyncset.done $0x0  }
0x60: {  	s7 =	sadd.s32 $0x200, s0;
	[sflag:s18] =	ssyncadd.s32 $0xFFFFC000  }
0x61: {  	[tilespmem:s21], [sflag:$0x1] =	stream.indirect.gather [hbm4b:s4+s20], $0x40, s7, s20, $0xb8;
	[tilespmem:$0x18E00] =	vst v63  }
0x62: {  	_ =	swait.ge [sflag:s24], $0x4000  }
0x63: {  	[sflag:s24] =	ssyncset.done $0x0  }
0x64: {  	s8 =	sadd.s32 $0x2900, s0;
	[sflag:s24] =	ssyncadd.s32 $0xFFFFC000  }
0x65: {  	[spmem:s2] =	stream.indirect.scatter.add.f32 [tilespmem:s22], [sflag:$0x3], $0x40, s8, s20, $0xb8;
	[tilespmem:$0x18E00] =	vst v63  }
0x66: {  	_ =	swait.ge [sflag:s18], $0x4000  }
0x67: {  	[sflag:s18] =	ssyncset.done $0x0  }
0x68: {  	[sflag:s18] =	ssyncadd.s32 $0xFFFFC000  }
0x69: {  	[tilespmem:s22], [sflag:$0x2] =	stream.indirect.gather [hbm4b:s4+s20], $0x40, s25, s20, $0xb8;
	[tilespmem:$0x18E00] =	vst v63  }
0x6a: {  	_ =	swait.ge [sflag:s23], $0x4000  }
0x6b: {  	[sflag:s23] =	ssyncset.done $0x0  }
0x6c: {  	[sflag:s23] =	ssyncadd.s32 $0xFFFFC000  }
0x6d: {  	[spmem:s2] =	stream.indirect.scatter.add.f32 [tilespmem:s21], [sflag:$0x3], $0x40, s26, s20, $0xb8;
	[tilespmem:$0x18E00] =	vst v63  }
0x6e: {  	_ =	swait.ge [sflag:s18], $0x4000  }
0x6f: {  	[sflag:s18] =	ssyncset.done $0x0  }
0x70: {  	[sflag:s18] =	ssyncadd.s32 $0xFFFFC000  }
0x71: {  	_ =	swait.ge [sflag:s24], $0x4000  }
0x72: {  	[sflag:s24] =	ssyncset.done $0x0  }
0x73: {  	[sflag:s24] =	ssyncadd.s32 $0xFFFFC000  }
0x74: {  	[spmem:s2] =	stream.indirect.scatter.add.f32 [tilespmem:s22], [sflag:$0x3], $0x40, s28, s20, $0xb8;
	[tilespmem:$0x18E00] =	vst v63  }
0x75: {  	_ =	swait.ge [sflag:s18], $0x4000  }
0x76: {  	[sflag:s18] =	ssyncset.done $0x0  }
0x77: {  	s13 =	stileid.u32;
	[sflag:s18] =	ssyncadd.s32 $0xFFFFC000  }
0x78: {  	s0 =	sshll.u32 s13, $0x6;
	[bflag:$0x0] =	sbarrier.arrive $0xFFFF  }
0x79: {  	s1 =	sor.u32 $0x1C03, s0;
	s0 =	sshrl.u32 s6, $0x3;
	s5 =	rddreg [dreg:$0x6]  }
0x7a: {  	[hbm:s5@s29], [sflag:s1] =	dma.strided [spmem:s0@s30], $0x13C0, s23, $0x8   }
0x7b: {  	_ =	swait.ge [sflag:s18], $0x13C0  }
0x7c: {  	[sflag:s18] =	ssyncset.done $0x0  }
0x7d: {  	s17 =	simm.s32 $0x0;
	[sflag:s18] =	ssyncadd.s32 $0xFFFFEC40  }
0x7e: {  	[tilespmem:s17], [sflag:$0x3] =	stream.linear.gather [hbm4b:s14+s17], $0x2800, $0x38;
	[tilespmem:$0x18E00] =	vst v63  }
0x7f: {  	_ =	swait.ge [sflag:s18], $0x2800  }
0x80: {  	[sflag:s18] =	ssyncset.done $0x0  }
0x81: {  	[sflag:s18] =	ssyncadd.s32 $0xFFFFD800  }
0x82: {  	[spmem:s6] =	stream.linear.scatter [tilespmem:s19], [sflag:$0x3], $0x2000, $0x38;
	[tilespmem:$0x18E00] =	vst v63  }
0x83: {  	_ =	swait.ge [sflag:s18], $0x2000  }
0x84: {  	[sflag:s18] =	ssyncset.done $0x0  }
0x85: {  	[sflag:s18] =	ssyncadd.s32 $0xFFFFE000  }
0x86: {  	[spmem:s9] =	stream.linear.scatter [tilespmem:s19], [sflag:$0x3], $0x2000, $0x38;
	[tilespmem:$0x18E00] =	vst v63  }
0x87: {  	_ =	swait.ge [sflag:s18], $0x2000  }
0x88: {  	[sflag:s18] =	ssyncset.done $0x0  }
0x89: {  	[sflag:s18] =	ssyncadd.s32 $0xFFFFE000  }
0x8a: {  	[spmem:s10] =	stream.linear.scatter [tilespmem:s19], [sflag:$0x3], $0x2000, $0x38;
	[tilespmem:$0x18E00] =	vst v63  }
0x8b: {  	_ =	swait.ge [sflag:s18], $0x2000  }
0x8c: {  	[sflag:s18] =	ssyncset.done $0x0  }
0x8d: {  	[sflag:s18] =	ssyncadd.s32 $0xFFFFE000  }
0x8e: {  	[spmem:s11] =	stream.linear.scatter [tilespmem:s19], [sflag:$0x3], $0x2000, $0x38;
	[tilespmem:$0x18E00] =	vst v63  }
0x8f: {  	_ =	swait.ge [sflag:s18], $0x2000  }
0x90: {  	[sflag:s18] =	ssyncset.done $0x0  }
0x91: {  	[sflag:s18] =	ssyncadd.s32 $0xFFFFE000  }
0x92: {  	[spmem:s12] =	stream.linear.scatter [tilespmem:s19], [sflag:$0x3], $0x1E00, $0x38;
	[tilespmem:$0x18E00] =	vst v63  }
0x93: {  	_ =	swait.ge [sflag:s18], $0x1E00  }
0x94: {  	[sflag:s18] =	ssyncset.done $0x0  }
0x95: {  	[sflag:s18] =	ssyncadd.s32 $0xFFFFE200  }
0x96: {  	[bflag:$0x0] =	sbarrier.arrive $0xFFFF  }
0x97: {  	[tilespmem:s21], [sflag:$0x1] =	stream.indirect.gather [hbm4b:s4+s20], $0x40, s17, s20, $0xb8;
	[tilespmem:$0x18E00] =	vst v63  }
0x98: {  	s7 =	simm.s32 $0x100  }
0x99: {  	[tilespmem:s22], [sflag:$0x2] =	stream.indirect.gather [hbm4b:s4+s20], $0x40, s7, s20, $0xb8;
	[tilespmem:$0x18E00] =	vst v63  }
0x9a: {  	_ =	swait.ge [sflag:s23], $0x4000  }
0x9b: {  	[sflag:s23] =	ssyncset.done $0x0  }
0x9c: {  	s8 =	simm.s32 $0x2800;
	[sflag:s23] =	ssyncadd.s32 $0xFFFFC000  }
0x9d: {  	[spmem:s2] =	stream.indirect.scatter.add.f32 [tilespmem:s21], [sflag:$0x3], $0x40, s8, s20, $0xb8;
	[tilespmem:$0x18E00] =	vst v63  }
0x9e: {  	_ =	swait.ge [sflag:s18], $0x4000  }
0x9f: {  	[sflag:s18] =	ssyncset.done $0x0  }
0xa0: {  	s13 =	simm.s32 $0x200;
	[sflag:s18] =	ssyncadd.s32 $0xFFFFC000  }
0xa1: {  	[tilespmem:s21], [sflag:$0x1] =	stream.indirect.gather [hbm4b:s4+s20], $0x40, s13, s20, $0xb8;
	[tilespmem:$0x18E00] =	vst v63  }
0xa2: {  	_ =	swait.ge [sflag:s24], $0x4000  }
0xa3: {  	[sflag:s24] =	ssyncset.done $0x0  }
0xa4: {  	s17 =	simm.s32 $0x2900;
	[sflag:s24] =	ssyncadd.s32 $0xFFFFC000  }
0xa5: {  	[spmem:s2] =	stream.indirect.scatter.add.f32 [tilespmem:s22], [sflag:$0x3], $0x40, s17, s20, $0xb8;
	[tilespmem:$0x18E00] =	vst v63  }
0xa6: {  	_ =	swait.ge [sflag:s18], $0x4000  }
0xa7: {  	s5 =	simm.s32 $0x1000;
	s17 =	simm.s32 $0x200;
	[sflag:s18] =	ssyncset.done $0x0  }
.LBB2_4:
0xa8: {  	s7 =	sadd.s32 $0x100, s17  }
0xa9: {  	[sflag:s18] =	ssyncadd.s32 $0xFFFFC000;
	s8 =	smov.u32 s5;
	s13 =	sadd.s32 $0x800, s5  }
0xaa: {  	[tilespmem:s22], [sflag:$0x2] =	stream.indirect.gather [hbm4b:s4+s20], $0x40, s7, s20, $0xb8;
	[tilespmem:$0x18E00] =	vst v63  }
0xab: {  	p0 =	sne.s32 s5, $0x9000;
	_ =	swait.ge [sflag:s23], $0x4000  }
0xac: {  	[sflag:s23] =	ssyncset.done $0x0  }
0xad: {  	s5 =	sadd.s32 $0x2800, s17;
	[sflag:s23] =	ssyncadd.s32 $0xFFFFC000  }
0xae: {  	[spmem:s2] =	stream.indirect.scatter.add.f32 [tilespmem:s21], [sflag:$0x3], $0x40, s5, s20, $0xb8;
	[tilespmem:$0x18E00] =	vst v63  }
0xaf: {  	_ =	swait.ge [sflag:s18], $0x4000  }
0xb0: {  	[sflag:s18] =	ssyncset.done $0x0  }
0xb1: {  	s5 =	sadd.s32 $0x200, s17;
	[sflag:s18] =	ssyncadd.s32 $0xFFFFC000  }
0xb2: {  	[tilespmem:s21], [sflag:$0x1] =	stream.indirect.gather [hbm4b:s4+s20], $0x40, s5, s20, $0xb8;
	[tilespmem:$0x18E00] =	vst v63  }
0xb3: {  	_ =	swait.ge [sflag:s24], $0x4000  }
.Ltmp1:
0xb4: {  	[sflag:s24] =	ssyncset.done $0x0;
	(pc) =	sbr.rel @p0 .LBB2_4-.Ltmp1, $4  }
0xb5: {  	s5 =	sadd.s32 $0x2900, s17;
	[sflag:s24] =	ssyncadd.s32 $0xFFFFC000  }
0xb6: {  	[spmem:s2] =	stream.indirect.scatter.add.f32 [tilespmem:s22], [sflag:$0x3], $0x40, s5, s20, $0xb8;
	[tilespmem:$0x18E00] =	vst v63  }
0xb7: {  	_ =	swait.ge [sflag:s18], $0x4000  }
0xb8: {  	s17 =	sshra.s32 s8, $0x2;
	s5 =	smov.u32 s13;
	[sflag:s18] =	ssyncset.done $0x0  }
0xb9: {  	s5 =	sadd.s32 $0x100, s17;
	[sflag:s18] =	ssyncadd.s32 $0xFFFFC000  }
0xba: {  	[tilespmem:s22], [sflag:$0x2] =	stream.indirect.gather [hbm4b:s4+s20], $0x40, s5, s20, $0xb8;
	[tilespmem:$0x18E00] =	vst v63  }
0xbb: {  	_ =	swait.ge [sflag:s23], $0x4000  }
0xbc: {  	[sflag:s23] =	ssyncset.done $0x0  }
0xbd: {  	s8 =	sadd.s32 $0x2800, s17;
	[sflag:s23] =	ssyncadd.s32 $0xFFFFC000  }
0xbe: {  	[spmem:s2] =	stream.indirect.scatter.add.f32 [tilespmem:s21], [sflag:$0x3], $0x40, s8, s20, $0xb8;
	[tilespmem:$0x18E00] =	vst v63  }
0xbf: {  	_ =	swait.ge [sflag:s18], $0x4000  }
0xc0: {  	[sflag:s18] =	ssyncset.done $0x0  }
0xc1: {  	s13 =	sadd.s32 $0x200, s17;
	[sflag:s18] =	ssyncadd.s32 $0xFFFFC000  }
0xc2: {  	[tilespmem:s21], [sflag:$0x1] =	stream.indirect.gather [hbm4b:s4+s20], $0x40, s13, s20, $0xb8;
	[tilespmem:$0x18E00] =	vst v63  }
0xc3: {  	_ =	swait.ge [sflag:s24], $0x4000  }
0xc4: {  	[sflag:s24] =	ssyncset.done $0x0  }
0xc5: {  	s17 =	sadd.s32 $0x2900, s17;
	[sflag:s24] =	ssyncadd.s32 $0xFFFFC000  }
0xc6: {  	[spmem:s2] =	stream.indirect.scatter.add.f32 [tilespmem:s22], [sflag:$0x3], $0x40, s17, s20, $0xb8;
	[tilespmem:$0x18E00] =	vst v63  }
0xc7: {  	_ =	swait.ge [sflag:s18], $0x4000  }
0xc8: {  	[sflag:s18] =	ssyncset.done $0x0  }
0xc9: {  	[sflag:s18] =	ssyncadd.s32 $0xFFFFC000  }
0xca: {  	[tilespmem:s22], [sflag:$0x2] =	stream.indirect.gather [hbm4b:s4+s20], $0x40, s25, s20, $0xb8;
	[tilespmem:$0x18E00] =	vst v63  }
0xcb: {  	_ =	swait.ge [sflag:s23], $0x4000  }
0xcc: {  	[sflag:s23] =	ssyncset.done $0x0  }
0xcd: {  	[sflag:s23] =	ssyncadd.s32 $0xFFFFC000  }
0xce: {  	[spmem:s2] =	stream.indirect.scatter.add.f32 [tilespmem:s21], [sflag:$0x3], $0x40, s26, s20, $0xb8;
	[tilespmem:$0x18E00] =	vst v63  }
0xcf: {  	_ =	swait.ge [sflag:s18], $0x4000  }
0xd0: {  	[sflag:s18] =	ssyncset.done $0x0  }
0xd1: {  	[sflag:s18] =	ssyncadd.s32 $0xFFFFC000  }
0xd2: {  	_ =	swait.ge [sflag:s24], $0x4000  }
0xd3: {  	[sflag:s24] =	ssyncset.done $0x0  }
0xd4: {  	[sflag:s24] =	ssyncadd.s32 $0xFFFFC000  }
0xd5: {  	[spmem:s2] =	stream.indirect.scatter.add.f32 [tilespmem:s22], [sflag:$0x3], $0x40, s28, s20, $0xb8;
	[tilespmem:$0x18E00] =	vst v63  }
0xd6: {  	_ =	swait.ge [sflag:s18], $0x4000  }
0xd7: {  	s31 =	sadd.s32 $0x1, s31;
	[sflag:s18] =	ssyncset.done $0x0  }
0xd8: {  	p0 =	sne.s32 s31, s16;
	[sflag:s18] =	ssyncadd.s32 $0xFFFFC000  }
.Ltmp2:
0xd9: {  	[bflag:$0x0] =	sbarrier.arrive $0xFFFF;
	(pc) =	sbr.rel @p0 .LBB2_1-.Ltmp2, $4  }
0xda: {  	[hbm:s15@s29], [sflag:s1] =	dma.strided [spmem:s0@s30], $0x13C0, s23, $0x8   }
0xdb: {  	_ =	swait.ge [sflag:s18], $0x13C0  }
0xdc: {  	[sflag:s18] =	ssyncset.done $0x0  }
0xdd: {  	[sflag:s18] =	ssyncadd.s32 $0xFFFFEC40  }
0xde: {  	_ =	sfence.sel $0x180000  }
0xdf: {  	[bflag:$0x0] =	sbarrier.arrive $0xFFFF  }
0xe0: {  	_ =	strace $0x9000004D  }
0xe1: {  	s0 =	stileid.u32;
	[bflag:$0x2] =	sbarrier.arrive $0xFFFF  }
0xe2: {  	p0 =	sne.s32 s0, $0x0;
	s0 =	rddreg [dreg:$0x2]  }
0xe3: {  	s0 =	sadd.s32 @!p0 $0x100000, s0  }
0xe4: {  	[sflag:s0] =	ssyncadd.tile.s32 @!p0 $0x1;
	_ =	shalt  }
.Lfunc_end2:
_tile_overlayer_lowered:
.L_overlay_start_2:
0xe5: {  	(tag) =	ssettag $0x2  }
0xe6: {  	s0 =	rddreg [dreg:$0x0];
	s2 =	stileid.u32  }
0xe7: {  	s1 =	rddreg [dreg:$0x1];
	p0 =	sne.s32 s2, $0x0  }
0xe8: {  	s3 =	rddreg [dreg:$0x2];
	[bflag:$0x3] =	sbarrier.arrive $0xFFFF;
	s2 =	simm.s32 @!p0 $0x1C03  }
0xe9: {  	[timem:s3], [sflag:s2] =	dma.local @!p0 [hbm:s0], s1  }
0xea: {  	s0 =	simm.s32 @!p0 $0x3  }
0xeb: {  	_ =	swait.ge @!p0 [sflag:s0], s1  }
0xec: {  	s1 =	ssub.s32 @!p0 $0x0, s1;
	[sflag:s0] =	ssyncset.done @!p0 $0x0  }
0xed: {  	[sflag:s0] =	ssyncadd.s32 @!p0 s1  }
0xee: {  	[bflag:$0x3] =	sbarrier.arrive $0xFFFF  }
0xef: {  	_ =	shalt  }

// kernel: kernel.8.cloned.1.call-start
scs
__scs_entry_jumppad:
0x0: {  	(pc) =	sbr.rel $0x88, $3  }
0x1: {  	(tag) =	ssettag $0x0;
	lr =	simm.s32 $0x1  }
0x2: {  	[smem:$0x3F99] =	sst lr;
	_ =	strace $0xD0000000  }
0x3: {  	_ = 	snop  }
0x4: {  	_ = 	snop  }
0x5: {  	_ = 	snop  }
0x6: {  	_ = 	snop  }
0x7: {  	_ = 	snop  }
__scs_overlays_trampoline_lowered:
0x8: {  	[smem:$0x3FA8] =	sst s0  }
0x9: {  	[smem:$0x3FA9] =	sst s1  }
0xa: {  	[smem:$0x3FAA] =	sst s2  }
0xb: {  	[smem:$0x3FAB] =	sst s3  }
0xc: {  	[smem:$0x3FAC] =	sst s4  }
0xd: {  	[smem:$0x3FAD] =	sst s5  }
0xe: {  	[smem:$0x3FAE] =	sst s6  }
0xf: {  	[smem:$0x3FAF] =	sst s7  }
0x10: {  	[smem:$0x3FB0] =	sst s8  }
0x11: {  	[smem:$0x3FB1] =	sst s9;
	s0 =	simm.s32 @!p0 $0x0  }
0x12: {  	s1 =	sld [smem:$0x3F97];
	s0 =	simm.s32 @p0 $0x1  }
0x13: {  	[smem:$0x3FB2] =	sst s0;
	s0 =	simm.s32 @!p1 $0x0  }
0x14: {  	s2 =	sld [smem:$0x3F96];
	s0 =	simm.s32 @p1 $0x1  }
0x15: {  	[smem:$0x3FB3] =	sst s0;
	s0 =	simm.s32 @!p2 $0x0  }
0x16: {  	s3 =	sld [smem:$0x3FDB];
	s0 =	simm.s32 @p2 $0x1  }
0x17: {  	s4 =	simm.s32 $0x1BF5;
	[smem:$0x3FB5] =	sst s0  }
0x18: {  	s0 =	sld [smem:$0x3F98];
	_ =	swait.ge [sflag:s4], $0x0  }
0x19: {  	s7 =	sld [smem:$0x3F99]  }
0x1a: {  	s8 =	sadd.s32 $0xFFFFE003, lr  }
0x1b: {  	s9 =	sadd.s32 $0xFFFFFEF7, lr;
	s5 =	simm.s32 $0xFFFFFFFF;
	p2 =	slt.u32 s8, $0xFFFFF086  }
0x1c: {  	p1 =	slt.u32 s9, $0xF7A;
	s5 =	simm.s32 @!p2 $0x0  }
0x1d: {  	s5 =	simm.s32 @p1 $0x1;
	p0 =	seq.s32 s7, s2  }
0x1e: {  	s7 =	smul.u32 @!p0 $0xF7A, s2;
	p2 =	seq.s32 @!p0 s5, $0x0  }
0x1f: {  	s9 =	smul.u32 $0xF7A, s1;
	s8 =	simm.s32 @!p0 $0x1BF5;
	p2 =	por !p2, p0  }
0x20: {  	[sflag:s8] =	ssyncset.s32 @!p0 $0xFFFFF086;
	s6 =	sadd.s32 @!p0 s3, s7;
	s7 =	simm.s32 @!p0 $0x108  }
0x21: {  	s3 =	sadd.s32 s3, s9;
	s6 =	sadd.s32 @!p0 $0x88, s6;
	s7 =	simm.s32 @p2 $0x1082  }
0x22: {  	[simem:s7], [sflag:s8] =	dma.local @!p0 [hbm:s6], $0xF7A  }
0x23: {  	s9 =	sor.u32 $0xD0000000, s2;
	s6 =	simm.s32 $0x108;
	_ =	swait.ge @!p0 [sflag:s8], $0x0  }
0x24: {  	s3 =	sadd.s32 $0x88, s3;
	s6 =	simm.s32 @!p1 $0x1082;
	[sflag:s4] =	ssyncset.s32 $0xFFFFF086  }
0x25: {  	[simem:s6], [sflag:s4] =	dma.local [hbm:s3], $0xF7A  }
0x26: {  	[smem:$0x3F99] =	sst s1;
	(tag) =	ssettag s2;
	_ =	strace s9  }
0x27: {  	s1 =	sld [smem:$0x3FA9]  }
0x28: {  	s2 =	sld [smem:$0x3FAA]  }
0x29: {  	s4 =	sld [smem:$0x3FAC]  }
0x2a: {  	p0 =	seq.s32 s5, $0x0;
	s5 =	sld [smem:$0x3FAD]  }
0x2b: {  	s6 =	sld [smem:$0x3FAE]  }
0x2c: {  	s7 =	sld [smem:$0x3FAF]  }
0x2d: {  	s3 =	simm.s32 $0x108;
	s8 =	sld [smem:$0x3FB0]  }
0x2e: {  	s3 =	simm.s32 @!p0 $0x1082;
	s9 =	sld [smem:$0x3FB1]  }
0x2f: {  	lr =	sadd.s32 s0, s3;
	s0 =	sld [smem:$0x3FA8]  }
0x30: {  	s3 =	sld [smem:$0x3FAB]  }
0x31: {  	[smem:$0x3FB4] =	sst s10  }
0x32: {  	s10 =	sld [smem:$0x3FB2];
	_ =	sdelay $0x3  }
0x33: {  	p0 =	seq.s32 s10, $0x1;
	s10 =	sld [smem:$0x3FB4];
	_ =	sdelay $0x3  }
0x34: {  	[smem:$0x3FB4] =	sst s10  }
0x35: {  	s10 =	sld [smem:$0x3FB3];
	_ =	sdelay $0x3  }
0x36: {  	p1 =	seq.s32 s10, $0x1;
	s10 =	sld [smem:$0x3FB4];
	_ =	sdelay $0x3  }
0x37: {  	[smem:$0x3FB4] =	sst s10  }
0x38: {  	s10 =	sld [smem:$0x3FB5]  }
0x39: {  	_ = 	snop;
	(pc) =	sbr.ind lr, $3  }
0x3a: {  	_ = 	snop  }
0x3b: {  	_ = 	snop  }
0x3c: {  	p2 =	seq.s32 s10, $0x1;
	s10 =	sld [smem:$0x3FB4]  }
0x3d: {  	_ =	shalt  }
0x3e: {  	_ =	shalt  }
0x3f: {  	_ =	shalt  }
0x40: {  	_ =	shalt  }
0x41: {  	_ =	shalt  }
0x42: {  	_ =	shalt  }
0x43: {  	_ =	shalt  }
0x44: {  	_ =	shalt  }
0x45: {  	_ =	shalt  }
0x46: {  	_ =	shalt  }
0x47: {  	_ =	shalt  }
0x48: {  	_ =	shalt  }
0x49: {  	_ =	shalt  }
0x4a: {  	_ =	shalt  }
0x4b: {  	_ =	shalt  }
0x4c: {  	_ =	shalt  }
0x4d: {  	_ =	shalt  }
0x4e: {  	_ =	shalt  }
0x4f: {  	_ =	shalt  }
0x50: {  	_ =	shalt  }
0x51: {  	_ =	shalt  }
0x52: {  	_ =	shalt  }
0x53: {  	_ =	shalt  }
0x54: {  	_ =	shalt  }
0x55: {  	_ =	shalt  }
0x56: {  	_ =	shalt  }
0x57: {  	_ =	shalt  }
0x58: {  	_ =	shalt  }
0x59: {  	_ =	shalt  }
0x5a: {  	_ =	shalt  }
0x5b: {  	_ =	shalt  }
0x5c: {  	_ =	shalt  }
0x5d: {  	_ =	shalt  }
0x5e: {  	_ =	shalt  }
0x5f: {  	_ =	shalt  }
0x60: {  	_ =	shalt  }
0x61: {  	_ =	shalt  }
0x62: {  	_ =	shalt  }
0x63: {  	_ =	shalt  }
0x64: {  	_ =	shalt  }
0x65: {  	_ =	shalt  }
0x66: {  	_ =	shalt  }
0x67: {  	_ =	shalt  }
0x68: {  	_ =	shalt  }
0x69: {  	_ =	shalt  }
0x6a: {  	_ =	shalt  }
0x6b: {  	_ =	shalt  }
0x6c: {  	_ =	shalt  }
0x6d: {  	_ =	shalt  }
0x6e: {  	_ =	shalt  }
0x6f: {  	_ =	shalt  }
0x70: {  	_ =	shalt  }
0x71: {  	_ =	shalt  }
0x72: {  	_ =	shalt  }
0x73: {  	_ =	shalt  }
0x74: {  	_ =	shalt  }
0x75: {  	_ =	shalt  }
0x76: {  	_ =	shalt  }
0x77: {  	_ =	shalt  }
0x78: {  	_ =	shalt  }
0x79: {  	_ =	shalt  }
0x7a: {  	_ =	shalt  }
0x7b: {  	_ =	shalt  }
0x7c: {  	_ =	shalt  }
0x7d: {  	_ =	shalt  }
0x7e: {  	_ =	shalt  }
0x7f: {  	_ =	shalt  }
0x80: {  	_ =	shalt  }
0x81: {  	_ =	shalt  }
0x82: {  	_ =	shalt  }
0x83: {  	_ =	shalt  }
0x84: {  	_ =	shalt  }
0x85: {  	_ =	shalt  }
0x86: {  	_ =	shalt  }
0x87: {  	_ =	shalt  }
.Lfunc_end0:
.L_simem_size_0:
called_computation_lowered:
.L_overlay_start_0:
0x88: {  	s2 =	sld [smem:$0x3FD9]  }
0x89: {  	s3 =	sld [smem:$0x3FFE];
	_ =	sdelay $0x1  }
0x8a: {  	s1 =	srdreg.scid  }
0x8b: {  	s0 =	sand.u32 $0x1, s1  }
0x8c: {  	s16 =	sshll.u32 s0, $0xA;
	s2 =	sadd.s32 s3, s2  }
0x8d: {  	s2 =	sadd.s32 s2, s16  }
0x8e: {  	[smem:$0x3FC0] =	sst s2  }
0x8f: {  	_ = 	snop  }
0x90: {  	(tm) =	ssettm $0x1  }
0x91: {  	s17 =	sld [smem:$0x3FFB];
	_ =	sdelay $0x3  }
0x92: {  	_ =	strace s17  }
0x93: {  	s2 =	sld [smem:$0x3FFC];
	_ =	sdelay $0x3  }
0x94: {  	_ =	strace s2  }
0x95: {  	s2 =	sld [smem:$0x3FFD];
	_ =	sdelay $0x3  }
0x96: {  	_ =	strace s2  }
0x97: {  	_ =	strace $0x8FFFFFFF  }
0x98: {  	s18 =	sld [smem:$0x3FDB];
	_ =	sdelay $0x1  }
0x99: {  	s19 =	simm.s32 $_scs_section_size  }
0x9a: {  	s4 =	simm.s32 $_size__tile_overlayer_lowered;
	s5 =	simm.s32 $_tile_overlayer_lowered  }
0x9b: {  	s22 =	simm.s32 $0x1BFF;
	s21 =	sshll.u32 s5, $0x1;
	s2 =	sadd.s32 s19, s18  }
0x9c: {  	s6 =	simm.s32 $0x0;
	s20 =	sshll.u32 s4, $0x1;
	s4 =	sadd.s32 s21, s2  }
0x9d: {  	[timem:s6], [sflag:s22] =	dma.local [hbm:s4], s20  }
0x9e: {  	_ =	swait.ge [sflag:s22], s20  }
0x9f: {  	s3 =	ssub.s32 $0x0, s20;
	[sflag:s22] =	ssyncset.done $0x0  }
0xa0: {  	[sflag:s22] =	ssyncadd.s32 s3;
	_ =	sdelay $0x1  }
0xa1: {  	s23 =	simm.s32 $0x1B8B  }
0xa2: {  	_ =	swait.ge [sflag:s23], $0x1  }
0xa3: {  	[sflag:s23] =	ssyncset.done $0x0  }
0xa4: {  	s25 =	simm.s32 $0x1B8E;
	s24 =	sld [smem:$0x3FFE];
	[sflag:s23] =	ssyncadd.s32 $0xFFFFFFFF  }
0xa5: {  	s26 =	simm.s32 $execute0_lowered;
	[smem:$0x3FD2] =	sst s25  }
0xa6: {  	s4 =	sshll.u32 s26, $0x1;
	_ =	strace $0x80000046;
	[dreg:$0x1] =	wrdreg $0xFFFFFFFF  }
0xa7: {  	s28 =	simm.s32 $_size_execute0_lowered;
	s2 =	sadd.s32 s2, s4;
	[dreg:$0x0] =	wrdreg $0x0  }
0xa8: {  	s4 =	sshll.u32 s28, $0x1;
	[dreg:$0x2] =	wrdreg s2  }
0xa9: {  	[dreg:$0x3] =	wrdreg s4  }
0xaa: {  	[dreg:$0x4] =	wrdreg $0xC0  }
0xab: {  	_ =	task [dreg:s6], $0x5FFFF  }
0xac: {  	[dreg:$0x1] =	wrdreg $0xFFFFFFFF  }
0xad: {  	[dreg:$0x0] =	wrdreg $0x60  }
0xae: {  	[dreg:$0x2] =	wrdreg s24  }
0xaf: {  	[dreg:$0x3] =	wrdreg $0x15000  }
0xb0: {  	[dreg:$0x4] =	wrdreg $0x9  }
0xb1: {  	_ =	task.clear_ibuf [dreg:s6], $0x5FFFF;
	_ =	strace $0x90000046  }
0xb2: {  	s29 =	simm.s32 $0x9;
	_ =	strace $0x80000048  }
0xb3: {  	_ =	swait.ge [sflag:s29], $0x1  }
0xb4: {  	[sflag:s29] =	ssyncadd.s32 $0xFFFFFFFF  }
0xb5: {  	_ =	strace $0x90000048  }
0xb6: {  	_ =	sfence  }
0xb7: {  	s30 =	sld [smem:$0x0];
	_ =	sdelay $0x2  }
0xb8: {  	s31 =	sshll.u32 s1, $0xD;
	s1 =	sshrl.u32 s1, $0x2  }
0xb9: {  	s3 =	sand.u32 $0x4000, s31;
	s1 =	sadd.s32 s1, s30  }
0xba: {  	s0 =	sor.u32 s3, s0;
	s1 =	sshll.u32 s1, $0x11  }
0xbb: {  	s0 =	sor.u32 s1, s0  }
0xbc: {  	s0 =	sadd.s32 $0x8F2B, s0  }
0xbd: {  	[sflag:s0] =	ssyncadd.remote.s32 $0x1  }
0xbe: {  	_ =	sfence.sel $0xFFFF  }
0xbf: {  	[dreg:$0x0] =	wrdreg $0xFFFFFFFF;
	(pc) =	sbr.abs _section_cstart, $3  }
0xc0: {  	[dreg:$0x1] =	wrdreg $0xFFFFFFFF  }
0xc1: {  	_ =	task.clear_ibuf [dreg:s6], $0x2FFFF;
	_ =	strace $0x9FFFFFFF  }
0xc2: {  	(tm) =	ssettm $0x7FFFFFFF  }
0xc3: {  	_ =	shalt  }
tec
execute0_lowered:
.L_overlay_start_1:
0x0: {  	(tag) =	ssettag $0x1  }
0x1: {  	s1 =	srdreg.scid;
	s7 =	rddreg [dreg:$0x0]  }
0x2: {  	s0 =	stileid.u32;
	s2 =	rddreg [dreg:$0x1];
	s3 =	simm.s32 $0x0  }
0x3: {  	s14 =	simm.s32 $0x1;
	s15 =	simm.s32 $0x1400;
	s16 =	simm.s32 $0x1480  }
0x4: {  	s17 =	simm.s32 $0x80;
	s20 =	simm.s32 $0x20;
	s4 =	smul.u32 $0x2800, s0  }
0x5: {  	s21 =	simm.s32 $0x10;
	s22 =	simm.s32 $0x0;
	s30 =	smul.u32 $0x500, s0  }
0x6: {  	s5 =	sand.u32 $0x1, s1;
	s1 =	rddreg [dreg:$0x2];
	s10 =	smul.u32 $0xA00, s0  }
0x7: {  	[smem:$0x7FF] =	sst s3;
	s18 =	sshll.u32 s0, $0x6;
	s6 =	smul.u32 $0x1400, s5  }
0x8: {  	_ =	strace $0x80000047;
	s9 =	sshll.u32 s5, $0x7;
	s5 =	ssub.s32 $0x2, s5  }
0x9: {  	s18 =	sor.u32 $0x1C01, s18;
	s31 =	sshrl.u32 s5, $0x1;
	s10 =	sshrl.u32 s10, $0x2  }
0xa: {  	s4 =	sadd.s32 s6, s4;
	s6 =	sor.u32 s9, s30;
	s13 =	ssub.s32 s5, s31  }
0xb: {  	s5 =	sadd.s32 s10, s2;
	s4 =	sshrl.u32 s4, $0x3;
	s6 =	sshrl.u32 s6, $0x3  }
0xc: {  	s9 =	sadd.s32 $0x100, s5;
	s10 =	sadd.s32 $0x180, s5;
	s11 =	sadd.s32 $0x200, s5  }
0xd: {  	s13 =	smax.u32 s13, $0x1;
	s19 =	sshrl.u32 s5, $0x3;
	s8 =	sadd.s32 s4, s7  }
0xe: {  	s4 =	sadd.s32 $0x8E00, s7;
	s12 =	sadd.s32 s6, s7;
	s7 =	sadd.s32 $0x8E10, s7  }
0xf: {  	s6 =	sadd.s32 $0x3E00, s8;
	s8 =	sadd.s32 $0x80, s5;
	s12 =	sadd.s32 $0x9000, s12  }
.LBB2_1:
0x10: {  	[tilespmem:s3], [sflag:$0x1] =	stream.linear.gather [hbm4b:s6+s3], $0x1400, $0x38;
	[tilespmem:$0x1780] =	vst v63  }
0x11: {  	_ =	swait.ge [sflag:s14], $0x1400  }
0x12: {  	[sflag:s14] =	ssyncset.done $0x0  }
0x13: {  	[sflag:s14] =	ssyncadd.s32 $0xFFFFEC00  }
0x14: {  	[tilespmem:s15], [sflag:$0x1] =	stream.linear.gather [hbm4b:s4+s3], $0x80, $0x38;
	[tilespmem:$0x1780] =	vst v63  }
0x15: {  	_ =	swait.ge [sflag:s14], $0x80  }
0x16: {  	[sflag:s14] =	ssyncset.done $0x0  }
0x17: {  	[sflag:s14] =	ssyncadd.s32 $0xFFFFFF80  }
0x18: {  	[tilespmem:s16], [sflag:$0x1] =	stream.linear.gather [hbm4b:s7+s3], $0x80, $0x38;
	[tilespmem:$0x1780] =	vst v63  }
0x19: {  	_ =	swait.ge [sflag:s14], $0x80  }
0x1a: {  	[sflag:s14] =	ssyncset.done $0x0  }
0x1b: {  	[sflag:s14] =	ssyncadd.s32 $0xFFFFFF80  }
0x1c: {  	[spmem:s5] =	stream.linear.scatter [tilespmem:s15], [sflag:$0x1], $0x80, $0x38;
	[tilespmem:$0x1780] =	vst v63  }
0x1d: {  	_ =	swait.ge [sflag:s14], $0x80  }
0x1e: {  	[sflag:s14] =	ssyncset.done $0x0  }
0x1f: {  	[sflag:s14] =	ssyncadd.s32 $0xFFFFFF80  }
0x20: {  	[spmem:s8] =	stream.linear.scatter [tilespmem:s15], [sflag:$0x1], $0x80, $0x38;
	[tilespmem:$0x1780] =	vst v63  }
0x21: {  	_ =	swait.ge [sflag:s14], $0x80  }
0x22: {  	[sflag:s14] =	ssyncset.done $0x0  }
0x23: {  	[sflag:s14] =	ssyncadd.s32 $0xFFFFFF80  }
0x24: {  	[spmem:s9] =	stream.linear.scatter [tilespmem:s15], [sflag:$0x1], $0x80, $0x38;
	[tilespmem:$0x1780] =	vst v63  }
0x25: {  	_ =	swait.ge [sflag:s14], $0x80  }
0x26: {  	[sflag:s14] =	ssyncset.done $0x0  }
0x27: {  	[sflag:s14] =	ssyncadd.s32 $0xFFFFFF80  }
0x28: {  	[spmem:s10] =	stream.linear.scatter [tilespmem:s15], [sflag:$0x1], $0x80, $0x38;
	[tilespmem:$0x1780] =	vst v63  }
0x29: {  	_ =	swait.ge [sflag:s14], $0x80  }
0x2a: {  	[sflag:s14] =	ssyncset.done $0x0  }
0x2b: {  	[sflag:s14] =	ssyncadd.s32 $0xFFFFFF80  }
0x2c: {  	[spmem:s11] =	stream.linear.scatter [tilespmem:s15], [sflag:$0x1], $0x80, $0x38;
	[tilespmem:$0x1780] =	vst v63  }
0x2d: {  	_ =	swait.ge [sflag:s14], $0x80  }
0x2e: {  	[sflag:s14] =	ssyncset.done $0x0  }
0x2f: {  	[sflag:s14] =	ssyncadd.s32 $0xFFFFFF80  }
0x30: {  	s23 =	simm.s32 $0x0;
	[bflag:$0x0] =	sbarrier.arrive $0xFFFF  }
0x31: {  	[spmem:s2] =	stream.indirect.scatter.add.f32 [tilespmem:s16], [sflag:$0x1], $0x1, s23, s17, $0xb8;
	[tilespmem:$0x1780] =	vst v63  }
0x32: {  	_ =	swait.ge [sflag:s14], $0x80  }
0x33: {  	s23 =	simm.s32 $0x200;
	[sflag:s14] =	ssyncset.done $0x0  }
.LBB2_2:
0x34: {  	s24 =	sshra.s32 s23, $0x2;
	[sflag:s14] =	ssyncadd.s32 $0xFFFFFF80;
	p0 =	sne.s32 s23, $0x4E00  }
0x35: {  	[spmem:s2] =	stream.indirect.scatter.add.f32 [tilespmem:s16], [sflag:$0x1], $0x1, s24, s17, $0xb8;
	[tilespmem:$0x1780] =	vst v63  }
.Ltmp0:
0x36: {  	_ = 	snop;
	(pc) =	sbr.rel @p0 .LBB2_2-.Ltmp0, $4  }
0x37: {  	_ = 	snop  }
0x38: {  	s23 =	sadd.s32 $0x200, s23  }
0x39: {  	_ =	swait.ge [sflag:s14], $0x80  }
0x3a: {  	[sflag:s14] =	ssyncset.done $0x0  }
0x3b: {  	s22 =	sadd.s32 $0x1, s22  }
0x3c: {  	[sflag:s14] =	ssyncadd.s32 $0xFFFFFF80;
	p0 =	sne.s32 s22, s13  }
.Ltmp1:
0x3d: {  	[bflag:$0x0] =	sbarrier.arrive $0xFFFF;
	(pc) =	sbr.rel @p0 .LBB2_1-.Ltmp1, $4  }
0x3e: {  	[hbm:s12@s20], [sflag:s18] =	dma.strided [spmem:s19@s21], $0x50, s14, $0x10   }
0x3f: {  	_ =	swait.ge [sflag:s14], $0x50  }
0x40: {  	[sflag:s14] =	ssyncset.done $0x0  }
0x41: {  	[sflag:s14] =	ssyncadd.s32 $0xFFFFFFB0  }
0x42: {  	_ =	sfence.sel $0x180000  }
0x43: {  	[bflag:$0x0] =	sbarrier.arrive $0xFFFF  }
0x44: {  	p0 =	sne.s32 s0, $0x0;
	_ =	strace $0x90000047  }
0x45: {  	s0 =	sadd.s32 @!p0 $0x100000, s1;
	[bflag:$0x2] =	sbarrier.arrive $0xFFFF  }
0x46: {  	[sflag:s0] =	ssyncadd.tile.s32 @!p0 $0x1;
	_ =	shalt  }
.Lfunc_end2:
_tile_overlayer_lowered:
.L_overlay_start_2:
0x47: {  	(tag) =	ssettag $0x2  }
0x48: {  	s0 =	rddreg [dreg:$0x0];
	s2 =	stileid.u32  }
0x49: {  	s1 =	rddreg [dreg:$0x1];
	p0 =	sne.s32 s2, $0x0  }
0x4a: {  	s3 =	rddreg [dreg:$0x2];
	[bflag:$0x3] =	sbarrier.arrive $0xFFFF;
	s2 =	simm.s32 @!p0 $0x1C01  }
0x4b: {  	[timem:s3], [sflag:s2] =	dma.local @!p0 [hbm:s0], s1  }
0x4c: {  	s0 =	simm.s32 @!p0 $0x1  }
0x4d: {  	_ =	swait.ge @!p0 [sflag:s0], s1  }
0x4e: {  	s1 =	ssub.s32 @!p0 $0x0, s1;
	[sflag:s0] =	ssyncset.done @!p0 $0x0  }
0x4f: {  	[sflag:s0] =	ssyncadd.s32 @!p0 s1  }
0x50: {  	[bflag:$0x3] =	sbarrier.arrive $0xFFFF  }
0x51: {  	_ =	shalt  }

</sc_bundles>
